<compile_context>
chip_gen: v7x
topology: tpu7x:2x2x1
jax: 0.10.2.dev20260603
libtpu: 0.0.44.dev20260713+nightly
codegen_flags: <defaults>
</compile_context>

<pallas_src>
import jax
import jax.numpy as jnp
from jax import lax
from jax.experimental import pallas as pl
from jax.experimental.pallas import tpu as pltpu
from jax.experimental.pallas import tpu_sc as plsc

D = 64
SCALE = 8.0
NC, NS = 2, 16
NW = NC * NS
BATCH = 4096
TOK = 200
VIEW_ROWS = 500_000
CHUNK = 128
NT = TOK


def _body(ids_hbm, tbl_hbm, out_hbm, ids_v, x0, x1,
          g0, g1, o0, o1, gs0, gs1, os0, os1):
    idx2 = (x0, x1)
    gbuf = (g0, g1)
    obuf = (o0, o1)
    gsem = (gs0, gs1)
    osem = (os0, os1)
    c = lax.axis_index("c")
    s = lax.axis_index("s")
    w = c * NS + s
    col0 = w * CHUNK

    pltpu.sync_copy(ids_hbm.at[:, pl.ds(col0, CHUNK)], ids_v)

    def prep_gather(j, b):
        def grp(gi, carry):
            sl = pl.ds(gi * 16, 16)
            idx2[b][sl] = lax.shift_right_logical(ids_v[j, sl], 1)
            return carry
        lax.fori_loop(0, CHUNK // 16, grp, 0)
        pltpu.async_copy(tbl_hbm.at[idx2[b]], gbuf[b], gsem[b])

    def wait_gather(j, b):
        pltpu.make_async_copy(tbl_hbm.at[idx2[b]], gbuf[b], gsem[b]).wait()

    def start_out(j, b):
        pltpu.async_copy(obuf[b], out_hbm.at[j, :, pl.ds(col0, CHUNK)],
                         osem[b])

    def wait_out(j, b):
        pltpu.make_async_copy(obuf[b], out_hbm.at[j, :, pl.ds(col0, CHUNK)],
                              osem[b]).wait()

    iota = lax.iota(jnp.int32, 16)

    def transpose_scale(j, b):
        def grp(gi, carry):
            sl = pl.ds(gi * 16, 16)
            idsv = ids_v[j, sl]
            colbase = (idsv & 1) * D
            mv = jnp.where(idsv != 0, jnp.float32(SCALE), jnp.float32(0.0))
            rows = gi * 16 + iota
            for col in range(D):
                chan = (col + iota) & (D - 1)
                v = plsc.load_gather(gbuf[b], [rows, colbase + chan])
                plsc.store_scatter(obuf[b], [chan, rows], v * mv)
            return carry
        lax.fori_loop(0, CHUNK // 16, grp, 0)

    prep_gather(0, 0)

    def step(g, carry):
        for b in range(2):
            j = g * 2 + b

            @pl.when(j + 1 < NT)
            def _():
                prep_gather(j + 1, 1 - b)

            wait_gather(j, b)

            @pl.when(j >= 2)
            def _():
                wait_out(j - 2, b)

            transpose_scale(j, b)
            start_out(j, b)
        return carry

    lax.fori_loop(0, NT // 2, step, 0, unroll=False)
    wait_out(NT - 2, 0)
    wait_out(NT - 1, 1)


@jax.jit
def _run2(ids_t, tbl_view):
    mesh = plsc.VectorSubcoreMesh(core_axis_name="c", subcore_axis_name="s")
    f = pl.kernel(
        _body,
        out_type=jax.ShapeDtypeStruct((TOK, D, BATCH), jnp.float32),
        mesh=mesh,
        compiler_params=pltpu.CompilerParams(needs_layout_passes=False,
                                             use_tc_tiling_on_sc=True),
        scratch_types=(
            [pltpu.VMEM((NT, CHUNK), jnp.int32)]
            + [pltpu.VMEM((CHUNK,), jnp.int32)] * 2
            + [pltpu.VMEM((CHUNK, 2 * D), jnp.float32)] * 2
            + [pltpu.VMEM((D, CHUNK), jnp.float32)] * 2
            + [pltpu.SemaphoreType.DMA] * 4
        ),
    )
    return f(ids_t, tbl_view)


def kernel(input, lookup_table):
    ids_t = input.astype(jnp.int32).T
    tbl_view = lookup_table.reshape(VIEW_ROWS, 2 * D)
    out_p = _run2(ids_t, tbl_view)
    return out_p.transpose(2, 0, 1)

# --- scband reference (transcript-rebuilt; emitter-appended) ---
"""Pipeline reference for scband-token-embedding-43173011260209 (READ-ONLY COPY).

The authoritative reference and input builder live on the scoring server;
editing this copy changes nothing except your own understanding.
"""

import jax, jax.numpy as jnp
import numpy as np

VOCAB_SIZE = 1000000
EMBEDDING_DIM = 64
PAD_ID = 0

def setup_inputs(seed: int = 0) -> dict:
    key = jax.random.key(seed)
    k1, k2 = jax.random.split(key)
    input_ids = jax.random.randint(k1, (4096, 200), 0, VOCAB_SIZE, dtype=jnp.int64 if jax.config.jax_enable_x64 else jnp.int32)
    lookup_table = jax.random.normal(k2, (VOCAB_SIZE, EMBEDDING_DIM), dtype=jnp.float32) * (EMBEDDING_DIM ** -0.5)
    return {"input": input_ids, "lookup_table": lookup_table}

def reference(input, lookup_table):
    # mask: 1.0 where token != PAD_ID
    mask = jnp.not_equal(input, PAD_ID).astype(jnp.float32)
    # embedding lookup (gather)
    embedding = jnp.take(lookup_table, input, axis=0)
    embedding = embedding * mask[..., None]
    return embedding * (EMBEDDING_DIM ** 0.5)

if __name__ == "__main__":
    import jax
    _d = setup_inputs()
    print(jax.jit(kernel)(*tuple(_d.values())))

</pallas_src>

<mosaic_0001>
#map = affine_map<(d0, d1) -> (0, 0)>
#map1 = affine_map<(d0, d1) -> (0, 0, 0)>
module attributes {stable_mosaic.version = 14 : i64} {
  func.func @_body(%arg0: i32, %arg1: i32, %arg2: memref<200x4096xi32, #tpu.memory_space<hbm>>, %arg3: memref<500000x128xf32, #tpu.memory_space<hbm>>, %arg4: memref<200x64x4096xf32, #tpu.memory_space<hbm>>, %arg5: memref<200x128xi32, #tpu.memory_space<vmem>>, %arg6: memref<128xi32, #tpu.memory_space<vmem>>, %arg7: memref<128xi32, #tpu.memory_space<vmem>>, %arg8: memref<128x128xf32, #tpu.memory_space<vmem>>, %arg9: memref<128x128xf32, #tpu.memory_space<vmem>>, %arg10: memref<64x128xf32, #tpu.memory_space<vmem>>, %arg11: memref<64x128xf32, #tpu.memory_space<vmem>>, %arg12: memref<!tpu.dma_semaphore, #tpu.memory_space<semaphore_mem>>, %arg13: memref<!tpu.dma_semaphore, #tpu.memory_space<semaphore_mem>>, %arg14: memref<!tpu.dma_semaphore, #tpu.memory_space<semaphore_mem>>, %arg15: memref<!tpu.dma_semaphore, #tpu.memory_space<semaphore_mem>>) attributes {dimension_semantics = [#tpu.dimension_semantics<core_parallel>, #tpu.dimension_semantics<subcore_parallel>], iteration_bounds = array<i64: 2, 16>, scalar_prefetch = 0 : i64, scratch_operands = 11 : i64, tpu.core_type = #tpu.core_type<sc_vector_subcore>, window_params = [{transform_indices = #map}, {transform_indices = #map}, {transform_indices = #map1}]} {
    %mul3A = arith.constant 16 : i32
    %mul3A_0 = arith.muli %arg0, %mul3A : i32
    %add3A = arith.addi %mul3A_0, %arg1 : i32
    %mul3A_1 = arith.constant 128 : i32
    %mul3A_2 = arith.muli %add3A, %mul3A_1 : i32
    "tpu.region"() ({
      %run_scoped3A = tpu.sem_alloc : memref<!tpu.dma_semaphore, #tpu.memory_space<semaphore_mem>>
      %dma_start3A_29 = arith.constant 0 : i32
      %dma_start3A_30 = tpu.memref_slice %arg2[%dma_start3A_29, %mul3A_2] : memref<200x4096xi32, #tpu.memory_space<hbm>> -> memref<200x128xi32, #tpu.memory_space<hbm>>
      %dma_start3A_31 = arith.constant 0 : i32
      %dma_start3A_32 = tpu.memref_slice %arg2[%dma_start3A_31, %mul3A_2] : memref<200x4096xi32, #tpu.memory_space<hbm>> -> memref<200x128xi32, #tpu.memory_space<hbm>>
      tpu.enqueue_dma source(%dma_start3A_32 : memref<200x128xi32, #tpu.memory_space<hbm>>) target(%arg5 : memref<200x128xi32, #tpu.memory_space<vmem>>) target_semaphore(%run_scoped3A : memref<!tpu.dma_semaphore, #tpu.memory_space<semaphore_mem>>)
      %dma_wait3A_33 = arith.constant 0 : i32
      %dma_wait3A_34 = tpu.memref_slice %arg2[%dma_wait3A_33, %mul3A_2] : memref<200x4096xi32, #tpu.memory_space<hbm>> -> memref<200x128xi32, #tpu.memory_space<hbm>>
      %dma_wait3A_35 = arith.constant 0 : i32
      %dma_wait3A_36 = tpu.memref_slice %arg2[%dma_wait3A_35, %mul3A_2] : memref<200x4096xi32, #tpu.memory_space<hbm>> -> memref<200x128xi32, #tpu.memory_space<hbm>>
      tpu.wait_dma2 semaphore(%run_scoped3A : memref<!tpu.dma_semaphore, #tpu.memory_space<semaphore_mem>>) src(%dma_wait3A_36 : memref<200x128xi32, #tpu.memory_space<hbm>>) dst(%arg5 : memref<200x128xi32, #tpu.memory_space<vmem>>)
      tpu.yield
    }) : () -> ()
    %iota3A = tpu.iota {dimensions = array<i32: 0>} : vector<16xi32>
    %scan3A = arith.constant 0 : i32
    %scan3A_3 = arith.constant 0 : i32
    %scan3A_4 = arith.constant 8 : i32
    %scan3A_5 = arith.addi %scan3A_3, %scan3A_4 : i32
    %scan3A_6 = arith.constant 1 : i32
    scf.for %scan3A_29 = %scan3A_3 to %scan3A_5 step %scan3A_6  : i32 {
      %mul3A_30 = arith.constant 16 : i32
      %mul3A_31 = arith.muli %scan3A_29, %mul3A_30 : i32
      %get3A = arith.constant 0 : i32
      %get3A_32 = arith.index_cast %get3A : i32 to index
      %get3A_33 = arith.index_cast %mul3A_31 : i32 to index
      %get3A_34 = tpu.vector_load %arg5[%get3A_32, %get3A_33] {strides = array<i32>} : memref<200x128xi32, #tpu.memory_space<vmem>>, vector<16xi32>,
      %shift_right_logical3A = arith.constant 1 : i32
      %shift_right_logical3A_35 = vector.broadcast %shift_right_logical3A : i32 to vector<16xi32>
      %shift_right_logical3A_36 = arith.shrui %get3A_34, %shift_right_logical3A_35 : vector<16xi32>
      %swap3A = arith.index_cast %mul3A_31 : i32 to index
      %swap3A_37 = tpu.vector_load %arg6[%swap3A] {strides = array<i32>} : memref<128xi32, #tpu.memory_space<vmem>>, vector<16xi32>,
      tpu.vector_store %arg6[%swap3A], %shift_right_logical3A_36 {strides = array<i32>} : memref<128xi32, #tpu.memory_space<vmem>>, vector<16xi32>,
    }
    %scan3A_7 = arith.constant 8 : i32
    %dma_start3A = arith.constant 0 : i32
    %dma_start3A_8 = arith.constant 0 : i32
    %dma_start3A_9 = tpu.memref_slice %arg3[%dma_start3A, %dma_start3A_8] : memref<500000x128xf32, #tpu.memory_space<hbm>> -> memref<500000x128xf32, #tpu.memory_space<hbm>>
    tpu.enqueue_indirect_dma source(%dma_start3A_9 : memref<500000x128xf32, #tpu.memory_space<hbm>>) target(%arg8 : memref<128x128xf32, #tpu.memory_space<vmem>>) offsets(%arg6 : memref<128xi32, #tpu.memory_space<vmem>>) semaphore(%arg12 : memref<!tpu.dma_semaphore, #tpu.memory_space<semaphore_mem>>)
    %scan3A_10 = arith.constant 0 : i32
    %scan3A_11 = arith.constant 0 : i32
    %scan3A_12 = arith.constant 100 : i32
    %scan3A_13 = arith.addi %scan3A_11, %scan3A_12 : i32
    %scan3A_14 = arith.constant 1 : i32
    scf.for %scan3A_29 = %scan3A_11 to %scan3A_13 step %scan3A_14  : i32 {
      %mul3A_30 = arith.constant 2 : i32
      %mul3A_31 = arith.muli %scan3A_29, %mul3A_30 : i32
      %add3A_32 = arith.constant 0 : i32
      %add3A_33 = arith.addi %mul3A_31, %add3A_32 : i32
      %add3A_34 = arith.constant 1 : i32
      %add3A_35 = arith.addi %add3A_33, %add3A_34 : i32
      %lt3A = arith.constant 200 : i32
      %lt3A_36 = arith.cmpi slt, %add3A_35, %lt3A : i32
      %convert_element_type3A = arith.extui %lt3A_36 : i1 to i32
      %cond3A = arith.constant 0 : i32
      %cond3A_37 = arith.cmpi ne, %convert_element_type3A, %cond3A : i32
      scf.if %cond3A_37 {
        %add3A_88 = arith.constant 1 : i32
        %add3A_89 = arith.addi %add3A_33, %add3A_88 : i32
        %scan3A_90 = arith.constant 0 : i32
        %scan3A_91 = arith.constant 0 : i32
        %scan3A_92 = arith.constant 8 : i32
        %scan3A_93 = arith.addi %scan3A_91, %scan3A_92 : i32
        %scan3A_94 = arith.constant 1 : i32
        scf.for %scan3A_99 = %scan3A_91 to %scan3A_93 step %scan3A_94  : i32 {
          %mul3A_100 = arith.constant 16 : i32
          %mul3A_101 = arith.muli %scan3A_99, %mul3A_100 : i32
          %get3A = arith.index_cast %add3A_89 : i32 to index
          %get3A_102 = arith.index_cast %mul3A_101 : i32 to index
          %get3A_103 = tpu.vector_load %arg5[%get3A, %get3A_102] {strides = array<i32>} : memref<200x128xi32, #tpu.memory_space<vmem>>, vector<16xi32>,
          %shift_right_logical3A = arith.constant 1 : i32
          %shift_right_logical3A_104 = vector.broadcast %shift_right_logical3A : i32 to vector<16xi32>
          %shift_right_logical3A_105 = arith.shrui %get3A_103, %shift_right_logical3A_104 : vector<16xi32>
          %swap3A = arith.index_cast %mul3A_101 : i32 to index
          %swap3A_106 = tpu.vector_load %arg7[%swap3A] {strides = array<i32>} : memref<128xi32, #tpu.memory_space<vmem>>, vector<16xi32>,
          tpu.vector_store %arg7[%swap3A], %shift_right_logical3A_105 {strides = array<i32>} : memref<128xi32, #tpu.memory_space<vmem>>, vector<16xi32>,
        }
        %scan3A_95 = arith.constant 8 : i32
        %dma_start3A_96 = arith.constant 0 : i32
        %dma_start3A_97 = arith.constant 0 : i32
        %dma_start3A_98 = tpu.memref_slice %arg3[%dma_start3A_96, %dma_start3A_97] : memref<500000x128xf32, #tpu.memory_space<hbm>> -> memref<500000x128xf32, #tpu.memory_space<hbm>>
        tpu.enqueue_indirect_dma source(%dma_start3A_98 : memref<500000x128xf32, #tpu.memory_space<hbm>>) target(%arg9 : memref<128x128xf32, #tpu.memory_space<vmem>>) offsets(%arg7 : memref<128xi32, #tpu.memory_space<vmem>>) semaphore(%arg13 : memref<!tpu.dma_semaphore, #tpu.memory_space<semaphore_mem>>)
      } else {
      }
      %dma_wait3A_38 = arith.constant 0 : i32
      %dma_wait3A_39 = arith.constant 0 : i32
      %dma_wait3A_40 = tpu.memref_slice %arg3[%dma_wait3A_38, %dma_wait3A_39] : memref<500000x128xf32, #tpu.memory_space<hbm>> -> memref<500000x128xf32, #tpu.memory_space<hbm>>
      tpu.wait_indirect_dma semaphore(%arg12 : memref<!tpu.dma_semaphore, #tpu.memory_space<semaphore_mem>>) src(%dma_wait3A_40 : memref<500000x128xf32, #tpu.memory_space<hbm>>) dst(%arg8 : memref<128x128xf32, #tpu.memory_space<vmem>>)
      %ge3A = arith.constant 2 : i32
      %ge3A_41 = arith.cmpi sge, %add3A_33, %ge3A : i32
      %convert_element_type3A_42 = arith.extui %ge3A_41 : i1 to i32
      %cond3A_43 = arith.constant 0 : i32
      %cond3A_44 = arith.cmpi ne, %convert_element_type3A_42, %cond3A_43 : i32
      scf.if %cond3A_44 {
        %sub3A = arith.constant 2 : i32
        %sub3A_88 = arith.subi %add3A_33, %sub3A : i32
        %dma_wait3A_89 = arith.constant 0 : i32
        %dma_wait3A_90 = tpu.memref_slice %arg4[%sub3A_88, %dma_wait3A_89, %mul3A_2] : memref<200x64x4096xf32, #tpu.memory_space<hbm>> -> memref<1x64x128xf32, #tpu.memory_space<hbm>>
        %dma_wait3A_91 = tpu.memref_squeeze %dma_wait3A_90 : memref<1x64x128xf32, #tpu.memory_space<hbm>> -> memref<64x128xf32, #tpu.memory_space<hbm>>
        %dma_wait3A_92 = arith.constant 0 : i32
        %dma_wait3A_93 = tpu.memref_slice %arg4[%sub3A_88, %dma_wait3A_92, %mul3A_2] : memref<200x64x4096xf32, #tpu.memory_space<hbm>> -> memref<1x64x128xf32, #tpu.memory_space<hbm>>
        %dma_wait3A_94 = tpu.memref_squeeze %dma_wait3A_93 : memref<1x64x128xf32, #tpu.memory_space<hbm>> -> memref<64x128xf32, #tpu.memory_space<hbm>>
        tpu.wait_dma2 semaphore(%arg14 : memref<!tpu.dma_semaphore, #tpu.memory_space<semaphore_mem>>) src(%arg10 : memref<64x128xf32, #tpu.memory_space<vmem>>) dst(%dma_wait3A_94 : memref<64x128xf32, #tpu.memory_space<hbm>>)
      } else {
      }
      %scan3A_45 = arith.constant 0 : i32
      %scan3A_46 = arith.constant 0 : i32
      %scan3A_47 = arith.constant 8 : i32
      %scan3A_48 = arith.addi %scan3A_46, %scan3A_47 : i32
      %scan3A_49 = arith.constant 1 : i32
      scf.for %scan3A_88 = %scan3A_46 to %scan3A_48 step %scan3A_49  : i32 {
        %mul3A_89 = arith.constant 16 : i32
        %mul3A_90 = arith.muli %scan3A_88, %mul3A_89 : i32
        %get3A = arith.index_cast %add3A_33 : i32 to index
        %get3A_91 = arith.index_cast %mul3A_90 : i32 to index
        %get3A_92 = tpu.vector_load %arg5[%get3A, %get3A_91] {strides = array<i32>} : memref<200x128xi32, #tpu.memory_space<vmem>>, vector<16xi32>,
        %and3A = arith.constant 1 : i32
        %and3A_93 = vector.broadcast %and3A : i32 to vector<16xi32>
        %and3A_94 = arith.andi %get3A_92, %and3A_93 : vector<16xi32>
        %mul3A_95 = arith.constant 64 : i32
        %mul3A_96 = vector.broadcast %mul3A_95 : i32 to vector<16xi32>
        %mul3A_97 = arith.muli %and3A_94, %mul3A_96 : vector<16xi32>
        %ne3A = arith.constant 0 : i32
        %ne3A_98 = vector.broadcast %ne3A : i32 to vector<16xi32>
        %ne3A_99 = arith.cmpi ne, %get3A_92, %ne3A_98 : vector<16xi32>
        %jit3A = arith.constant 8.000000e+00 : f32
        %jit3A_100 = arith.constant 0.000000e+00 : f32
        %broadcast_in_dim3A = vector.broadcast %jit3A : f32 to vector<16xf32>
        %broadcast_in_dim3A_101 = vector.broadcast %jit3A_100 : f32 to vector<16xf32>
        %select_n3A = arith.select %ne3A_99, %broadcast_in_dim3A, %broadcast_in_dim3A_101 : vector<16xi1>, vector<16xf32>
        %mul3A_102 = arith.constant 16 : i32
        %mul3A_103 = arith.muli %scan3A_88, %mul3A_102 : i32
        %add3A_104 = vector.broadcast %mul3A_103 : i32 to vector<16xi32>
        %add3A_105 = arith.addi %add3A_104, %iota3A : vector<16xi32>
        %add3A_106 = arith.constant 0 : i32
        %add3A_107 = vector.broadcast %add3A_106 : i32 to vector<16xi32>
        %add3A_108 = arith.addi %add3A_107, %iota3A : vector<16xi32>
        %and3A_109 = arith.constant 63 : i32
        %and3A_110 = vector.broadcast %and3A_109 : i32 to vector<16xi32>
        %and3A_111 = arith.andi %add3A_108, %and3A_110 : vector<16xi32>
        %add3A_112 = arith.addi %mul3A_97, %and3A_111 : vector<16xi32>
        %gather3A = tpu.vector_load_idx %arg8[%add3A_105, %add3A_112] : memref<128x128xf32, #tpu.memory_space<vmem>>[vector<16xi32>, vector<16xi32>], vector<16xf32>,
        %mul3A_113 = arith.mulf %gather3A, %select_n3A : vector<16xf32>
        tpu.vector_store_idx %arg10[%and3A_111, %add3A_105], %mul3A_113 : memref<64x128xf32, #tpu.memory_space<vmem>>[vector<16xi32>, vector<16xi32>], vector<16xf32>,
        %add3A_114 = arith.constant 1 : i32
        %add3A_115 = vector.broadcast %add3A_114 : i32 to vector<16xi32>
        %add3A_116 = arith.addi %add3A_115, %iota3A : vector<16xi32>
        %and3A_117 = arith.constant 63 : i32
        %and3A_118 = vector.broadcast %and3A_117 : i32 to vector<16xi32>
        %and3A_119 = arith.andi %add3A_116, %and3A_118 : vector<16xi32>
        %add3A_120 = arith.addi %mul3A_97, %and3A_119 : vector<16xi32>
        %gather3A_121 = tpu.vector_load_idx %arg8[%add3A_105, %add3A_120] : memref<128x128xf32, #tpu.memory_space<vmem>>[vector<16xi32>, vector<16xi32>], vector<16xf32>,
        %mul3A_122 = arith.mulf %gather3A_121, %select_n3A : vector<16xf32>
        tpu.vector_store_idx %arg10[%and3A_119, %add3A_105], %mul3A_122 : memref<64x128xf32, #tpu.memory_space<vmem>>[vector<16xi32>, vector<16xi32>], vector<16xf32>,
        %add3A_123 = arith.constant 2 : i32
        %add3A_124 = vector.broadcast %add3A_123 : i32 to vector<16xi32>
        %add3A_125 = arith.addi %add3A_124, %iota3A : vector<16xi32>
        %and3A_126 = arith.constant 63 : i32
        %and3A_127 = vector.broadcast %and3A_126 : i32 to vector<16xi32>
        %and3A_128 = arith.andi %add3A_125, %and3A_127 : vector<16xi32>
        %add3A_129 = arith.addi %mul3A_97, %and3A_128 : vector<16xi32>
        %gather3A_130 = tpu.vector_load_idx %arg8[%add3A_105, %add3A_129] : memref<128x128xf32, #tpu.memory_space<vmem>>[vector<16xi32>, vector<16xi32>], vector<16xf32>,
        %mul3A_131 = arith.mulf %gather3A_130, %select_n3A : vector<16xf32>
        tpu.vector_store_idx %arg10[%and3A_128, %add3A_105], %mul3A_131 : memref<64x128xf32, #tpu.memory_space<vmem>>[vector<16xi32>, vector<16xi32>], vector<16xf32>,
        %add3A_132 = arith.constant 3 : i32
        %add3A_133 = vector.broadcast %add3A_132 : i32 to vector<16xi32>
        %add3A_134 = arith.addi %add3A_133, %iota3A : vector<16xi32>
        %and3A_135 = arith.constant 63 : i32
        %and3A_136 = vector.broadcast %and3A_135 : i32 to vector<16xi32>
        %and3A_137 = arith.andi %add3A_134, %and3A_136 : vector<16xi32>
        %add3A_138 = arith.addi %mul3A_97, %and3A_137 : vector<16xi32>
        %gather3A_139 = tpu.vector_load_idx %arg8[%add3A_105, %add3A_138] : memref<128x128xf32, #tpu.memory_space<vmem>>[vector<16xi32>, vector<16xi32>], vector<16xf32>,
        %mul3A_140 = arith.mulf %gather3A_139, %select_n3A : vector<16xf32>
        tpu.vector_store_idx %arg10[%and3A_137, %add3A_105], %mul3A_140 : memref<64x128xf32, #tpu.memory_space<vmem>>[vector<16xi32>, vector<16xi32>], vector<16xf32>,
        %add3A_141 = arith.constant 4 : i32
        %add3A_142 = vector.broadcast %add3A_141 : i32 to vector<16xi32>
        %add3A_143 = arith.addi %add3A_142, %iota3A : vector<16xi32>
        %and3A_144 = arith.constant 63 : i32
        %and3A_145 = vector.broadcast %and3A_144 : i32 to vector<16xi32>
        %and3A_146 = arith.andi %add3A_143, %and3A_145 : vector<16xi32>
        %add3A_147 = arith.addi %mul3A_97, %and3A_146 : vector<16xi32>
        %gather3A_148 = tpu.vector_load_idx %arg8[%add3A_105, %add3A_147] : memref<128x128xf32, #tpu.memory_space<vmem>>[vector<16xi32>, vector<16xi32>], vector<16xf32>,
        %mul3A_149 = arith.mulf %gather3A_148, %select_n3A : vector<16xf32>
        tpu.vector_store_idx %arg10[%and3A_146, %add3A_105], %mul3A_149 : memref<64x128xf32, #tpu.memory_space<vmem>>[vector<16xi32>, vector<16xi32>], vector<16xf32>,
        %add3A_150 = arith.constant 5 : i32
        %add3A_151 = vector.broadcast %add3A_150 : i32 to vector<16xi32>
        %add3A_152 = arith.addi %add3A_151, %iota3A : vector<16xi32>
        %and3A_153 = arith.constant 63 : i32
        %and3A_154 = vector.broadcast %and3A_153 : i32 to vector<16xi32>
        %and3A_155 = arith.andi %add3A_152, %and3A_154 : vector<16xi32>
        %add3A_156 = arith.addi %mul3A_97, %and3A_155 : vector<16xi32>
        %gather3A_157 = tpu.vector_load_idx %arg8[%add3A_105, %add3A_156] : memref<128x128xf32, #tpu.memory_space<vmem>>[vector<16xi32>, vector<16xi32>], vector<16xf32>,
        %mul3A_158 = arith.mulf %gather3A_157, %select_n3A : vector<16xf32>
        tpu.vector_store_idx %arg10[%and3A_155, %add3A_105], %mul3A_158 : memref<64x128xf32, #tpu.memory_space<vmem>>[vector<16xi32>, vector<16xi32>], vector<16xf32>,
        %add3A_159 = arith.constant 6 : i32
        %add3A_160 = vector.broadcast %add3A_159 : i32 to vector<16xi32>
        %add3A_161 = arith.addi %add3A_160, %iota3A : vector<16xi32>
        %and3A_162 = arith.constant 63 : i32
        %and3A_163 = vector.broadcast %and3A_162 : i32 to vector<16xi32>
        %and3A_164 = arith.andi %add3A_161, %and3A_163 : vector<16xi32>
        %add3A_165 = arith.addi %mul3A_97, %and3A_164 : vector<16xi32>
        %gather3A_166 = tpu.vector_load_idx %arg8[%add3A_105, %add3A_165] : memref<128x128xf32, #tpu.memory_space<vmem>>[vector<16xi32>, vector<16xi32>], vector<16xf32>,
        %mul3A_167 = arith.mulf %gather3A_166, %select_n3A : vector<16xf32>
        tpu.vector_store_idx %arg10[%and3A_164, %add3A_105], %mul3A_167 : memref<64x128xf32, #tpu.memory_space<vmem>>[vector<16xi32>, vector<16xi32>], vector<16xf32>,
        %add3A_168 = arith.constant 7 : i32
        %add3A_169 = vector.broadcast %add3A_168 : i32 to vector<16xi32>
        %add3A_170 = arith.addi %add3A_169, %iota3A : vector<16xi32>
        %and3A_171 = arith.constant 63 : i32
        %and3A_172 = vector.broadcast %and3A_171 : i32 to vector<16xi32>
        %and3A_173 = arith.andi %add3A_170, %and3A_172 : vector<16xi32>
        %add3A_174 = arith.addi %mul3A_97, %and3A_173 : vector<16xi32>
        %gather3A_175 = tpu.vector_load_idx %arg8[%add3A_105, %add3A_174] : memref<128x128xf32, #tpu.memory_space<vmem>>[vector<16xi32>, vector<16xi32>], vector<16xf32>,
        %mul3A_176 = arith.mulf %gather3A_175, %select_n3A : vector<16xf32>
        tpu.vector_store_idx %arg10[%and3A_173, %add3A_105], %mul3A_176 : memref<64x128xf32, #tpu.memory_space<vmem>>[vector<16xi32>, vector<16xi32>], vector<16xf32>,
        %add3A_177 = arith.constant 8 : i32
        %add3A_178 = vector.broadcast %add3A_177 : i32 to vector<16xi32>
        %add3A_179 = arith.addi %add3A_178, %iota3A : vector<16xi32>
        %and3A_180 = arith.constant 63 : i32
        %and3A_181 = vector.broadcast %and3A_180 : i32 to vector<16xi32>
        %and3A_182 = arith.andi %add3A_179, %and3A_181 : vector<16xi32>
        %add3A_183 = arith.addi %mul3A_97, %and3A_182 : vector<16xi32>
        %gather3A_184 = tpu.vector_load_idx %arg8[%add3A_105, %add3A_183] : memref<128x128xf32, #tpu.memory_space<vmem>>[vector<16xi32>, vector<16xi32>], vector<16xf32>,
        %mul3A_185 = arith.mulf %gather3A_184, %select_n3A : vector<16xf32>
        tpu.vector_store_idx %arg10[%and3A_182, %add3A_105], %mul3A_185 : memref<64x128xf32, #tpu.memory_space<vmem>>[vector<16xi32>, vector<16xi32>], vector<16xf32>,
        %add3A_186 = arith.constant 9 : i32
        %add3A_187 = vector.broadcast %add3A_186 : i32 to vector<16xi32>
        %add3A_188 = arith.addi %add3A_187, %iota3A : vector<16xi32>
        %and3A_189 = arith.constant 63 : i32
        %and3A_190 = vector.broadcast %and3A_189 : i32 to vector<16xi32>
        %and3A_191 = arith.andi %add3A_188, %and3A_190 : vector<16xi32>
        %add3A_192 = arith.addi %mul3A_97, %and3A_191 : vector<16xi32>
        %gather3A_193 = tpu.vector_load_idx %arg8[%add3A_105, %add3A_192] : memref<128x128xf32, #tpu.memory_space<vmem>>[vector<16xi32>, vector<16xi32>], vector<16xf32>,
        %mul3A_194 = arith.mulf %gather3A_193, %select_n3A : vector<16xf32>
        tpu.vector_store_idx %arg10[%and3A_191, %add3A_105], %mul3A_194 : memref<64x128xf32, #tpu.memory_space<vmem>>[vector<16xi32>, vector<16xi32>], vector<16xf32>,
        %add3A_195 = arith.constant 10 : i32
        %add3A_196 = vector.broadcast %add3A_195 : i32 to vector<16xi32>
        %add3A_197 = arith.addi %add3A_196, %iota3A : vector<16xi32>
        %and3A_198 = arith.constant 63 : i32
        %and3A_199 = vector.broadcast %and3A_198 : i32 to vector<16xi32>
        %and3A_200 = arith.andi %add3A_197, %and3A_199 : vector<16xi32>
        %add3A_201 = arith.addi %mul3A_97, %and3A_200 : vector<16xi32>
        %gather3A_202 = tpu.vector_load_idx %arg8[%add3A_105, %add3A_201] : memref<128x128xf32, #tpu.memory_space<vmem>>[vector<16xi32>, vector<16xi32>], vector<16xf32>,
        %mul3A_203 = arith.mulf %gather3A_202, %select_n3A : vector<16xf32>
        tpu.vector_store_idx %arg10[%and3A_200, %add3A_105], %mul3A_203 : memref<64x128xf32, #tpu.memory_space<vmem>>[vector<16xi32>, vector<16xi32>], vector<16xf32>,
        %add3A_204 = arith.constant 11 : i32
        %add3A_205 = vector.broadcast %add3A_204 : i32 to vector<16xi32>
        %add3A_206 = arith.addi %add3A_205, %iota3A : vector<16xi32>
        %and3A_207 = arith.constant 63 : i32
        %and3A_208 = vector.broadcast %and3A_207 : i32 to vector<16xi32>
        %and3A_209 = arith.andi %add3A_206, %and3A_208 : vector<16xi32>
        %add3A_210 = arith.addi %mul3A_97, %and3A_209 : vector<16xi32>
        %gather3A_211 = tpu.vector_load_idx %arg8[%add3A_105, %add3A_210] : memref<128x128xf32, #tpu.memory_space<vmem>>[vector<16xi32>, vector<16xi32>], vector<16xf32>,
        %mul3A_212 = arith.mulf %gather3A_211, %select_n3A : vector<16xf32>
        tpu.vector_store_idx %arg10[%and3A_209, %add3A_105], %mul3A_212 : memref<64x128xf32, #tpu.memory_space<vmem>>[vector<16xi32>, vector<16xi32>], vector<16xf32>,
        %add3A_213 = arith.constant 12 : i32
        %add3A_214 = vector.broadcast %add3A_213 : i32 to vector<16xi32>
        %add3A_215 = arith.addi %add3A_214, %iota3A : vector<16xi32>
        %and3A_216 = arith.constant 63 : i32
        %and3A_217 = vector.broadcast %and3A_216 : i32 to vector<16xi32>
        %and3A_218 = arith.andi %add3A_215, %and3A_217 : vector<16xi32>
        %add3A_219 = arith.addi %mul3A_97, %and3A_218 : vector<16xi32>
        %gather3A_220 = tpu.vector_load_idx %arg8[%add3A_105, %add3A_219] : memref<128x128xf32, #tpu.memory_space<vmem>>[vector<16xi32>, vector<16xi32>], vector<16xf32>,
        %mul3A_221 = arith.mulf %gather3A_220, %select_n3A : vector<16xf32>
        tpu.vector_store_idx %arg10[%and3A_218, %add3A_105], %mul3A_221 : memref<64x128xf32, #tpu.memory_space<vmem>>[vector<16xi32>, vector<16xi32>], vector<16xf32>,
        %add3A_222 = arith.constant 13 : i32
        %add3A_223 = vector.broadcast %add3A_222 : i32 to vector<16xi32>
        %add3A_224 = arith.addi %add3A_223, %iota3A : vector<16xi32>
        %and3A_225 = arith.constant 63 : i32
        %and3A_226 = vector.broadcast %and3A_225 : i32 to vector<16xi32>
        %and3A_227 = arith.andi %add3A_224, %and3A_226 : vector<16xi32>
        %add3A_228 = arith.addi %mul3A_97, %and3A_227 : vector<16xi32>
        %gather3A_229 = tpu.vector_load_idx %arg8[%add3A_105, %add3A_228] : memref<128x128xf32, #tpu.memory_space<vmem>>[vector<16xi32>, vector<16xi32>], vector<16xf32>,
        %mul3A_230 = arith.mulf %gather3A_229, %select_n3A : vector<16xf32>
        tpu.vector_store_idx %arg10[%and3A_227, %add3A_105], %mul3A_230 : memref<64x128xf32, #tpu.memory_space<vmem>>[vector<16xi32>, vector<16xi32>], vector<16xf32>,
        %add3A_231 = arith.constant 14 : i32
        %add3A_232 = vector.broadcast %add3A_231 : i32 to vector<16xi32>
        %add3A_233 = arith.addi %add3A_232, %iota3A : vector<16xi32>
        %and3A_234 = arith.constant 63 : i32
        %and3A_235 = vector.broadcast %and3A_234 : i32 to vector<16xi32>
        %and3A_236 = arith.andi %add3A_233, %and3A_235 : vector<16xi32>
        %add3A_237 = arith.addi %mul3A_97, %and3A_236 : vector<16xi32>
        %gather3A_238 = tpu.vector_load_idx %arg8[%add3A_105, %add3A_237] : memref<128x128xf32, #tpu.memory_space<vmem>>[vector<16xi32>, vector<16xi32>], vector<16xf32>,
        %mul3A_239 = arith.mulf %gather3A_238, %select_n3A : vector<16xf32>
        tpu.vector_store_idx %arg10[%and3A_236, %add3A_105], %mul3A_239 : memref<64x128xf32, #tpu.memory_space<vmem>>[vector<16xi32>, vector<16xi32>], vector<16xf32>,
        %add3A_240 = arith.constant 15 : i32
        %add3A_241 = vector.broadcast %add3A_240 : i32 to vector<16xi32>
        %add3A_242 = arith.addi %add3A_241, %iota3A : vector<16xi32>
        %and3A_243 = arith.constant 63 : i32
        %and3A_244 = vector.broadcast %and3A_243 : i32 to vector<16xi32>
        %and3A_245 = arith.andi %add3A_242, %and3A_244 : vector<16xi32>
        %add3A_246 = arith.addi %mul3A_97, %and3A_245 : vector<16xi32>
        %gather3A_247 = tpu.vector_load_idx %arg8[%add3A_105, %add3A_246] : memref<128x128xf32, #tpu.memory_space<vmem>>[vector<16xi32>, vector<16xi32>], vector<16xf32>,
        %mul3A_248 = arith.mulf %gather3A_247, %select_n3A : vector<16xf32>
        tpu.vector_store_idx %arg10[%and3A_245, %add3A_105], %mul3A_248 : memref<64x128xf32, #tpu.memory_space<vmem>>[vector<16xi32>, vector<16xi32>], vector<16xf32>,
        %add3A_249 = arith.constant 16 : i32
        %add3A_250 = vector.broadcast %add3A_249 : i32 to vector<16xi32>
        %add3A_251 = arith.addi %add3A_250, %iota3A : vector<16xi32>
        %and3A_252 = arith.constant 63 : i32
        %and3A_253 = vector.broadcast %and3A_252 : i32 to vector<16xi32>
        %and3A_254 = arith.andi %add3A_251, %and3A_253 : vector<16xi32>
        %add3A_255 = arith.addi %mul3A_97, %and3A_254 : vector<16xi32>
        %gather3A_256 = tpu.vector_load_idx %arg8[%add3A_105, %add3A_255] : memref<128x128xf32, #tpu.memory_space<vmem>>[vector<16xi32>, vector<16xi32>], vector<16xf32>,
        %mul3A_257 = arith.mulf %gather3A_256, %select_n3A : vector<16xf32>
        tpu.vector_store_idx %arg10[%and3A_254, %add3A_105], %mul3A_257 : memref<64x128xf32, #tpu.memory_space<vmem>>[vector<16xi32>, vector<16xi32>], vector<16xf32>,
        %add3A_258 = arith.constant 17 : i32
        %add3A_259 = vector.broadcast %add3A_258 : i32 to vector<16xi32>
        %add3A_260 = arith.addi %add3A_259, %iota3A : vector<16xi32>
        %and3A_261 = arith.constant 63 : i32
        %and3A_262 = vector.broadcast %and3A_261 : i32 to vector<16xi32>
        %and3A_263 = arith.andi %add3A_260, %and3A_262 : vector<16xi32>
        %add3A_264 = arith.addi %mul3A_97, %and3A_263 : vector<16xi32>
        %gather3A_265 = tpu.vector_load_idx %arg8[%add3A_105, %add3A_264] : memref<128x128xf32, #tpu.memory_space<vmem>>[vector<16xi32>, vector<16xi32>], vector<16xf32>,
        %mul3A_266 = arith.mulf %gather3A_265, %select_n3A : vector<16xf32>
        tpu.vector_store_idx %arg10[%and3A_263, %add3A_105], %mul3A_266 : memref<64x128xf32, #tpu.memory_space<vmem>>[vector<16xi32>, vector<16xi32>], vector<16xf32>,
        %add3A_267 = arith.constant 18 : i32
        %add3A_268 = vector.broadcast %add3A_267 : i32 to vector<16xi32>
        %add3A_269 = arith.addi %add3A_268, %iota3A : vector<16xi32>
        %and3A_270 = arith.constant 63 : i32
        %and3A_271 = vector.broadcast %and3A_270 : i32 to vector<16xi32>
        %and3A_272 = arith.andi %add3A_269, %and3A_271 : vector<16xi32>
        %add3A_273 = arith.addi %mul3A_97, %and3A_272 : vector<16xi32>
        %gather3A_274 = tpu.vector_load_idx %arg8[%add3A_105, %add3A_273] : memref<128x128xf32, #tpu.memory_space<vmem>>[vector<16xi32>, vector<16xi32>], vector<16xf32>,
        %mul3A_275 = arith.mulf %gather3A_274, %select_n3A : vector<16xf32>
        tpu.vector_store_idx %arg10[%and3A_272, %add3A_105], %mul3A_275 : memref<64x128xf32, #tpu.memory_space<vmem>>[vector<16xi32>, vector<16xi32>], vector<16xf32>,
        %add3A_276 = arith.constant 19 : i32
        %add3A_277 = vector.broadcast %add3A_276 : i32 to vector<16xi32>
        %add3A_278 = arith.addi %add3A_277, %iota3A : vector<16xi32>
        %and3A_279 = arith.constant 63 : i32
        %and3A_280 = vector.broadcast %and3A_279 : i32 to vector<16xi32>
        %and3A_281 = arith.andi %add3A_278, %and3A_280 : vector<16xi32>
        %add3A_282 = arith.addi %mul3A_97, %and3A_281 : vector<16xi32>
        %gather3A_283 = tpu.vector_load_idx %arg8[%add3A_105, %add3A_282] : memref<128x128xf32, #tpu.memory_space<vmem>>[vector<16xi32>, vector<16xi32>], vector<16xf32>,
        %mul3A_284 = arith.mulf %gather3A_283, %select_n3A : vector<16xf32>
        tpu.vector_store_idx %arg10[%and3A_281, %add3A_105], %mul3A_284 : memref<64x128xf32, #tpu.memory_space<vmem>>[vector<16xi32>, vector<16xi32>], vector<16xf32>,
        %add3A_285 = arith.constant 20 : i32
        %add3A_286 = vector.broadcast %add3A_285 : i32 to vector<16xi32>
        %add3A_287 = arith.addi %add3A_286, %iota3A : vector<16xi32>
        %and3A_288 = arith.constant 63 : i32
        %and3A_289 = vector.broadcast %and3A_288 : i32 to vector<16xi32>
        %and3A_290 = arith.andi %add3A_287, %and3A_289 : vector<16xi32>
        %add3A_291 = arith.addi %mul3A_97, %and3A_290 : vector<16xi32>
        %gather3A_292 = tpu.vector_load_idx %arg8[%add3A_105, %add3A_291] : memref<128x128xf32, #tpu.memory_space<vmem>>[vector<16xi32>, vector<16xi32>], vector<16xf32>,
        %mul3A_293 = arith.mulf %gather3A_292, %select_n3A : vector<16xf32>
        tpu.vector_store_idx %arg10[%and3A_290, %add3A_105], %mul3A_293 : memref<64x128xf32, #tpu.memory_space<vmem>>[vector<16xi32>, vector<16xi32>], vector<16xf32>,
        %add3A_294 = arith.constant 21 : i32
        %add3A_295 = vector.broadcast %add3A_294 : i32 to vector<16xi32>
        %add3A_296 = arith.addi %add3A_295, %iota3A : vector<16xi32>
        %and3A_297 = arith.constant 63 : i32
        %and3A_298 = vector.broadcast %and3A_297 : i32 to vector<16xi32>
        %and3A_299 = arith.andi %add3A_296, %and3A_298 : vector<16xi32>
        %add3A_300 = arith.addi %mul3A_97, %and3A_299 : vector<16xi32>
        %gather3A_301 = tpu.vector_load_idx %arg8[%add3A_105, %add3A_300] : memref<128x128xf32, #tpu.memory_space<vmem>>[vector<16xi32>, vector<16xi32>], vector<16xf32>,
        %mul3A_302 = arith.mulf %gather3A_301, %select_n3A : vector<16xf32>
        tpu.vector_store_idx %arg10[%and3A_299, %add3A_105], %mul3A_302 : memref<64x128xf32, #tpu.memory_space<vmem>>[vector<16xi32>, vector<16xi32>], vector<16xf32>,
        %add3A_303 = arith.constant 22 : i32
        %add3A_304 = vector.broadcast %add3A_303 : i32 to vector<16xi32>
        %add3A_305 = arith.addi %add3A_304, %iota3A : vector<16xi32>
        %and3A_306 = arith.constant 63 : i32
        %and3A_307 = vector.broadcast %and3A_306 : i32 to vector<16xi32>
        %and3A_308 = arith.andi %add3A_305, %and3A_307 : vector<16xi32>
        %add3A_309 = arith.addi %mul3A_97, %and3A_308 : vector<16xi32>
        %gather3A_310 = tpu.vector_load_idx %arg8[%add3A_105, %add3A_309] : memref<128x128xf32, #tpu.memory_space<vmem>>[vector<16xi32>, vector<16xi32>], vector<16xf32>,
        %mul3A_311 = arith.mulf %gather3A_310, %select_n3A : vector<16xf32>
        tpu.vector_store_idx %arg10[%and3A_308, %add3A_105], %mul3A_311 : memref<64x128xf32, #tpu.memory_space<vmem>>[vector<16xi32>, vector<16xi32>], vector<16xf32>,
        %add3A_312 = arith.constant 23 : i32
        %add3A_313 = vector.broadcast %add3A_312 : i32 to vector<16xi32>
        %add3A_314 = arith.addi %add3A_313, %iota3A : vector<16xi32>
        %and3A_315 = arith.constant 63 : i32
        %and3A_316 = vector.broadcast %and3A_315 : i32 to vector<16xi32>
        %and3A_317 = arith.andi %add3A_314, %and3A_316 : vector<16xi32>
        %add3A_318 = arith.addi %mul3A_97, %and3A_317 : vector<16xi32>
        %gather3A_319 = tpu.vector_load_idx %arg8[%add3A_105, %add3A_318] : memref<128x128xf32, #tpu.memory_space<vmem>>[vector<16xi32>, vector<16xi32>], vector<16xf32>,
        %mul3A_320 = arith.mulf %gather3A_319, %select_n3A : vector<16xf32>
        tpu.vector_store_idx %arg10[%and3A_317, %add3A_105], %mul3A_320 : memref<64x128xf32, #tpu.memory_space<vmem>>[vector<16xi32>, vector<16xi32>], vector<16xf32>,
        %add3A_321 = arith.constant 24 : i32
        %add3A_322 = vector.broadcast %add3A_321 : i32 to vector<16xi32>
        %add3A_323 = arith.addi %add3A_322, %iota3A : vector<16xi32>
        %and3A_324 = arith.constant 63 : i32
        %and3A_325 = vector.broadcast %and3A_324 : i32 to vector<16xi32>
        %and3A_326 = arith.andi %add3A_323, %and3A_325 : vector<16xi32>
        %add3A_327 = arith.addi %mul3A_97, %and3A_326 : vector<16xi32>
        %gather3A_328 = tpu.vector_load_idx %arg8[%add3A_105, %add3A_327] : memref<128x128xf32, #tpu.memory_space<vmem>>[vector<16xi32>, vector<16xi32>], vector<16xf32>,
        %mul3A_329 = arith.mulf %gather3A_328, %select_n3A : vector<16xf32>
        tpu.vector_store_idx %arg10[%and3A_326, %add3A_105], %mul3A_329 : memref<64x128xf32, #tpu.memory_space<vmem>>[vector<16xi32>, vector<16xi32>], vector<16xf32>,
        %add3A_330 = arith.constant 25 : i32
        %add3A_331 = vector.broadcast %add3A_330 : i32 to vector<16xi32>
        %add3A_332 = arith.addi %add3A_331, %iota3A : vector<16xi32>
        %and3A_333 = arith.constant 63 : i32
        %and3A_334 = vector.broadcast %and3A_333 : i32 to vector<16xi32>
        %and3A_335 = arith.andi %add3A_332, %and3A_334 : vector<16xi32>
        %add3A_336 = arith.addi %mul3A_97, %and3A_335 : vector<16xi32>
        %gather3A_337 = tpu.vector_load_idx %arg8[%add3A_105, %add3A_336] : memref<128x128xf32, #tpu.memory_space<vmem>>[vector<16xi32>, vector<16xi32>], vector<16xf32>,
        %mul3A_338 = arith.mulf %gather3A_337, %select_n3A : vector<16xf32>
        tpu.vector_store_idx %arg10[%and3A_335, %add3A_105], %mul3A_338 : memref<64x128xf32, #tpu.memory_space<vmem>>[vector<16xi32>, vector<16xi32>], vector<16xf32>,
        %add3A_339 = arith.constant 26 : i32
        %add3A_340 = vector.broadcast %add3A_339 : i32 to vector<16xi32>
        %add3A_341 = arith.addi %add3A_340, %iota3A : vector<16xi32>
        %and3A_342 = arith.constant 63 : i32
        %and3A_343 = vector.broadcast %and3A_342 : i32 to vector<16xi32>
        %and3A_344 = arith.andi %add3A_341, %and3A_343 : vector<16xi32>
        %add3A_345 = arith.addi %mul3A_97, %and3A_344 : vector<16xi32>
        %gather3A_346 = tpu.vector_load_idx %arg8[%add3A_105, %add3A_345] : memref<128x128xf32, #tpu.memory_space<vmem>>[vector<16xi32>, vector<16xi32>], vector<16xf32>,
        %mul3A_347 = arith.mulf %gather3A_346, %select_n3A : vector<16xf32>
        tpu.vector_store_idx %arg10[%and3A_344, %add3A_105], %mul3A_347 : memref<64x128xf32, #tpu.memory_space<vmem>>[vector<16xi32>, vector<16xi32>], vector<16xf32>,
        %add3A_348 = arith.constant 27 : i32
        %add3A_349 = vector.broadcast %add3A_348 : i32 to vector<16xi32>
        %add3A_350 = arith.addi %add3A_349, %iota3A : vector<16xi32>
        %and3A_351 = arith.constant 63 : i32
        %and3A_352 = vector.broadcast %and3A_351 : i32 to vector<16xi32>
        %and3A_353 = arith.andi %add3A_350, %and3A_352 : vector<16xi32>
        %add3A_354 = arith.addi %mul3A_97, %and3A_353 : vector<16xi32>
        %gather3A_355 = tpu.vector_load_idx %arg8[%add3A_105, %add3A_354] : memref<128x128xf32, #tpu.memory_space<vmem>>[vector<16xi32>, vector<16xi32>], vector<16xf32>,
        %mul3A_356 = arith.mulf %gather3A_355, %select_n3A : vector<16xf32>
        tpu.vector_store_idx %arg10[%and3A_353, %add3A_105], %mul3A_356 : memref<64x128xf32, #tpu.memory_space<vmem>>[vector<16xi32>, vector<16xi32>], vector<16xf32>,
        %add3A_357 = arith.constant 28 : i32
        %add3A_358 = vector.broadcast %add3A_357 : i32 to vector<16xi32>
        %add3A_359 = arith.addi %add3A_358, %iota3A : vector<16xi32>
        %and3A_360 = arith.constant 63 : i32
        %and3A_361 = vector.broadcast %and3A_360 : i32 to vector<16xi32>
        %and3A_362 = arith.andi %add3A_359, %and3A_361 : vector<16xi32>
        %add3A_363 = arith.addi %mul3A_97, %and3A_362 : vector<16xi32>
        %gather3A_364 = tpu.vector_load_idx %arg8[%add3A_105, %add3A_363] : memref<128x128xf32, #tpu.memory_space<vmem>>[vector<16xi32>, vector<16xi32>], vector<16xf32>,
        %mul3A_365 = arith.mulf %gather3A_364, %select_n3A : vector<16xf32>
        tpu.vector_store_idx %arg10[%and3A_362, %add3A_105], %mul3A_365 : memref<64x128xf32, #tpu.memory_space<vmem>>[vector<16xi32>, vector<16xi32>], vector<16xf32>,
        %add3A_366 = arith.constant 29 : i32
        %add3A_367 = vector.broadcast %add3A_366 : i32 to vector<16xi32>
        %add3A_368 = arith.addi %add3A_367, %iota3A : vector<16xi32>
        %and3A_369 = arith.constant 63 : i32
        %and3A_370 = vector.broadcast %and3A_369 : i32 to vector<16xi32>
        %and3A_371 = arith.andi %add3A_368, %and3A_370 : vector<16xi32>
        %add3A_372 = arith.addi %mul3A_97, %and3A_371 : vector<16xi32>
        %gather3A_373 = tpu.vector_load_idx %arg8[%add3A_105, %add3A_372] : memref<128x128xf32, #tpu.memory_space<vmem>>[vector<16xi32>, vector<16xi32>], vector<16xf32>,
        %mul3A_374 = arith.mulf %gather3A_373, %select_n3A : vector<16xf32>
        tpu.vector_store_idx %arg10[%and3A_371, %add3A_105], %mul3A_374 : memref<64x128xf32, #tpu.memory_space<vmem>>[vector<16xi32>, vector<16xi32>], vector<16xf32>,
        %add3A_375 = arith.constant 30 : i32
        %add3A_376 = vector.broadcast %add3A_375 : i32 to vector<16xi32>
        %add3A_377 = arith.addi %add3A_376, %iota3A : vector<16xi32>
        %and3A_378 = arith.constant 63 : i32
        %and3A_379 = vector.broadcast %and3A_378 : i32 to vector<16xi32>
        %and3A_380 = arith.andi %add3A_377, %and3A_379 : vector<16xi32>
        %add3A_381 = arith.addi %mul3A_97, %and3A_380 : vector<16xi32>
        %gather3A_382 = tpu.vector_load_idx %arg8[%add3A_105, %add3A_381] : memref<128x128xf32, #tpu.memory_space<vmem>>[vector<16xi32>, vector<16xi32>], vector<16xf32>,
        %mul3A_383 = arith.mulf %gather3A_382, %select_n3A : vector<16xf32>
        tpu.vector_store_idx %arg10[%and3A_380, %add3A_105], %mul3A_383 : memref<64x128xf32, #tpu.memory_space<vmem>>[vector<16xi32>, vector<16xi32>], vector<16xf32>,
        %add3A_384 = arith.constant 31 : i32
        %add3A_385 = vector.broadcast %add3A_384 : i32 to vector<16xi32>
        %add3A_386 = arith.addi %add3A_385, %iota3A : vector<16xi32>
        %and3A_387 = arith.constant 63 : i32
        %and3A_388 = vector.broadcast %and3A_387 : i32 to vector<16xi32>
        %and3A_389 = arith.andi %add3A_386, %and3A_388 : vector<16xi32>
        %add3A_390 = arith.addi %mul3A_97, %and3A_389 : vector<16xi32>
        %gather3A_391 = tpu.vector_load_idx %arg8[%add3A_105, %add3A_390] : memref<128x128xf32, #tpu.memory_space<vmem>>[vector<16xi32>, vector<16xi32>], vector<16xf32>,
        %mul3A_392 = arith.mulf %gather3A_391, %select_n3A : vector<16xf32>
        tpu.vector_store_idx %arg10[%and3A_389, %add3A_105], %mul3A_392 : memref<64x128xf32, #tpu.memory_space<vmem>>[vector<16xi32>, vector<16xi32>], vector<16xf32>,
        %add3A_393 = arith.constant 32 : i32
        %add3A_394 = vector.broadcast %add3A_393 : i32 to vector<16xi32>
        %add3A_395 = arith.addi %add3A_394, %iota3A : vector<16xi32>
        %and3A_396 = arith.constant 63 : i32
        %and3A_397 = vector.broadcast %and3A_396 : i32 to vector<16xi32>
        %and3A_398 = arith.andi %add3A_395, %and3A_397 : vector<16xi32>
        %add3A_399 = arith.addi %mul3A_97, %and3A_398 : vector<16xi32>
        %gather3A_400 = tpu.vector_load_idx %arg8[%add3A_105, %add3A_399] : memref<128x128xf32, #tpu.memory_space<vmem>>[vector<16xi32>, vector<16xi32>], vector<16xf32>,
        %mul3A_401 = arith.mulf %gather3A_400, %select_n3A : vector<16xf32>
        tpu.vector_store_idx %arg10[%and3A_398, %add3A_105], %mul3A_401 : memref<64x128xf32, #tpu.memory_space<vmem>>[vector<16xi32>, vector<16xi32>], vector<16xf32>,
        %add3A_402 = arith.constant 33 : i32
        %add3A_403 = vector.broadcast %add3A_402 : i32 to vector<16xi32>
        %add3A_404 = arith.addi %add3A_403, %iota3A : vector<16xi32>
        %and3A_405 = arith.constant 63 : i32
        %and3A_406 = vector.broadcast %and3A_405 : i32 to vector<16xi32>
        %and3A_407 = arith.andi %add3A_404, %and3A_406 : vector<16xi32>
        %add3A_408 = arith.addi %mul3A_97, %and3A_407 : vector<16xi32>
        %gather3A_409 = tpu.vector_load_idx %arg8[%add3A_105, %add3A_408] : memref<128x128xf32, #tpu.memory_space<vmem>>[vector<16xi32>, vector<16xi32>], vector<16xf32>,
        %mul3A_410 = arith.mulf %gather3A_409, %select_n3A : vector<16xf32>
        tpu.vector_store_idx %arg10[%and3A_407, %add3A_105], %mul3A_410 : memref<64x128xf32, #tpu.memory_space<vmem>>[vector<16xi32>, vector<16xi32>], vector<16xf32>,
        %add3A_411 = arith.constant 34 : i32
        %add3A_412 = vector.broadcast %add3A_411 : i32 to vector<16xi32>
        %add3A_413 = arith.addi %add3A_412, %iota3A : vector<16xi32>
        %and3A_414 = arith.constant 63 : i32
        %and3A_415 = vector.broadcast %and3A_414 : i32 to vector<16xi32>
        %and3A_416 = arith.andi %add3A_413, %and3A_415 : vector<16xi32>
        %add3A_417 = arith.addi %mul3A_97, %and3A_416 : vector<16xi32>
        %gather3A_418 = tpu.vector_load_idx %arg8[%add3A_105, %add3A_417] : memref<128x128xf32, #tpu.memory_space<vmem>>[vector<16xi32>, vector<16xi32>], vector<16xf32>,
        %mul3A_419 = arith.mulf %gather3A_418, %select_n3A : vector<16xf32>
        tpu.vector_store_idx %arg10[%and3A_416, %add3A_105], %mul3A_419 : memref<64x128xf32, #tpu.memory_space<vmem>>[vector<16xi32>, vector<16xi32>], vector<16xf32>,
        %add3A_420 = arith.constant 35 : i32
        %add3A_421 = vector.broadcast %add3A_420 : i32 to vector<16xi32>
        %add3A_422 = arith.addi %add3A_421, %iota3A : vector<16xi32>
        %and3A_423 = arith.constant 63 : i32
        %and3A_424 = vector.broadcast %and3A_423 : i32 to vector<16xi32>
        %and3A_425 = arith.andi %add3A_422, %and3A_424 : vector<16xi32>
        %add3A_426 = arith.addi %mul3A_97, %and3A_425 : vector<16xi32>
        %gather3A_427 = tpu.vector_load_idx %arg8[%add3A_105, %add3A_426] : memref<128x128xf32, #tpu.memory_space<vmem>>[vector<16xi32>, vector<16xi32>], vector<16xf32>,
        %mul3A_428 = arith.mulf %gather3A_427, %select_n3A : vector<16xf32>
        tpu.vector_store_idx %arg10[%and3A_425, %add3A_105], %mul3A_428 : memref<64x128xf32, #tpu.memory_space<vmem>>[vector<16xi32>, vector<16xi32>], vector<16xf32>,
        %add3A_429 = arith.constant 36 : i32
        %add3A_430 = vector.broadcast %add3A_429 : i32 to vector<16xi32>
        %add3A_431 = arith.addi %add3A_430, %iota3A : vector<16xi32>
        %and3A_432 = arith.constant 63 : i32
        %and3A_433 = vector.broadcast %and3A_432 : i32 to vector<16xi32>
        %and3A_434 = arith.andi %add3A_431, %and3A_433 : vector<16xi32>
        %add3A_435 = arith.addi %mul3A_97, %and3A_434 : vector<16xi32>
        %gather3A_436 = tpu.vector_load_idx %arg8[%add3A_105, %add3A_435] : memref<128x128xf32, #tpu.memory_space<vmem>>[vector<16xi32>, vector<16xi32>], vector<16xf32>,
        %mul3A_437 = arith.mulf %gather3A_436, %select_n3A : vector<16xf32>
        tpu.vector_store_idx %arg10[%and3A_434, %add3A_105], %mul3A_437 : memref<64x128xf32, #tpu.memory_space<vmem>>[vector<16xi32>, vector<16xi32>], vector<16xf32>,
        %add3A_438 = arith.constant 37 : i32
        %add3A_439 = vector.broadcast %add3A_438 : i32 to vector<16xi32>
        %add3A_440 = arith.addi %add3A_439, %iota3A : vector<16xi32>
        %and3A_441 = arith.constant 63 : i32
        %and3A_442 = vector.broadcast %and3A_441 : i32 to vector<16xi32>
        %and3A_443 = arith.andi %add3A_440, %and3A_442 : vector<16xi32>
        %add3A_444 = arith.addi %mul3A_97, %and3A_443 : vector<16xi32>
        %gather3A_445 = tpu.vector_load_idx %arg8[%add3A_105, %add3A_444] : memref<128x128xf32, #tpu.memory_space<vmem>>[vector<16xi32>, vector<16xi32>], vector<16xf32>,
        %mul3A_446 = arith.mulf %gather3A_445, %select_n3A : vector<16xf32>
        tpu.vector_store_idx %arg10[%and3A_443, %add3A_105], %mul3A_446 : memref<64x128xf32, #tpu.memory_space<vmem>>[vector<16xi32>, vector<16xi32>], vector<16xf32>,
        %add3A_447 = arith.constant 38 : i32
        %add3A_448 = vector.broadcast %add3A_447 : i32 to vector<16xi32>
        %add3A_449 = arith.addi %add3A_448, %iota3A : vector<16xi32>
        %and3A_450 = arith.constant 63 : i32
        %and3A_451 = vector.broadcast %and3A_450 : i32 to vector<16xi32>
        %and3A_452 = arith.andi %add3A_449, %and3A_451 : vector<16xi32>
        %add3A_453 = arith.addi %mul3A_97, %and3A_452 : vector<16xi32>
        %gather3A_454 = tpu.vector_load_idx %arg8[%add3A_105, %add3A_453] : memref<128x128xf32, #tpu.memory_space<vmem>>[vector<16xi32>, vector<16xi32>], vector<16xf32>,
        %mul3A_455 = arith.mulf %gather3A_454, %select_n3A : vector<16xf32>
        tpu.vector_store_idx %arg10[%and3A_452, %add3A_105], %mul3A_455 : memref<64x128xf32, #tpu.memory_space<vmem>>[vector<16xi32>, vector<16xi32>], vector<16xf32>,
        %add3A_456 = arith.constant 39 : i32
        %add3A_457 = vector.broadcast %add3A_456 : i32 to vector<16xi32>
        %add3A_458 = arith.addi %add3A_457, %iota3A : vector<16xi32>
        %and3A_459 = arith.constant 63 : i32
        %and3A_460 = vector.broadcast %and3A_459 : i32 to vector<16xi32>
        %and3A_461 = arith.andi %add3A_458, %and3A_460 : vector<16xi32>
        %add3A_462 = arith.addi %mul3A_97, %and3A_461 : vector<16xi32>
        %gather3A_463 = tpu.vector_load_idx %arg8[%add3A_105, %add3A_462] : memref<128x128xf32, #tpu.memory_space<vmem>>[vector<16xi32>, vector<16xi32>], vector<16xf32>,
        %mul3A_464 = arith.mulf %gather3A_463, %select_n3A : vector<16xf32>
        tpu.vector_store_idx %arg10[%and3A_461, %add3A_105], %mul3A_464 : memref<64x128xf32, #tpu.memory_space<vmem>>[vector<16xi32>, vector<16xi32>], vector<16xf32>,
        %add3A_465 = arith.constant 40 : i32
        %add3A_466 = vector.broadcast %add3A_465 : i32 to vector<16xi32>
        %add3A_467 = arith.addi %add3A_466, %iota3A : vector<16xi32>
        %and3A_468 = arith.constant 63 : i32
        %and3A_469 = vector.broadcast %and3A_468 : i32 to vector<16xi32>
        %and3A_470 = arith.andi %add3A_467, %and3A_469 : vector<16xi32>
        %add3A_471 = arith.addi %mul3A_97, %and3A_470 : vector<16xi32>
        %gather3A_472 = tpu.vector_load_idx %arg8[%add3A_105, %add3A_471] : memref<128x128xf32, #tpu.memory_space<vmem>>[vector<16xi32>, vector<16xi32>], vector<16xf32>,
        %mul3A_473 = arith.mulf %gather3A_472, %select_n3A : vector<16xf32>
        tpu.vector_store_idx %arg10[%and3A_470, %add3A_105], %mul3A_473 : memref<64x128xf32, #tpu.memory_space<vmem>>[vector<16xi32>, vector<16xi32>], vector<16xf32>,
        %add3A_474 = arith.constant 41 : i32
        %add3A_475 = vector.broadcast %add3A_474 : i32 to vector<16xi32>
        %add3A_476 = arith.addi %add3A_475, %iota3A : vector<16xi32>
        %and3A_477 = arith.constant 63 : i32
        %and3A_478 = vector.broadcast %and3A_477 : i32 to vector<16xi32>
        %and3A_479 = arith.andi %add3A_476, %and3A_478 : vector<16xi32>
        %add3A_480 = arith.addi %mul3A_97, %and3A_479 : vector<16xi32>
        %gather3A_481 = tpu.vector_load_idx %arg8[%add3A_105, %add3A_480] : memref<128x128xf32, #tpu.memory_space<vmem>>[vector<16xi32>, vector<16xi32>], vector<16xf32>,
        %mul3A_482 = arith.mulf %gather3A_481, %select_n3A : vector<16xf32>
        tpu.vector_store_idx %arg10[%and3A_479, %add3A_105], %mul3A_482 : memref<64x128xf32, #tpu.memory_space<vmem>>[vector<16xi32>, vector<16xi32>], vector<16xf32>,
        %add3A_483 = arith.constant 42 : i32
        %add3A_484 = vector.broadcast %add3A_483 : i32 to vector<16xi32>
        %add3A_485 = arith.addi %add3A_484, %iota3A : vector<16xi32>
        %and3A_486 = arith.constant 63 : i32
        %and3A_487 = vector.broadcast %and3A_486 : i32 to vector<16xi32>
        %and3A_488 = arith.andi %add3A_485, %and3A_487 : vector<16xi32>
        %add3A_489 = arith.addi %mul3A_97, %and3A_488 : vector<16xi32>
        %gather3A_490 = tpu.vector_load_idx %arg8[%add3A_105, %add3A_489] : memref<128x128xf32, #tpu.memory_space<vmem>>[vector<16xi32>, vector<16xi32>], vector<16xf32>,
        %mul3A_491 = arith.mulf %gather3A_490, %select_n3A : vector<16xf32>
        tpu.vector_store_idx %arg10[%and3A_488, %add3A_105], %mul3A_491 : memref<64x128xf32, #tpu.memory_space<vmem>>[vector<16xi32>, vector<16xi32>], vector<16xf32>,
        %add3A_492 = arith.constant 43 : i32
        %add3A_493 = vector.broadcast %add3A_492 : i32 to vector<16xi32>
        %add3A_494 = arith.addi %add3A_493, %iota3A : vector<16xi32>
        %and3A_495 = arith.constant 63 : i32
        %and3A_496 = vector.broadcast %and3A_495 : i32 to vector<16xi32>
        %and3A_497 = arith.andi %add3A_494, %and3A_496 : vector<16xi32>
        %add3A_498 = arith.addi %mul3A_97, %and3A_497 : vector<16xi32>
        %gather3A_499 = tpu.vector_load_idx %arg8[%add3A_105, %add3A_498] : memref<128x128xf32, #tpu.memory_space<vmem>>[vector<16xi32>, vector<16xi32>], vector<16xf32>,
        %mul3A_500 = arith.mulf %gather3A_499, %select_n3A : vector<16xf32>
        tpu.vector_store_idx %arg10[%and3A_497, %add3A_105], %mul3A_500 : memref<64x128xf32, #tpu.memory_space<vmem>>[vector<16xi32>, vector<16xi32>], vector<16xf32>,
        %add3A_501 = arith.constant 44 : i32
        %add3A_502 = vector.broadcast %add3A_501 : i32 to vector<16xi32>
        %add3A_503 = arith.addi %add3A_502, %iota3A : vector<16xi32>
        %and3A_504 = arith.constant 63 : i32
        %and3A_505 = vector.broadcast %and3A_504 : i32 to vector<16xi32>
        %and3A_506 = arith.andi %add3A_503, %and3A_505 : vector<16xi32>
        %add3A_507 = arith.addi %mul3A_97, %and3A_506 : vector<16xi32>
        %gather3A_508 = tpu.vector_load_idx %arg8[%add3A_105, %add3A_507] : memref<128x128xf32, #tpu.memory_space<vmem>>[vector<16xi32>, vector<16xi32>], vector<16xf32>,
        %mul3A_509 = arith.mulf %gather3A_508, %select_n3A : vector<16xf32>
        tpu.vector_store_idx %arg10[%and3A_506, %add3A_105], %mul3A_509 : memref<64x128xf32, #tpu.memory_space<vmem>>[vector<16xi32>, vector<16xi32>], vector<16xf32>,
        %add3A_510 = arith.constant 45 : i32
        %add3A_511 = vector.broadcast %add3A_510 : i32 to vector<16xi32>
        %add3A_512 = arith.addi %add3A_511, %iota3A : vector<16xi32>
        %and3A_513 = arith.constant 63 : i32
        %and3A_514 = vector.broadcast %and3A_513 : i32 to vector<16xi32>
        %and3A_515 = arith.andi %add3A_512, %and3A_514 : vector<16xi32>
        %add3A_516 = arith.addi %mul3A_97, %and3A_515 : vector<16xi32>
        %gather3A_517 = tpu.vector_load_idx %arg8[%add3A_105, %add3A_516] : memref<128x128xf32, #tpu.memory_space<vmem>>[vector<16xi32>, vector<16xi32>], vector<16xf32>,
        %mul3A_518 = arith.mulf %gather3A_517, %select_n3A : vector<16xf32>
        tpu.vector_store_idx %arg10[%and3A_515, %add3A_105], %mul3A_518 : memref<64x128xf32, #tpu.memory_space<vmem>>[vector<16xi32>, vector<16xi32>], vector<16xf32>,
        %add3A_519 = arith.constant 46 : i32
        %add3A_520 = vector.broadcast %add3A_519 : i32 to vector<16xi32>
        %add3A_521 = arith.addi %add3A_520, %iota3A : vector<16xi32>
        %and3A_522 = arith.constant 63 : i32
        %and3A_523 = vector.broadcast %and3A_522 : i32 to vector<16xi32>
        %and3A_524 = arith.andi %add3A_521, %and3A_523 : vector<16xi32>
        %add3A_525 = arith.addi %mul3A_97, %and3A_524 : vector<16xi32>
        %gather3A_526 = tpu.vector_load_idx %arg8[%add3A_105, %add3A_525] : memref<128x128xf32, #tpu.memory_space<vmem>>[vector<16xi32>, vector<16xi32>], vector<16xf32>,
        %mul3A_527 = arith.mulf %gather3A_526, %select_n3A : vector<16xf32>
        tpu.vector_store_idx %arg10[%and3A_524, %add3A_105], %mul3A_527 : memref<64x128xf32, #tpu.memory_space<vmem>>[vector<16xi32>, vector<16xi32>], vector<16xf32>,
        %add3A_528 = arith.constant 47 : i32
        %add3A_529 = vector.broadcast %add3A_528 : i32 to vector<16xi32>
        %add3A_530 = arith.addi %add3A_529, %iota3A : vector<16xi32>
        %and3A_531 = arith.constant 63 : i32
        %and3A_532 = vector.broadcast %and3A_531 : i32 to vector<16xi32>
        %and3A_533 = arith.andi %add3A_530, %and3A_532 : vector<16xi32>
        %add3A_534 = arith.addi %mul3A_97, %and3A_533 : vector<16xi32>
        %gather3A_535 = tpu.vector_load_idx %arg8[%add3A_105, %add3A_534] : memref<128x128xf32, #tpu.memory_space<vmem>>[vector<16xi32>, vector<16xi32>], vector<16xf32>,
        %mul3A_536 = arith.mulf %gather3A_535, %select_n3A : vector<16xf32>
        tpu.vector_store_idx %arg10[%and3A_533, %add3A_105], %mul3A_536 : memref<64x128xf32, #tpu.memory_space<vmem>>[vector<16xi32>, vector<16xi32>], vector<16xf32>,
        %add3A_537 = arith.constant 48 : i32
        %add3A_538 = vector.broadcast %add3A_537 : i32 to vector<16xi32>
        %add3A_539 = arith.addi %add3A_538, %iota3A : vector<16xi32>
        %and3A_540 = arith.constant 63 : i32
        %and3A_541 = vector.broadcast %and3A_540 : i32 to vector<16xi32>
        %and3A_542 = arith.andi %add3A_539, %and3A_541 : vector<16xi32>
        %add3A_543 = arith.addi %mul3A_97, %and3A_542 : vector<16xi32>
        %gather3A_544 = tpu.vector_load_idx %arg8[%add3A_105, %add3A_543] : memref<128x128xf32, #tpu.memory_space<vmem>>[vector<16xi32>, vector<16xi32>], vector<16xf32>,
        %mul3A_545 = arith.mulf %gather3A_544, %select_n3A : vector<16xf32>
        tpu.vector_store_idx %arg10[%and3A_542, %add3A_105], %mul3A_545 : memref<64x128xf32, #tpu.memory_space<vmem>>[vector<16xi32>, vector<16xi32>], vector<16xf32>,
        %add3A_546 = arith.constant 49 : i32
        %add3A_547 = vector.broadcast %add3A_546 : i32 to vector<16xi32>
        %add3A_548 = arith.addi %add3A_547, %iota3A : vector<16xi32>
        %and3A_549 = arith.constant 63 : i32
        %and3A_550 = vector.broadcast %and3A_549 : i32 to vector<16xi32>
        %and3A_551 = arith.andi %add3A_548, %and3A_550 : vector<16xi32>
        %add3A_552 = arith.addi %mul3A_97, %and3A_551 : vector<16xi32>
        %gather3A_553 = tpu.vector_load_idx %arg8[%add3A_105, %add3A_552] : memref<128x128xf32, #tpu.memory_space<vmem>>[vector<16xi32>, vector<16xi32>], vector<16xf32>,
        %mul3A_554 = arith.mulf %gather3A_553, %select_n3A : vector<16xf32>
        tpu.vector_store_idx %arg10[%and3A_551, %add3A_105], %mul3A_554 : memref<64x128xf32, #tpu.memory_space<vmem>>[vector<16xi32>, vector<16xi32>], vector<16xf32>,
        %add3A_555 = arith.constant 50 : i32
        %add3A_556 = vector.broadcast %add3A_555 : i32 to vector<16xi32>
        %add3A_557 = arith.addi %add3A_556, %iota3A : vector<16xi32>
        %and3A_558 = arith.constant 63 : i32
        %and3A_559 = vector.broadcast %and3A_558 : i32 to vector<16xi32>
        %and3A_560 = arith.andi %add3A_557, %and3A_559 : vector<16xi32>
        %add3A_561 = arith.addi %mul3A_97, %and3A_560 : vector<16xi32>
        %gather3A_562 = tpu.vector_load_idx %arg8[%add3A_105, %add3A_561] : memref<128x128xf32, #tpu.memory_space<vmem>>[vector<16xi32>, vector<16xi32>], vector<16xf32>,
        %mul3A_563 = arith.mulf %gather3A_562, %select_n3A : vector<16xf32>
        tpu.vector_store_idx %arg10[%and3A_560, %add3A_105], %mul3A_563 : memref<64x128xf32, #tpu.memory_space<vmem>>[vector<16xi32>, vector<16xi32>], vector<16xf32>,
        %add3A_564 = arith.constant 51 : i32
        %add3A_565 = vector.broadcast %add3A_564 : i32 to vector<16xi32>
        %add3A_566 = arith.addi %add3A_565, %iota3A : vector<16xi32>
        %and3A_567 = arith.constant 63 : i32
        %and3A_568 = vector.broadcast %and3A_567 : i32 to vector<16xi32>
        %and3A_569 = arith.andi %add3A_566, %and3A_568 : vector<16xi32>
        %add3A_570 = arith.addi %mul3A_97, %and3A_569 : vector<16xi32>
        %gather3A_571 = tpu.vector_load_idx %arg8[%add3A_105, %add3A_570] : memref<128x128xf32, #tpu.memory_space<vmem>>[vector<16xi32>, vector<16xi32>], vector<16xf32>,
        %mul3A_572 = arith.mulf %gather3A_571, %select_n3A : vector<16xf32>
        tpu.vector_store_idx %arg10[%and3A_569, %add3A_105], %mul3A_572 : memref<64x128xf32, #tpu.memory_space<vmem>>[vector<16xi32>, vector<16xi32>], vector<16xf32>,
        %add3A_573 = arith.constant 52 : i32
        %add3A_574 = vector.broadcast %add3A_573 : i32 to vector<16xi32>
        %add3A_575 = arith.addi %add3A_574, %iota3A : vector<16xi32>
        %and3A_576 = arith.constant 63 : i32
        %and3A_577 = vector.broadcast %and3A_576 : i32 to vector<16xi32>
        %and3A_578 = arith.andi %add3A_575, %and3A_577 : vector<16xi32>
        %add3A_579 = arith.addi %mul3A_97, %and3A_578 : vector<16xi32>
        %gather3A_580 = tpu.vector_load_idx %arg8[%add3A_105, %add3A_579] : memref<128x128xf32, #tpu.memory_space<vmem>>[vector<16xi32>, vector<16xi32>], vector<16xf32>,
        %mul3A_581 = arith.mulf %gather3A_580, %select_n3A : vector<16xf32>
        tpu.vector_store_idx %arg10[%and3A_578, %add3A_105], %mul3A_581 : memref<64x128xf32, #tpu.memory_space<vmem>>[vector<16xi32>, vector<16xi32>], vector<16xf32>,
        %add3A_582 = arith.constant 53 : i32
        %add3A_583 = vector.broadcast %add3A_582 : i32 to vector<16xi32>
        %add3A_584 = arith.addi %add3A_583, %iota3A : vector<16xi32>
        %and3A_585 = arith.constant 63 : i32
        %and3A_586 = vector.broadcast %and3A_585 : i32 to vector<16xi32>
        %and3A_587 = arith.andi %add3A_584, %and3A_586 : vector<16xi32>
        %add3A_588 = arith.addi %mul3A_97, %and3A_587 : vector<16xi32>
        %gather3A_589 = tpu.vector_load_idx %arg8[%add3A_105, %add3A_588] : memref<128x128xf32, #tpu.memory_space<vmem>>[vector<16xi32>, vector<16xi32>], vector<16xf32>,
        %mul3A_590 = arith.mulf %gather3A_589, %select_n3A : vector<16xf32>
        tpu.vector_store_idx %arg10[%and3A_587, %add3A_105], %mul3A_590 : memref<64x128xf32, #tpu.memory_space<vmem>>[vector<16xi32>, vector<16xi32>], vector<16xf32>,
        %add3A_591 = arith.constant 54 : i32
        %add3A_592 = vector.broadcast %add3A_591 : i32 to vector<16xi32>
        %add3A_593 = arith.addi %add3A_592, %iota3A : vector<16xi32>
        %and3A_594 = arith.constant 63 : i32
        %and3A_595 = vector.broadcast %and3A_594 : i32 to vector<16xi32>
        %and3A_596 = arith.andi %add3A_593, %and3A_595 : vector<16xi32>
        %add3A_597 = arith.addi %mul3A_97, %and3A_596 : vector<16xi32>
        %gather3A_598 = tpu.vector_load_idx %arg8[%add3A_105, %add3A_597] : memref<128x128xf32, #tpu.memory_space<vmem>>[vector<16xi32>, vector<16xi32>], vector<16xf32>,
        %mul3A_599 = arith.mulf %gather3A_598, %select_n3A : vector<16xf32>
        tpu.vector_store_idx %arg10[%and3A_596, %add3A_105], %mul3A_599 : memref<64x128xf32, #tpu.memory_space<vmem>>[vector<16xi32>, vector<16xi32>], vector<16xf32>,
        %add3A_600 = arith.constant 55 : i32
        %add3A_601 = vector.broadcast %add3A_600 : i32 to vector<16xi32>
        %add3A_602 = arith.addi %add3A_601, %iota3A : vector<16xi32>
        %and3A_603 = arith.constant 63 : i32
        %and3A_604 = vector.broadcast %and3A_603 : i32 to vector<16xi32>
        %and3A_605 = arith.andi %add3A_602, %and3A_604 : vector<16xi32>
        %add3A_606 = arith.addi %mul3A_97, %and3A_605 : vector<16xi32>
        %gather3A_607 = tpu.vector_load_idx %arg8[%add3A_105, %add3A_606] : memref<128x128xf32, #tpu.memory_space<vmem>>[vector<16xi32>, vector<16xi32>], vector<16xf32>,
        %mul3A_608 = arith.mulf %gather3A_607, %select_n3A : vector<16xf32>
        tpu.vector_store_idx %arg10[%and3A_605, %add3A_105], %mul3A_608 : memref<64x128xf32, #tpu.memory_space<vmem>>[vector<16xi32>, vector<16xi32>], vector<16xf32>,
        %add3A_609 = arith.constant 56 : i32
        %add3A_610 = vector.broadcast %add3A_609 : i32 to vector<16xi32>
        %add3A_611 = arith.addi %add3A_610, %iota3A : vector<16xi32>
        %and3A_612 = arith.constant 63 : i32
        %and3A_613 = vector.broadcast %and3A_612 : i32 to vector<16xi32>
        %and3A_614 = arith.andi %add3A_611, %and3A_613 : vector<16xi32>
        %add3A_615 = arith.addi %mul3A_97, %and3A_614 : vector<16xi32>
        %gather3A_616 = tpu.vector_load_idx %arg8[%add3A_105, %add3A_615] : memref<128x128xf32, #tpu.memory_space<vmem>>[vector<16xi32>, vector<16xi32>], vector<16xf32>,
        %mul3A_617 = arith.mulf %gather3A_616, %select_n3A : vector<16xf32>
        tpu.vector_store_idx %arg10[%and3A_614, %add3A_105], %mul3A_617 : memref<64x128xf32, #tpu.memory_space<vmem>>[vector<16xi32>, vector<16xi32>], vector<16xf32>,
        %add3A_618 = arith.constant 57 : i32
        %add3A_619 = vector.broadcast %add3A_618 : i32 to vector<16xi32>
        %add3A_620 = arith.addi %add3A_619, %iota3A : vector<16xi32>
        %and3A_621 = arith.constant 63 : i32
        %and3A_622 = vector.broadcast %and3A_621 : i32 to vector<16xi32>
        %and3A_623 = arith.andi %add3A_620, %and3A_622 : vector<16xi32>
        %add3A_624 = arith.addi %mul3A_97, %and3A_623 : vector<16xi32>
        %gather3A_625 = tpu.vector_load_idx %arg8[%add3A_105, %add3A_624] : memref<128x128xf32, #tpu.memory_space<vmem>>[vector<16xi32>, vector<16xi32>], vector<16xf32>,
        %mul3A_626 = arith.mulf %gather3A_625, %select_n3A : vector<16xf32>
        tpu.vector_store_idx %arg10[%and3A_623, %add3A_105], %mul3A_626 : memref<64x128xf32, #tpu.memory_space<vmem>>[vector<16xi32>, vector<16xi32>], vector<16xf32>,
        %add3A_627 = arith.constant 58 : i32
        %add3A_628 = vector.broadcast %add3A_627 : i32 to vector<16xi32>
        %add3A_629 = arith.addi %add3A_628, %iota3A : vector<16xi32>
        %and3A_630 = arith.constant 63 : i32
        %and3A_631 = vector.broadcast %and3A_630 : i32 to vector<16xi32>
        %and3A_632 = arith.andi %add3A_629, %and3A_631 : vector<16xi32>
        %add3A_633 = arith.addi %mul3A_97, %and3A_632 : vector<16xi32>
        %gather3A_634 = tpu.vector_load_idx %arg8[%add3A_105, %add3A_633] : memref<128x128xf32, #tpu.memory_space<vmem>>[vector<16xi32>, vector<16xi32>], vector<16xf32>,
        %mul3A_635 = arith.mulf %gather3A_634, %select_n3A : vector<16xf32>
        tpu.vector_store_idx %arg10[%and3A_632, %add3A_105], %mul3A_635 : memref<64x128xf32, #tpu.memory_space<vmem>>[vector<16xi32>, vector<16xi32>], vector<16xf32>,
        %add3A_636 = arith.constant 59 : i32
        %add3A_637 = vector.broadcast %add3A_636 : i32 to vector<16xi32>
        %add3A_638 = arith.addi %add3A_637, %iota3A : vector<16xi32>
        %and3A_639 = arith.constant 63 : i32
        %and3A_640 = vector.broadcast %and3A_639 : i32 to vector<16xi32>
        %and3A_641 = arith.andi %add3A_638, %and3A_640 : vector<16xi32>
        %add3A_642 = arith.addi %mul3A_97, %and3A_641 : vector<16xi32>
        %gather3A_643 = tpu.vector_load_idx %arg8[%add3A_105, %add3A_642] : memref<128x128xf32, #tpu.memory_space<vmem>>[vector<16xi32>, vector<16xi32>], vector<16xf32>,
        %mul3A_644 = arith.mulf %gather3A_643, %select_n3A : vector<16xf32>
        tpu.vector_store_idx %arg10[%and3A_641, %add3A_105], %mul3A_644 : memref<64x128xf32, #tpu.memory_space<vmem>>[vector<16xi32>, vector<16xi32>], vector<16xf32>,
        %add3A_645 = arith.constant 60 : i32
        %add3A_646 = vector.broadcast %add3A_645 : i32 to vector<16xi32>
        %add3A_647 = arith.addi %add3A_646, %iota3A : vector<16xi32>
        %and3A_648 = arith.constant 63 : i32
        %and3A_649 = vector.broadcast %and3A_648 : i32 to vector<16xi32>
        %and3A_650 = arith.andi %add3A_647, %and3A_649 : vector<16xi32>
        %add3A_651 = arith.addi %mul3A_97, %and3A_650 : vector<16xi32>
        %gather3A_652 = tpu.vector_load_idx %arg8[%add3A_105, %add3A_651] : memref<128x128xf32, #tpu.memory_space<vmem>>[vector<16xi32>, vector<16xi32>], vector<16xf32>,
        %mul3A_653 = arith.mulf %gather3A_652, %select_n3A : vector<16xf32>
        tpu.vector_store_idx %arg10[%and3A_650, %add3A_105], %mul3A_653 : memref<64x128xf32, #tpu.memory_space<vmem>>[vector<16xi32>, vector<16xi32>], vector<16xf32>,
        %add3A_654 = arith.constant 61 : i32
        %add3A_655 = vector.broadcast %add3A_654 : i32 to vector<16xi32>
        %add3A_656 = arith.addi %add3A_655, %iota3A : vector<16xi32>
        %and3A_657 = arith.constant 63 : i32
        %and3A_658 = vector.broadcast %and3A_657 : i32 to vector<16xi32>
        %and3A_659 = arith.andi %add3A_656, %and3A_658 : vector<16xi32>
        %add3A_660 = arith.addi %mul3A_97, %and3A_659 : vector<16xi32>
        %gather3A_661 = tpu.vector_load_idx %arg8[%add3A_105, %add3A_660] : memref<128x128xf32, #tpu.memory_space<vmem>>[vector<16xi32>, vector<16xi32>], vector<16xf32>,
        %mul3A_662 = arith.mulf %gather3A_661, %select_n3A : vector<16xf32>
        tpu.vector_store_idx %arg10[%and3A_659, %add3A_105], %mul3A_662 : memref<64x128xf32, #tpu.memory_space<vmem>>[vector<16xi32>, vector<16xi32>], vector<16xf32>,
        %add3A_663 = arith.constant 62 : i32
        %add3A_664 = vector.broadcast %add3A_663 : i32 to vector<16xi32>
        %add3A_665 = arith.addi %add3A_664, %iota3A : vector<16xi32>
        %and3A_666 = arith.constant 63 : i32
        %and3A_667 = vector.broadcast %and3A_666 : i32 to vector<16xi32>
        %and3A_668 = arith.andi %add3A_665, %and3A_667 : vector<16xi32>
        %add3A_669 = arith.addi %mul3A_97, %and3A_668 : vector<16xi32>
        %gather3A_670 = tpu.vector_load_idx %arg8[%add3A_105, %add3A_669] : memref<128x128xf32, #tpu.memory_space<vmem>>[vector<16xi32>, vector<16xi32>], vector<16xf32>,
        %mul3A_671 = arith.mulf %gather3A_670, %select_n3A : vector<16xf32>
        tpu.vector_store_idx %arg10[%and3A_668, %add3A_105], %mul3A_671 : memref<64x128xf32, #tpu.memory_space<vmem>>[vector<16xi32>, vector<16xi32>], vector<16xf32>,
        %add3A_672 = arith.constant 63 : i32
        %add3A_673 = vector.broadcast %add3A_672 : i32 to vector<16xi32>
        %add3A_674 = arith.addi %add3A_673, %iota3A : vector<16xi32>
        %and3A_675 = arith.constant 63 : i32
        %and3A_676 = vector.broadcast %and3A_675 : i32 to vector<16xi32>
        %and3A_677 = arith.andi %add3A_674, %and3A_676 : vector<16xi32>
        %add3A_678 = arith.addi %mul3A_97, %and3A_677 : vector<16xi32>
        %gather3A_679 = tpu.vector_load_idx %arg8[%add3A_105, %add3A_678] : memref<128x128xf32, #tpu.memory_space<vmem>>[vector<16xi32>, vector<16xi32>], vector<16xf32>,
        %mul3A_680 = arith.mulf %gather3A_679, %select_n3A : vector<16xf32>
        tpu.vector_store_idx %arg10[%and3A_677, %add3A_105], %mul3A_680 : memref<64x128xf32, #tpu.memory_space<vmem>>[vector<16xi32>, vector<16xi32>], vector<16xf32>,
      }
      %scan3A_50 = arith.constant 8 : i32
      %dma_start3A_51 = arith.constant 0 : i32
      %dma_start3A_52 = tpu.memref_slice %arg4[%add3A_33, %dma_start3A_51, %mul3A_2] : memref<200x64x4096xf32, #tpu.memory_space<hbm>> -> memref<1x64x128xf32, #tpu.memory_space<hbm>>
      %dma_start3A_53 = tpu.memref_squeeze %dma_start3A_52 : memref<1x64x128xf32, #tpu.memory_space<hbm>> -> memref<64x128xf32, #tpu.memory_space<hbm>>
      %dma_start3A_54 = arith.constant 0 : i32
      %dma_start3A_55 = tpu.memref_slice %arg4[%add3A_33, %dma_start3A_54, %mul3A_2] : memref<200x64x4096xf32, #tpu.memory_space<hbm>> -> memref<1x64x128xf32, #tpu.memory_space<hbm>>
      %dma_start3A_56 = tpu.memref_squeeze %dma_start3A_55 : memref<1x64x128xf32, #tpu.memory_space<hbm>> -> memref<64x128xf32, #tpu.memory_space<hbm>>
      tpu.enqueue_dma source(%arg10 : memref<64x128xf32, #tpu.memory_space<vmem>>) target(%dma_start3A_56 : memref<64x128xf32, #tpu.memory_space<hbm>>) target_semaphore(%arg14 : memref<!tpu.dma_semaphore, #tpu.memory_space<semaphore_mem>>)
      %mul3A_57 = arith.constant 2 : i32
      %mul3A_58 = arith.muli %scan3A_29, %mul3A_57 : i32
      %add3A_59 = arith.constant 1 : i32
      %add3A_60 = arith.addi %mul3A_58, %add3A_59 : i32
      %add3A_61 = arith.constant 1 : i32
      %add3A_62 = arith.addi %add3A_60, %add3A_61 : i32
      %lt3A_63 = arith.constant 200 : i32
      %lt3A_64 = arith.cmpi slt, %add3A_62, %lt3A_63 : i32
      %convert_element_type3A_65 = arith.extui %lt3A_64 : i1 to i32
      %cond3A_66 = arith.constant 0 : i32
      %cond3A_67 = arith.cmpi ne, %convert_element_type3A_65, %cond3A_66 : i32
      scf.if %cond3A_67 {
        %add3A_88 = arith.constant 1 : i32
        %add3A_89 = arith.addi %add3A_60, %add3A_88 : i32
        %scan3A_90 = arith.constant 0 : i32
        %scan3A_91 = arith.constant 0 : i32
        %scan3A_92 = arith.constant 8 : i32
        %scan3A_93 = arith.addi %scan3A_91, %scan3A_92 : i32
        %scan3A_94 = arith.constant 1 : i32
        scf.for %scan3A_99 = %scan3A_91 to %scan3A_93 step %scan3A_94  : i32 {
          %mul3A_100 = arith.constant 16 : i32
          %mul3A_101 = arith.muli %scan3A_99, %mul3A_100 : i32
          %get3A = arith.index_cast %add3A_89 : i32 to index
          %get3A_102 = arith.index_cast %mul3A_101 : i32 to index
          %get3A_103 = tpu.vector_load %arg5[%get3A, %get3A_102] {strides = array<i32>} : memref<200x128xi32, #tpu.memory_space<vmem>>, vector<16xi32>,
          %shift_right_logical3A = arith.constant 1 : i32
          %shift_right_logical3A_104 = vector.broadcast %shift_right_logical3A : i32 to vector<16xi32>
          %shift_right_logical3A_105 = arith.shrui %get3A_103, %shift_right_logical3A_104 : vector<16xi32>
          %swap3A = arith.index_cast %mul3A_101 : i32 to index
          %swap3A_106 = tpu.vector_load %arg6[%swap3A] {strides = array<i32>} : memref<128xi32, #tpu.memory_space<vmem>>, vector<16xi32>,
          tpu.vector_store %arg6[%swap3A], %shift_right_logical3A_105 {strides = array<i32>} : memref<128xi32, #tpu.memory_space<vmem>>, vector<16xi32>,
        }
        %scan3A_95 = arith.constant 8 : i32
        %dma_start3A_96 = arith.constant 0 : i32
        %dma_start3A_97 = arith.constant 0 : i32
        %dma_start3A_98 = tpu.memref_slice %arg3[%dma_start3A_96, %dma_start3A_97] : memref<500000x128xf32, #tpu.memory_space<hbm>> -> memref<500000x128xf32, #tpu.memory_space<hbm>>
        tpu.enqueue_indirect_dma source(%dma_start3A_98 : memref<500000x128xf32, #tpu.memory_space<hbm>>) target(%arg8 : memref<128x128xf32, #tpu.memory_space<vmem>>) offsets(%arg6 : memref<128xi32, #tpu.memory_space<vmem>>) semaphore(%arg12 : memref<!tpu.dma_semaphore, #tpu.memory_space<semaphore_mem>>)
      } else {
      }
      %dma_wait3A_68 = arith.constant 0 : i32
      %dma_wait3A_69 = arith.constant 0 : i32
      %dma_wait3A_70 = tpu.memref_slice %arg3[%dma_wait3A_68, %dma_wait3A_69] : memref<500000x128xf32, #tpu.memory_space<hbm>> -> memref<500000x128xf32, #tpu.memory_space<hbm>>
      tpu.wait_indirect_dma semaphore(%arg13 : memref<!tpu.dma_semaphore, #tpu.memory_space<semaphore_mem>>) src(%dma_wait3A_70 : memref<500000x128xf32, #tpu.memory_space<hbm>>) dst(%arg9 : memref<128x128xf32, #tpu.memory_space<vmem>>)
      %ge3A_71 = arith.constant 2 : i32
      %ge3A_72 = arith.cmpi sge, %add3A_60, %ge3A_71 : i32
      %convert_element_type3A_73 = arith.extui %ge3A_72 : i1 to i32
      %cond3A_74 = arith.constant 0 : i32
      %cond3A_75 = arith.cmpi ne, %convert_element_type3A_73, %cond3A_74 : i32
      scf.if %cond3A_75 {
        %sub3A = arith.constant 2 : i32
        %sub3A_88 = arith.subi %add3A_60, %sub3A : i32
        %dma_wait3A_89 = arith.constant 0 : i32
        %dma_wait3A_90 = tpu.memref_slice %arg4[%sub3A_88, %dma_wait3A_89, %mul3A_2] : memref<200x64x4096xf32, #tpu.memory_space<hbm>> -> memref<1x64x128xf32, #tpu.memory_space<hbm>>
        %dma_wait3A_91 = tpu.memref_squeeze %dma_wait3A_90 : memref<1x64x128xf32, #tpu.memory_space<hbm>> -> memref<64x128xf32, #tpu.memory_space<hbm>>
        %dma_wait3A_92 = arith.constant 0 : i32
        %dma_wait3A_93 = tpu.memref_slice %arg4[%sub3A_88, %dma_wait3A_92, %mul3A_2] : memref<200x64x4096xf32, #tpu.memory_space<hbm>> -> memref<1x64x128xf32, #tpu.memory_space<hbm>>
        %dma_wait3A_94 = tpu.memref_squeeze %dma_wait3A_93 : memref<1x64x128xf32, #tpu.memory_space<hbm>> -> memref<64x128xf32, #tpu.memory_space<hbm>>
        tpu.wait_dma2 semaphore(%arg15 : memref<!tpu.dma_semaphore, #tpu.memory_space<semaphore_mem>>) src(%arg11 : memref<64x128xf32, #tpu.memory_space<vmem>>) dst(%dma_wait3A_94 : memref<64x128xf32, #tpu.memory_space<hbm>>)
      } else {
      }
      %scan3A_76 = arith.constant 0 : i32
      %scan3A_77 = arith.constant 0 : i32
      %scan3A_78 = arith.constant 8 : i32
      %scan3A_79 = arith.addi %scan3A_77, %scan3A_78 : i32
      %scan3A_80 = arith.constant 1 : i32
      scf.for %scan3A_88 = %scan3A_77 to %scan3A_79 step %scan3A_80  : i32 {
        %mul3A_89 = arith.constant 16 : i32
        %mul3A_90 = arith.muli %scan3A_88, %mul3A_89 : i32
        %get3A = arith.index_cast %add3A_60 : i32 to index
        %get3A_91 = arith.index_cast %mul3A_90 : i32 to index
        %get3A_92 = tpu.vector_load %arg5[%get3A, %get3A_91] {strides = array<i32>} : memref<200x128xi32, #tpu.memory_space<vmem>>, vector<16xi32>,
        %and3A = arith.constant 1 : i32
        %and3A_93 = vector.broadcast %and3A : i32 to vector<16xi32>
        %and3A_94 = arith.andi %get3A_92, %and3A_93 : vector<16xi32>
        %mul3A_95 = arith.constant 64 : i32
        %mul3A_96 = vector.broadcast %mul3A_95 : i32 to vector<16xi32>
        %mul3A_97 = arith.muli %and3A_94, %mul3A_96 : vector<16xi32>
        %ne3A = arith.constant 0 : i32
        %ne3A_98 = vector.broadcast %ne3A : i32 to vector<16xi32>
        %ne3A_99 = arith.cmpi ne, %get3A_92, %ne3A_98 : vector<16xi32>
        %jit3A = arith.constant 8.000000e+00 : f32
        %jit3A_100 = arith.constant 0.000000e+00 : f32
        %broadcast_in_dim3A = vector.broadcast %jit3A : f32 to vector<16xf32>
        %broadcast_in_dim3A_101 = vector.broadcast %jit3A_100 : f32 to vector<16xf32>
        %select_n3A = arith.select %ne3A_99, %broadcast_in_dim3A, %broadcast_in_dim3A_101 : vector<16xi1>, vector<16xf32>
        %mul3A_102 = arith.constant 16 : i32
        %mul3A_103 = arith.muli %scan3A_88, %mul3A_102 : i32
        %add3A_104 = vector.broadcast %mul3A_103 : i32 to vector<16xi32>
        %add3A_105 = arith.addi %add3A_104, %iota3A : vector<16xi32>
        %add3A_106 = arith.constant 0 : i32
        %add3A_107 = vector.broadcast %add3A_106 : i32 to vector<16xi32>
        %add3A_108 = arith.addi %add3A_107, %iota3A : vector<16xi32>
        %and3A_109 = arith.constant 63 : i32
        %and3A_110 = vector.broadcast %and3A_109 : i32 to vector<16xi32>
        %and3A_111 = arith.andi %add3A_108, %and3A_110 : vector<16xi32>
        %add3A_112 = arith.addi %mul3A_97, %and3A_111 : vector<16xi32>
        %gather3A = tpu.vector_load_idx %arg9[%add3A_105, %add3A_112] : memref<128x128xf32, #tpu.memory_space<vmem>>[vector<16xi32>, vector<16xi32>], vector<16xf32>,
        %mul3A_113 = arith.mulf %gather3A, %select_n3A : vector<16xf32>
        tpu.vector_store_idx %arg11[%and3A_111, %add3A_105], %mul3A_113 : memref<64x128xf32, #tpu.memory_space<vmem>>[vector<16xi32>, vector<16xi32>], vector<16xf32>,
        %add3A_114 = arith.constant 1 : i32
        %add3A_115 = vector.broadcast %add3A_114 : i32 to vector<16xi32>
        %add3A_116 = arith.addi %add3A_115, %iota3A : vector<16xi32>
        %and3A_117 = arith.constant 63 : i32
        %and3A_118 = vector.broadcast %and3A_117 : i32 to vector<16xi32>
        %and3A_119 = arith.andi %add3A_116, %and3A_118 : vector<16xi32>
        %add3A_120 = arith.addi %mul3A_97, %and3A_119 : vector<16xi32>
        %gather3A_121 = tpu.vector_load_idx %arg9[%add3A_105, %add3A_120] : memref<128x128xf32, #tpu.memory_space<vmem>>[vector<16xi32>, vector<16xi32>], vector<16xf32>,
        %mul3A_122 = arith.mulf %gather3A_121, %select_n3A : vector<16xf32>
        tpu.vector_store_idx %arg11[%and3A_119, %add3A_105], %mul3A_122 : memref<64x128xf32, #tpu.memory_space<vmem>>[vector<16xi32>, vector<16xi32>], vector<16xf32>,
        %add3A_123 = arith.constant 2 : i32
        %add3A_124 = vector.broadcast %add3A_123 : i32 to vector<16xi32>
        %add3A_125 = arith.addi %add3A_124, %iota3A : vector<16xi32>
        %and3A_126 = arith.constant 63 : i32
        %and3A_127 = vector.broadcast %and3A_126 : i32 to vector<16xi32>
        %and3A_128 = arith.andi %add3A_125, %and3A_127 : vector<16xi32>
        %add3A_129 = arith.addi %mul3A_97, %and3A_128 : vector<16xi32>
        %gather3A_130 = tpu.vector_load_idx %arg9[%add3A_105, %add3A_129] : memref<128x128xf32, #tpu.memory_space<vmem>>[vector<16xi32>, vector<16xi32>], vector<16xf32>,
        %mul3A_131 = arith.mulf %gather3A_130, %select_n3A : vector<16xf32>
        tpu.vector_store_idx %arg11[%and3A_128, %add3A_105], %mul3A_131 : memref<64x128xf32, #tpu.memory_space<vmem>>[vector<16xi32>, vector<16xi32>], vector<16xf32>,
        %add3A_132 = arith.constant 3 : i32
        %add3A_133 = vector.broadcast %add3A_132 : i32 to vector<16xi32>
        %add3A_134 = arith.addi %add3A_133, %iota3A : vector<16xi32>
        %and3A_135 = arith.constant 63 : i32
        %and3A_136 = vector.broadcast %and3A_135 : i32 to vector<16xi32>
        %and3A_137 = arith.andi %add3A_134, %and3A_136 : vector<16xi32>
        %add3A_138 = arith.addi %mul3A_97, %and3A_137 : vector<16xi32>
        %gather3A_139 = tpu.vector_load_idx %arg9[%add3A_105, %add3A_138] : memref<128x128xf32, #tpu.memory_space<vmem>>[vector<16xi32>, vector<16xi32>], vector<16xf32>,
        %mul3A_140 = arith.mulf %gather3A_139, %select_n3A : vector<16xf32>
        tpu.vector_store_idx %arg11[%and3A_137, %add3A_105], %mul3A_140 : memref<64x128xf32, #tpu.memory_space<vmem>>[vector<16xi32>, vector<16xi32>], vector<16xf32>,
        %add3A_141 = arith.constant 4 : i32
        %add3A_142 = vector.broadcast %add3A_141 : i32 to vector<16xi32>
        %add3A_143 = arith.addi %add3A_142, %iota3A : vector<16xi32>
        %and3A_144 = arith.constant 63 : i32
        %and3A_145 = vector.broadcast %and3A_144 : i32 to vector<16xi32>
        %and3A_146 = arith.andi %add3A_143, %and3A_145 : vector<16xi32>
        %add3A_147 = arith.addi %mul3A_97, %and3A_146 : vector<16xi32>
        %gather3A_148 = tpu.vector_load_idx %arg9[%add3A_105, %add3A_147] : memref<128x128xf32, #tpu.memory_space<vmem>>[vector<16xi32>, vector<16xi32>], vector<16xf32>,
        %mul3A_149 = arith.mulf %gather3A_148, %select_n3A : vector<16xf32>
        tpu.vector_store_idx %arg11[%and3A_146, %add3A_105], %mul3A_149 : memref<64x128xf32, #tpu.memory_space<vmem>>[vector<16xi32>, vector<16xi32>], vector<16xf32>,
        %add3A_150 = arith.constant 5 : i32
        %add3A_151 = vector.broadcast %add3A_150 : i32 to vector<16xi32>
        %add3A_152 = arith.addi %add3A_151, %iota3A : vector<16xi32>
        %and3A_153 = arith.constant 63 : i32
        %and3A_154 = vector.broadcast %and3A_153 : i32 to vector<16xi32>
        %and3A_155 = arith.andi %add3A_152, %and3A_154 : vector<16xi32>
        %add3A_156 = arith.addi %mul3A_97, %and3A_155 : vector<16xi32>
        %gather3A_157 = tpu.vector_load_idx %arg9[%add3A_105, %add3A_156] : memref<128x128xf32, #tpu.memory_space<vmem>>[vector<16xi32>, vector<16xi32>], vector<16xf32>,
        %mul3A_158 = arith.mulf %gather3A_157, %select_n3A : vector<16xf32>
        tpu.vector_store_idx %arg11[%and3A_155, %add3A_105], %mul3A_158 : memref<64x128xf32, #tpu.memory_space<vmem>>[vector<16xi32>, vector<16xi32>], vector<16xf32>,
        %add3A_159 = arith.constant 6 : i32
        %add3A_160 = vector.broadcast %add3A_159 : i32 to vector<16xi32>
        %add3A_161 = arith.addi %add3A_160, %iota3A : vector<16xi32>
        %and3A_162 = arith.constant 63 : i32
        %and3A_163 = vector.broadcast %and3A_162 : i32 to vector<16xi32>
        %and3A_164 = arith.andi %add3A_161, %and3A_163 : vector<16xi32>
        %add3A_165 = arith.addi %mul3A_97, %and3A_164 : vector<16xi32>
        %gather3A_166 = tpu.vector_load_idx %arg9[%add3A_105, %add3A_165] : memref<128x128xf32, #tpu.memory_space<vmem>>[vector<16xi32>, vector<16xi32>], vector<16xf32>,
        %mul3A_167 = arith.mulf %gather3A_166, %select_n3A : vector<16xf32>
        tpu.vector_store_idx %arg11[%and3A_164, %add3A_105], %mul3A_167 : memref<64x128xf32, #tpu.memory_space<vmem>>[vector<16xi32>, vector<16xi32>], vector<16xf32>,
        %add3A_168 = arith.constant 7 : i32
        %add3A_169 = vector.broadcast %add3A_168 : i32 to vector<16xi32>
        %add3A_170 = arith.addi %add3A_169, %iota3A : vector<16xi32>
        %and3A_171 = arith.constant 63 : i32
        %and3A_172 = vector.broadcast %and3A_171 : i32 to vector<16xi32>
        %and3A_173 = arith.andi %add3A_170, %and3A_172 : vector<16xi32>
        %add3A_174 = arith.addi %mul3A_97, %and3A_173 : vector<16xi32>
        %gather3A_175 = tpu.vector_load_idx %arg9[%add3A_105, %add3A_174] : memref<128x128xf32, #tpu.memory_space<vmem>>[vector<16xi32>, vector<16xi32>], vector<16xf32>,
        %mul3A_176 = arith.mulf %gather3A_175, %select_n3A : vector<16xf32>
        tpu.vector_store_idx %arg11[%and3A_173, %add3A_105], %mul3A_176 : memref<64x128xf32, #tpu.memory_space<vmem>>[vector<16xi32>, vector<16xi32>], vector<16xf32>,
        %add3A_177 = arith.constant 8 : i32
        %add3A_178 = vector.broadcast %add3A_177 : i32 to vector<16xi32>
        %add3A_179 = arith.addi %add3A_178, %iota3A : vector<16xi32>
        %and3A_180 = arith.constant 63 : i32
        %and3A_181 = vector.broadcast %and3A_180 : i32 to vector<16xi32>
        %and3A_182 = arith.andi %add3A_179, %and3A_181 : vector<16xi32>
        %add3A_183 = arith.addi %mul3A_97, %and3A_182 : vector<16xi32>
        %gather3A_184 = tpu.vector_load_idx %arg9[%add3A_105, %add3A_183] : memref<128x128xf32, #tpu.memory_space<vmem>>[vector<16xi32>, vector<16xi32>], vector<16xf32>,
        %mul3A_185 = arith.mulf %gather3A_184, %select_n3A : vector<16xf32>
        tpu.vector_store_idx %arg11[%and3A_182, %add3A_105], %mul3A_185 : memref<64x128xf32, #tpu.memory_space<vmem>>[vector<16xi32>, vector<16xi32>], vector<16xf32>,
        %add3A_186 = arith.constant 9 : i32
        %add3A_187 = vector.broadcast %add3A_186 : i32 to vector<16xi32>
        %add3A_188 = arith.addi %add3A_187, %iota3A : vector<16xi32>
        %and3A_189 = arith.constant 63 : i32
        %and3A_190 = vector.broadcast %and3A_189 : i32 to vector<16xi32>
        %and3A_191 = arith.andi %add3A_188, %and3A_190 : vector<16xi32>
        %add3A_192 = arith.addi %mul3A_97, %and3A_191 : vector<16xi32>
        %gather3A_193 = tpu.vector_load_idx %arg9[%add3A_105, %add3A_192] : memref<128x128xf32, #tpu.memory_space<vmem>>[vector<16xi32>, vector<16xi32>], vector<16xf32>,
        %mul3A_194 = arith.mulf %gather3A_193, %select_n3A : vector<16xf32>
        tpu.vector_store_idx %arg11[%and3A_191, %add3A_105], %mul3A_194 : memref<64x128xf32, #tpu.memory_space<vmem>>[vector<16xi32>, vector<16xi32>], vector<16xf32>,
        %add3A_195 = arith.constant 10 : i32
        %add3A_196 = vector.broadcast %add3A_195 : i32 to vector<16xi32>
        %add3A_197 = arith.addi %add3A_196, %iota3A : vector<16xi32>
        %and3A_198 = arith.constant 63 : i32
        %and3A_199 = vector.broadcast %and3A_198 : i32 to vector<16xi32>
        %and3A_200 = arith.andi %add3A_197, %and3A_199 : vector<16xi32>
        %add3A_201 = arith.addi %mul3A_97, %and3A_200 : vector<16xi32>
        %gather3A_202 = tpu.vector_load_idx %arg9[%add3A_105, %add3A_201] : memref<128x128xf32, #tpu.memory_space<vmem>>[vector<16xi32>, vector<16xi32>], vector<16xf32>,
        %mul3A_203 = arith.mulf %gather3A_202, %select_n3A : vector<16xf32>
        tpu.vector_store_idx %arg11[%and3A_200, %add3A_105], %mul3A_203 : memref<64x128xf32, #tpu.memory_space<vmem>>[vector<16xi32>, vector<16xi32>], vector<16xf32>,
        %add3A_204 = arith.constant 11 : i32
        %add3A_205 = vector.broadcast %add3A_204 : i32 to vector<16xi32>
        %add3A_206 = arith.addi %add3A_205, %iota3A : vector<16xi32>
        %and3A_207 = arith.constant 63 : i32
        %and3A_208 = vector.broadcast %and3A_207 : i32 to vector<16xi32>
        %and3A_209 = arith.andi %add3A_206, %and3A_208 : vector<16xi32>
        %add3A_210 = arith.addi %mul3A_97, %and3A_209 : vector<16xi32>
        %gather3A_211 = tpu.vector_load_idx %arg9[%add3A_105, %add3A_210] : memref<128x128xf32, #tpu.memory_space<vmem>>[vector<16xi32>, vector<16xi32>], vector<16xf32>,
        %mul3A_212 = arith.mulf %gather3A_211, %select_n3A : vector<16xf32>
        tpu.vector_store_idx %arg11[%and3A_209, %add3A_105], %mul3A_212 : memref<64x128xf32, #tpu.memory_space<vmem>>[vector<16xi32>, vector<16xi32>], vector<16xf32>,
        %add3A_213 = arith.constant 12 : i32
        %add3A_214 = vector.broadcast %add3A_213 : i32 to vector<16xi32>
        %add3A_215 = arith.addi %add3A_214, %iota3A : vector<16xi32>
        %and3A_216 = arith.constant 63 : i32
        %and3A_217 = vector.broadcast %and3A_216 : i32 to vector<16xi32>
        %and3A_218 = arith.andi %add3A_215, %and3A_217 : vector<16xi32>
        %add3A_219 = arith.addi %mul3A_97, %and3A_218 : vector<16xi32>
        %gather3A_220 = tpu.vector_load_idx %arg9[%add3A_105, %add3A_219] : memref<128x128xf32, #tpu.memory_space<vmem>>[vector<16xi32>, vector<16xi32>], vector<16xf32>,
        %mul3A_221 = arith.mulf %gather3A_220, %select_n3A : vector<16xf32>
        tpu.vector_store_idx %arg11[%and3A_218, %add3A_105], %mul3A_221 : memref<64x128xf32, #tpu.memory_space<vmem>>[vector<16xi32>, vector<16xi32>], vector<16xf32>,
        %add3A_222 = arith.constant 13 : i32
        %add3A_223 = vector.broadcast %add3A_222 : i32 to vector<16xi32>
        %add3A_224 = arith.addi %add3A_223, %iota3A : vector<16xi32>
        %and3A_225 = arith.constant 63 : i32
        %and3A_226 = vector.broadcast %and3A_225 : i32 to vector<16xi32>
        %and3A_227 = arith.andi %add3A_224, %and3A_226 : vector<16xi32>
        %add3A_228 = arith.addi %mul3A_97, %and3A_227 : vector<16xi32>
        %gather3A_229 = tpu.vector_load_idx %arg9[%add3A_105, %add3A_228] : memref<128x128xf32, #tpu.memory_space<vmem>>[vector<16xi32>, vector<16xi32>], vector<16xf32>,
        %mul3A_230 = arith.mulf %gather3A_229, %select_n3A : vector<16xf32>
        tpu.vector_store_idx %arg11[%and3A_227, %add3A_105], %mul3A_230 : memref<64x128xf32, #tpu.memory_space<vmem>>[vector<16xi32>, vector<16xi32>], vector<16xf32>,
        %add3A_231 = arith.constant 14 : i32
        %add3A_232 = vector.broadcast %add3A_231 : i32 to vector<16xi32>
        %add3A_233 = arith.addi %add3A_232, %iota3A : vector<16xi32>
        %and3A_234 = arith.constant 63 : i32
        %and3A_235 = vector.broadcast %and3A_234 : i32 to vector<16xi32>
        %and3A_236 = arith.andi %add3A_233, %and3A_235 : vector<16xi32>
        %add3A_237 = arith.addi %mul3A_97, %and3A_236 : vector<16xi32>
        %gather3A_238 = tpu.vector_load_idx %arg9[%add3A_105, %add3A_237] : memref<128x128xf32, #tpu.memory_space<vmem>>[vector<16xi32>, vector<16xi32>], vector<16xf32>,
        %mul3A_239 = arith.mulf %gather3A_238, %select_n3A : vector<16xf32>
        tpu.vector_store_idx %arg11[%and3A_236, %add3A_105], %mul3A_239 : memref<64x128xf32, #tpu.memory_space<vmem>>[vector<16xi32>, vector<16xi32>], vector<16xf32>,
        %add3A_240 = arith.constant 15 : i32
        %add3A_241 = vector.broadcast %add3A_240 : i32 to vector<16xi32>
        %add3A_242 = arith.addi %add3A_241, %iota3A : vector<16xi32>
        %and3A_243 = arith.constant 63 : i32
        %and3A_244 = vector.broadcast %and3A_243 : i32 to vector<16xi32>
        %and3A_245 = arith.andi %add3A_242, %and3A_244 : vector<16xi32>
        %add3A_246 = arith.addi %mul3A_97, %and3A_245 : vector<16xi32>
        %gather3A_247 = tpu.vector_load_idx %arg9[%add3A_105, %add3A_246] : memref<128x128xf32, #tpu.memory_space<vmem>>[vector<16xi32>, vector<16xi32>], vector<16xf32>,
        %mul3A_248 = arith.mulf %gather3A_247, %select_n3A : vector<16xf32>
        tpu.vector_store_idx %arg11[%and3A_245, %add3A_105], %mul3A_248 : memref<64x128xf32, #tpu.memory_space<vmem>>[vector<16xi32>, vector<16xi32>], vector<16xf32>,
        %add3A_249 = arith.constant 16 : i32
        %add3A_250 = vector.broadcast %add3A_249 : i32 to vector<16xi32>
        %add3A_251 = arith.addi %add3A_250, %iota3A : vector<16xi32>
        %and3A_252 = arith.constant 63 : i32
        %and3A_253 = vector.broadcast %and3A_252 : i32 to vector<16xi32>
        %and3A_254 = arith.andi %add3A_251, %and3A_253 : vector<16xi32>
        %add3A_255 = arith.addi %mul3A_97, %and3A_254 : vector<16xi32>
        %gather3A_256 = tpu.vector_load_idx %arg9[%add3A_105, %add3A_255] : memref<128x128xf32, #tpu.memory_space<vmem>>[vector<16xi32>, vector<16xi32>], vector<16xf32>,
        %mul3A_257 = arith.mulf %gather3A_256, %select_n3A : vector<16xf32>
        tpu.vector_store_idx %arg11[%and3A_254, %add3A_105], %mul3A_257 : memref<64x128xf32, #tpu.memory_space<vmem>>[vector<16xi32>, vector<16xi32>], vector<16xf32>,
        %add3A_258 = arith.constant 17 : i32
        %add3A_259 = vector.broadcast %add3A_258 : i32 to vector<16xi32>
        %add3A_260 = arith.addi %add3A_259, %iota3A : vector<16xi32>
        %and3A_261 = arith.constant 63 : i32
        %and3A_262 = vector.broadcast %and3A_261 : i32 to vector<16xi32>
        %and3A_263 = arith.andi %add3A_260, %and3A_262 : vector<16xi32>
        %add3A_264 = arith.addi %mul3A_97, %and3A_263 : vector<16xi32>
        %gather3A_265 = tpu.vector_load_idx %arg9[%add3A_105, %add3A_264] : memref<128x128xf32, #tpu.memory_space<vmem>>[vector<16xi32>, vector<16xi32>], vector<16xf32>,
        %mul3A_266 = arith.mulf %gather3A_265, %select_n3A : vector<16xf32>
        tpu.vector_store_idx %arg11[%and3A_263, %add3A_105], %mul3A_266 : memref<64x128xf32, #tpu.memory_space<vmem>>[vector<16xi32>, vector<16xi32>], vector<16xf32>,
        %add3A_267 = arith.constant 18 : i32
        %add3A_268 = vector.broadcast %add3A_267 : i32 to vector<16xi32>
        %add3A_269 = arith.addi %add3A_268, %iota3A : vector<16xi32>
        %and3A_270 = arith.constant 63 : i32
        %and3A_271 = vector.broadcast %and3A_270 : i32 to vector<16xi32>
        %and3A_272 = arith.andi %add3A_269, %and3A_271 : vector<16xi32>
        %add3A_273 = arith.addi %mul3A_97, %and3A_272 : vector<16xi32>
        %gather3A_274 = tpu.vector_load_idx %arg9[%add3A_105, %add3A_273] : memref<128x128xf32, #tpu.memory_space<vmem>>[vector<16xi32>, vector<16xi32>], vector<16xf32>,
        %mul3A_275 = arith.mulf %gather3A_274, %select_n3A : vector<16xf32>
        tpu.vector_store_idx %arg11[%and3A_272, %add3A_105], %mul3A_275 : memref<64x128xf32, #tpu.memory_space<vmem>>[vector<16xi32>, vector<16xi32>], vector<16xf32>,
        %add3A_276 = arith.constant 19 : i32
        %add3A_277 = vector.broadcast %add3A_276 : i32 to vector<16xi32>
        %add3A_278 = arith.addi %add3A_277, %iota3A : vector<16xi32>
        %and3A_279 = arith.constant 63 : i32
        %and3A_280 = vector.broadcast %and3A_279 : i32 to vector<16xi32>
        %and3A_281 = arith.andi %add3A_278, %and3A_280 : vector<16xi32>
        %add3A_282 = arith.addi %mul3A_97, %and3A_281 : vector<16xi32>
        %gather3A_283 = tpu.vector_load_idx %arg9[%add3A_105, %add3A_282] : memref<128x128xf32, #tpu.memory_space<vmem>>[vector<16xi32>, vector<16xi32>], vector<16xf32>,
        %mul3A_284 = arith.mulf %gather3A_283, %select_n3A : vector<16xf32>
        tpu.vector_store_idx %arg11[%and3A_281, %add3A_105], %mul3A_284 : memref<64x128xf32, #tpu.memory_space<vmem>>[vector<16xi32>, vector<16xi32>], vector<16xf32>,
        %add3A_285 = arith.constant 20 : i32
        %add3A_286 = vector.broadcast %add3A_285 : i32 to vector<16xi32>
        %add3A_287 = arith.addi %add3A_286, %iota3A : vector<16xi32>
        %and3A_288 = arith.constant 63 : i32
        %and3A_289 = vector.broadcast %and3A_288 : i32 to vector<16xi32>
        %and3A_290 = arith.andi %add3A_287, %and3A_289 : vector<16xi32>
        %add3A_291 = arith.addi %mul3A_97, %and3A_290 : vector<16xi32>
        %gather3A_292 = tpu.vector_load_idx %arg9[%add3A_105, %add3A_291] : memref<128x128xf32, #tpu.memory_space<vmem>>[vector<16xi32>, vector<16xi32>], vector<16xf32>,
        %mul3A_293 = arith.mulf %gather3A_292, %select_n3A : vector<16xf32>
        tpu.vector_store_idx %arg11[%and3A_290, %add3A_105], %mul3A_293 : memref<64x128xf32, #tpu.memory_space<vmem>>[vector<16xi32>, vector<16xi32>], vector<16xf32>,
        %add3A_294 = arith.constant 21 : i32
        %add3A_295 = vector.broadcast %add3A_294 : i32 to vector<16xi32>
        %add3A_296 = arith.addi %add3A_295, %iota3A : vector<16xi32>
        %and3A_297 = arith.constant 63 : i32
        %and3A_298 = vector.broadcast %and3A_297 : i32 to vector<16xi32>
        %and3A_299 = arith.andi %add3A_296, %and3A_298 : vector<16xi32>
        %add3A_300 = arith.addi %mul3A_97, %and3A_299 : vector<16xi32>
        %gather3A_301 = tpu.vector_load_idx %arg9[%add3A_105, %add3A_300] : memref<128x128xf32, #tpu.memory_space<vmem>>[vector<16xi32>, vector<16xi32>], vector<16xf32>,
        %mul3A_302 = arith.mulf %gather3A_301, %select_n3A : vector<16xf32>
        tpu.vector_store_idx %arg11[%and3A_299, %add3A_105], %mul3A_302 : memref<64x128xf32, #tpu.memory_space<vmem>>[vector<16xi32>, vector<16xi32>], vector<16xf32>,
        %add3A_303 = arith.constant 22 : i32
        %add3A_304 = vector.broadcast %add3A_303 : i32 to vector<16xi32>
        %add3A_305 = arith.addi %add3A_304, %iota3A : vector<16xi32>
        %and3A_306 = arith.constant 63 : i32
        %and3A_307 = vector.broadcast %and3A_306 : i32 to vector<16xi32>
        %and3A_308 = arith.andi %add3A_305, %and3A_307 : vector<16xi32>
        %add3A_309 = arith.addi %mul3A_97, %and3A_308 : vector<16xi32>
        %gather3A_310 = tpu.vector_load_idx %arg9[%add3A_105, %add3A_309] : memref<128x128xf32, #tpu.memory_space<vmem>>[vector<16xi32>, vector<16xi32>], vector<16xf32>,
        %mul3A_311 = arith.mulf %gather3A_310, %select_n3A : vector<16xf32>
        tpu.vector_store_idx %arg11[%and3A_308, %add3A_105], %mul3A_311 : memref<64x128xf32, #tpu.memory_space<vmem>>[vector<16xi32>, vector<16xi32>], vector<16xf32>,
        %add3A_312 = arith.constant 23 : i32
        %add3A_313 = vector.broadcast %add3A_312 : i32 to vector<16xi32>
        %add3A_314 = arith.addi %add3A_313, %iota3A : vector<16xi32>
        %and3A_315 = arith.constant 63 : i32
        %and3A_316 = vector.broadcast %and3A_315 : i32 to vector<16xi32>
        %and3A_317 = arith.andi %add3A_314, %and3A_316 : vector<16xi32>
        %add3A_318 = arith.addi %mul3A_97, %and3A_317 : vector<16xi32>
        %gather3A_319 = tpu.vector_load_idx %arg9[%add3A_105, %add3A_318] : memref<128x128xf32, #tpu.memory_space<vmem>>[vector<16xi32>, vector<16xi32>], vector<16xf32>,
        %mul3A_320 = arith.mulf %gather3A_319, %select_n3A : vector<16xf32>
        tpu.vector_store_idx %arg11[%and3A_317, %add3A_105], %mul3A_320 : memref<64x128xf32, #tpu.memory_space<vmem>>[vector<16xi32>, vector<16xi32>], vector<16xf32>,
        %add3A_321 = arith.constant 24 : i32
        %add3A_322 = vector.broadcast %add3A_321 : i32 to vector<16xi32>
        %add3A_323 = arith.addi %add3A_322, %iota3A : vector<16xi32>
        %and3A_324 = arith.constant 63 : i32
        %and3A_325 = vector.broadcast %and3A_324 : i32 to vector<16xi32>
        %and3A_326 = arith.andi %add3A_323, %and3A_325 : vector<16xi32>
        %add3A_327 = arith.addi %mul3A_97, %and3A_326 : vector<16xi32>
        %gather3A_328 = tpu.vector_load_idx %arg9[%add3A_105, %add3A_327] : memref<128x128xf32, #tpu.memory_space<vmem>>[vector<16xi32>, vector<16xi32>], vector<16xf32>,
        %mul3A_329 = arith.mulf %gather3A_328, %select_n3A : vector<16xf32>
        tpu.vector_store_idx %arg11[%and3A_326, %add3A_105], %mul3A_329 : memref<64x128xf32, #tpu.memory_space<vmem>>[vector<16xi32>, vector<16xi32>], vector<16xf32>,
        %add3A_330 = arith.constant 25 : i32
        %add3A_331 = vector.broadcast %add3A_330 : i32 to vector<16xi32>
        %add3A_332 = arith.addi %add3A_331, %iota3A : vector<16xi32>
        %and3A_333 = arith.constant 63 : i32
        %and3A_334 = vector.broadcast %and3A_333 : i32 to vector<16xi32>
        %and3A_335 = arith.andi %add3A_332, %and3A_334 : vector<16xi32>
        %add3A_336 = arith.addi %mul3A_97, %and3A_335 : vector<16xi32>
        %gather3A_337 = tpu.vector_load_idx %arg9[%add3A_105, %add3A_336] : memref<128x128xf32, #tpu.memory_space<vmem>>[vector<16xi32>, vector<16xi32>], vector<16xf32>,
        %mul3A_338 = arith.mulf %gather3A_337, %select_n3A : vector<16xf32>
        tpu.vector_store_idx %arg11[%and3A_335, %add3A_105], %mul3A_338 : memref<64x128xf32, #tpu.memory_space<vmem>>[vector<16xi32>, vector<16xi32>], vector<16xf32>,
        %add3A_339 = arith.constant 26 : i32
        %add3A_340 = vector.broadcast %add3A_339 : i32 to vector<16xi32>
        %add3A_341 = arith.addi %add3A_340, %iota3A : vector<16xi32>
        %and3A_342 = arith.constant 63 : i32
        %and3A_343 = vector.broadcast %and3A_342 : i32 to vector<16xi32>
        %and3A_344 = arith.andi %add3A_341, %and3A_343 : vector<16xi32>
        %add3A_345 = arith.addi %mul3A_97, %and3A_344 : vector<16xi32>
        %gather3A_346 = tpu.vector_load_idx %arg9[%add3A_105, %add3A_345] : memref<128x128xf32, #tpu.memory_space<vmem>>[vector<16xi32>, vector<16xi32>], vector<16xf32>,
        %mul3A_347 = arith.mulf %gather3A_346, %select_n3A : vector<16xf32>
        tpu.vector_store_idx %arg11[%and3A_344, %add3A_105], %mul3A_347 : memref<64x128xf32, #tpu.memory_space<vmem>>[vector<16xi32>, vector<16xi32>], vector<16xf32>,
        %add3A_348 = arith.constant 27 : i32
        %add3A_349 = vector.broadcast %add3A_348 : i32 to vector<16xi32>
        %add3A_350 = arith.addi %add3A_349, %iota3A : vector<16xi32>
        %and3A_351 = arith.constant 63 : i32
        %and3A_352 = vector.broadcast %and3A_351 : i32 to vector<16xi32>
        %and3A_353 = arith.andi %add3A_350, %and3A_352 : vector<16xi32>
        %add3A_354 = arith.addi %mul3A_97, %and3A_353 : vector<16xi32>
        %gather3A_355 = tpu.vector_load_idx %arg9[%add3A_105, %add3A_354] : memref<128x128xf32, #tpu.memory_space<vmem>>[vector<16xi32>, vector<16xi32>], vector<16xf32>,
        %mul3A_356 = arith.mulf %gather3A_355, %select_n3A : vector<16xf32>
        tpu.vector_store_idx %arg11[%and3A_353, %add3A_105], %mul3A_356 : memref<64x128xf32, #tpu.memory_space<vmem>>[vector<16xi32>, vector<16xi32>], vector<16xf32>,
        %add3A_357 = arith.constant 28 : i32
        %add3A_358 = vector.broadcast %add3A_357 : i32 to vector<16xi32>
        %add3A_359 = arith.addi %add3A_358, %iota3A : vector<16xi32>
        %and3A_360 = arith.constant 63 : i32
        %and3A_361 = vector.broadcast %and3A_360 : i32 to vector<16xi32>
        %and3A_362 = arith.andi %add3A_359, %and3A_361 : vector<16xi32>
        %add3A_363 = arith.addi %mul3A_97, %and3A_362 : vector<16xi32>
        %gather3A_364 = tpu.vector_load_idx %arg9[%add3A_105, %add3A_363] : memref<128x128xf32, #tpu.memory_space<vmem>>[vector<16xi32>, vector<16xi32>], vector<16xf32>,
        %mul3A_365 = arith.mulf %gather3A_364, %select_n3A : vector<16xf32>
        tpu.vector_store_idx %arg11[%and3A_362, %add3A_105], %mul3A_365 : memref<64x128xf32, #tpu.memory_space<vmem>>[vector<16xi32>, vector<16xi32>], vector<16xf32>,
        %add3A_366 = arith.constant 29 : i32
        %add3A_367 = vector.broadcast %add3A_366 : i32 to vector<16xi32>
        %add3A_368 = arith.addi %add3A_367, %iota3A : vector<16xi32>
        %and3A_369 = arith.constant 63 : i32
        %and3A_370 = vector.broadcast %and3A_369 : i32 to vector<16xi32>
        %and3A_371 = arith.andi %add3A_368, %and3A_370 : vector<16xi32>
        %add3A_372 = arith.addi %mul3A_97, %and3A_371 : vector<16xi32>
        %gather3A_373 = tpu.vector_load_idx %arg9[%add3A_105, %add3A_372] : memref<128x128xf32, #tpu.memory_space<vmem>>[vector<16xi32>, vector<16xi32>], vector<16xf32>,
        %mul3A_374 = arith.mulf %gather3A_373, %select_n3A : vector<16xf32>
        tpu.vector_store_idx %arg11[%and3A_371, %add3A_105], %mul3A_374 : memref<64x128xf32, #tpu.memory_space<vmem>>[vector<16xi32>, vector<16xi32>], vector<16xf32>,
        %add3A_375 = arith.constant 30 : i32
        %add3A_376 = vector.broadcast %add3A_375 : i32 to vector<16xi32>
        %add3A_377 = arith.addi %add3A_376, %iota3A : vector<16xi32>
        %and3A_378 = arith.constant 63 : i32
        %and3A_379 = vector.broadcast %and3A_378 : i32 to vector<16xi32>
        %and3A_380 = arith.andi %add3A_377, %and3A_379 : vector<16xi32>
        %add3A_381 = arith.addi %mul3A_97, %and3A_380 : vector<16xi32>
        %gather3A_382 = tpu.vector_load_idx %arg9[%add3A_105, %add3A_381] : memref<128x128xf32, #tpu.memory_space<vmem>>[vector<16xi32>, vector<16xi32>], vector<16xf32>,
        %mul3A_383 = arith.mulf %gather3A_382, %select_n3A : vector<16xf32>
        tpu.vector_store_idx %arg11[%and3A_380, %add3A_105], %mul3A_383 : memref<64x128xf32, #tpu.memory_space<vmem>>[vector<16xi32>, vector<16xi32>], vector<16xf32>,
        %add3A_384 = arith.constant 31 : i32
        %add3A_385 = vector.broadcast %add3A_384 : i32 to vector<16xi32>
        %add3A_386 = arith.addi %add3A_385, %iota3A : vector<16xi32>
        %and3A_387 = arith.constant 63 : i32
        %and3A_388 = vector.broadcast %and3A_387 : i32 to vector<16xi32>
        %and3A_389 = arith.andi %add3A_386, %and3A_388 : vector<16xi32>
        %add3A_390 = arith.addi %mul3A_97, %and3A_389 : vector<16xi32>
        %gather3A_391 = tpu.vector_load_idx %arg9[%add3A_105, %add3A_390] : memref<128x128xf32, #tpu.memory_space<vmem>>[vector<16xi32>, vector<16xi32>], vector<16xf32>,
        %mul3A_392 = arith.mulf %gather3A_391, %select_n3A : vector<16xf32>
        tpu.vector_store_idx %arg11[%and3A_389, %add3A_105], %mul3A_392 : memref<64x128xf32, #tpu.memory_space<vmem>>[vector<16xi32>, vector<16xi32>], vector<16xf32>,
        %add3A_393 = arith.constant 32 : i32
        %add3A_394 = vector.broadcast %add3A_393 : i32 to vector<16xi32>
        %add3A_395 = arith.addi %add3A_394, %iota3A : vector<16xi32>
        %and3A_396 = arith.constant 63 : i32
        %and3A_397 = vector.broadcast %and3A_396 : i32 to vector<16xi32>
        %and3A_398 = arith.andi %add3A_395, %and3A_397 : vector<16xi32>
        %add3A_399 = arith.addi %mul3A_97, %and3A_398 : vector<16xi32>
        %gather3A_400 = tpu.vector_load_idx %arg9[%add3A_105, %add3A_399] : memref<128x128xf32, #tpu.memory_space<vmem>>[vector<16xi32>, vector<16xi32>], vector<16xf32>,
        %mul3A_401 = arith.mulf %gather3A_400, %select_n3A : vector<16xf32>
        tpu.vector_store_idx %arg11[%and3A_398, %add3A_105], %mul3A_401 : memref<64x128xf32, #tpu.memory_space<vmem>>[vector<16xi32>, vector<16xi32>], vector<16xf32>,
        %add3A_402 = arith.constant 33 : i32
        %add3A_403 = vector.broadcast %add3A_402 : i32 to vector<16xi32>
        %add3A_404 = arith.addi %add3A_403, %iota3A : vector<16xi32>
        %and3A_405 = arith.constant 63 : i32
        %and3A_406 = vector.broadcast %and3A_405 : i32 to vector<16xi32>
        %and3A_407 = arith.andi %add3A_404, %and3A_406 : vector<16xi32>
        %add3A_408 = arith.addi %mul3A_97, %and3A_407 : vector<16xi32>
        %gather3A_409 = tpu.vector_load_idx %arg9[%add3A_105, %add3A_408] : memref<128x128xf32, #tpu.memory_space<vmem>>[vector<16xi32>, vector<16xi32>], vector<16xf32>,
        %mul3A_410 = arith.mulf %gather3A_409, %select_n3A : vector<16xf32>
        tpu.vector_store_idx %arg11[%and3A_407, %add3A_105], %mul3A_410 : memref<64x128xf32, #tpu.memory_space<vmem>>[vector<16xi32>, vector<16xi32>], vector<16xf32>,
        %add3A_411 = arith.constant 34 : i32
        %add3A_412 = vector.broadcast %add3A_411 : i32 to vector<16xi32>
        %add3A_413 = arith.addi %add3A_412, %iota3A : vector<16xi32>
        %and3A_414 = arith.constant 63 : i32
        %and3A_415 = vector.broadcast %and3A_414 : i32 to vector<16xi32>
        %and3A_416 = arith.andi %add3A_413, %and3A_415 : vector<16xi32>
        %add3A_417 = arith.addi %mul3A_97, %and3A_416 : vector<16xi32>
        %gather3A_418 = tpu.vector_load_idx %arg9[%add3A_105, %add3A_417] : memref<128x128xf32, #tpu.memory_space<vmem>>[vector<16xi32>, vector<16xi32>], vector<16xf32>,
        %mul3A_419 = arith.mulf %gather3A_418, %select_n3A : vector<16xf32>
        tpu.vector_store_idx %arg11[%and3A_416, %add3A_105], %mul3A_419 : memref<64x128xf32, #tpu.memory_space<vmem>>[vector<16xi32>, vector<16xi32>], vector<16xf32>,
        %add3A_420 = arith.constant 35 : i32
        %add3A_421 = vector.broadcast %add3A_420 : i32 to vector<16xi32>
        %add3A_422 = arith.addi %add3A_421, %iota3A : vector<16xi32>
        %and3A_423 = arith.constant 63 : i32
        %and3A_424 = vector.broadcast %and3A_423 : i32 to vector<16xi32>
        %and3A_425 = arith.andi %add3A_422, %and3A_424 : vector<16xi32>
        %add3A_426 = arith.addi %mul3A_97, %and3A_425 : vector<16xi32>
        %gather3A_427 = tpu.vector_load_idx %arg9[%add3A_105, %add3A_426] : memref<128x128xf32, #tpu.memory_space<vmem>>[vector<16xi32>, vector<16xi32>], vector<16xf32>,
        %mul3A_428 = arith.mulf %gather3A_427, %select_n3A : vector<16xf32>
        tpu.vector_store_idx %arg11[%and3A_425, %add3A_105], %mul3A_428 : memref<64x128xf32, #tpu.memory_space<vmem>>[vector<16xi32>, vector<16xi32>], vector<16xf32>,
        %add3A_429 = arith.constant 36 : i32
        %add3A_430 = vector.broadcast %add3A_429 : i32 to vector<16xi32>
        %add3A_431 = arith.addi %add3A_430, %iota3A : vector<16xi32>
        %and3A_432 = arith.constant 63 : i32
        %and3A_433 = vector.broadcast %and3A_432 : i32 to vector<16xi32>
        %and3A_434 = arith.andi %add3A_431, %and3A_433 : vector<16xi32>
        %add3A_435 = arith.addi %mul3A_97, %and3A_434 : vector<16xi32>
        %gather3A_436 = tpu.vector_load_idx %arg9[%add3A_105, %add3A_435] : memref<128x128xf32, #tpu.memory_space<vmem>>[vector<16xi32>, vector<16xi32>], vector<16xf32>,
        %mul3A_437 = arith.mulf %gather3A_436, %select_n3A : vector<16xf32>
        tpu.vector_store_idx %arg11[%and3A_434, %add3A_105], %mul3A_437 : memref<64x128xf32, #tpu.memory_space<vmem>>[vector<16xi32>, vector<16xi32>], vector<16xf32>,
        %add3A_438 = arith.constant 37 : i32
        %add3A_439 = vector.broadcast %add3A_438 : i32 to vector<16xi32>
        %add3A_440 = arith.addi %add3A_439, %iota3A : vector<16xi32>
        %and3A_441 = arith.constant 63 : i32
        %and3A_442 = vector.broadcast %and3A_441 : i32 to vector<16xi32>
        %and3A_443 = arith.andi %add3A_440, %and3A_442 : vector<16xi32>
        %add3A_444 = arith.addi %mul3A_97, %and3A_443 : vector<16xi32>
        %gather3A_445 = tpu.vector_load_idx %arg9[%add3A_105, %add3A_444] : memref<128x128xf32, #tpu.memory_space<vmem>>[vector<16xi32>, vector<16xi32>], vector<16xf32>,
        %mul3A_446 = arith.mulf %gather3A_445, %select_n3A : vector<16xf32>
        tpu.vector_store_idx %arg11[%and3A_443, %add3A_105], %mul3A_446 : memref<64x128xf32, #tpu.memory_space<vmem>>[vector<16xi32>, vector<16xi32>], vector<16xf32>,
        %add3A_447 = arith.constant 38 : i32
        %add3A_448 = vector.broadcast %add3A_447 : i32 to vector<16xi32>
        %add3A_449 = arith.addi %add3A_448, %iota3A : vector<16xi32>
        %and3A_450 = arith.constant 63 : i32
        %and3A_451 = vector.broadcast %and3A_450 : i32 to vector<16xi32>
        %and3A_452 = arith.andi %add3A_449, %and3A_451 : vector<16xi32>
        %add3A_453 = arith.addi %mul3A_97, %and3A_452 : vector<16xi32>
        %gather3A_454 = tpu.vector_load_idx %arg9[%add3A_105, %add3A_453] : memref<128x128xf32, #tpu.memory_space<vmem>>[vector<16xi32>, vector<16xi32>], vector<16xf32>,
        %mul3A_455 = arith.mulf %gather3A_454, %select_n3A : vector<16xf32>
        tpu.vector_store_idx %arg11[%and3A_452, %add3A_105], %mul3A_455 : memref<64x128xf32, #tpu.memory_space<vmem>>[vector<16xi32>, vector<16xi32>], vector<16xf32>,
        %add3A_456 = arith.constant 39 : i32
        %add3A_457 = vector.broadcast %add3A_456 : i32 to vector<16xi32>
        %add3A_458 = arith.addi %add3A_457, %iota3A : vector<16xi32>
        %and3A_459 = arith.constant 63 : i32
        %and3A_460 = vector.broadcast %and3A_459 : i32 to vector<16xi32>
        %and3A_461 = arith.andi %add3A_458, %and3A_460 : vector<16xi32>
        %add3A_462 = arith.addi %mul3A_97, %and3A_461 : vector<16xi32>
        %gather3A_463 = tpu.vector_load_idx %arg9[%add3A_105, %add3A_462] : memref<128x128xf32, #tpu.memory_space<vmem>>[vector<16xi32>, vector<16xi32>], vector<16xf32>,
        %mul3A_464 = arith.mulf %gather3A_463, %select_n3A : vector<16xf32>
        tpu.vector_store_idx %arg11[%and3A_461, %add3A_105], %mul3A_464 : memref<64x128xf32, #tpu.memory_space<vmem>>[vector<16xi32>, vector<16xi32>], vector<16xf32>,
        %add3A_465 = arith.constant 40 : i32
        %add3A_466 = vector.broadcast %add3A_465 : i32 to vector<16xi32>
        %add3A_467 = arith.addi %add3A_466, %iota3A : vector<16xi32>
        %and3A_468 = arith.constant 63 : i32
        %and3A_469 = vector.broadcast %and3A_468 : i32 to vector<16xi32>
        %and3A_470 = arith.andi %add3A_467, %and3A_469 : vector<16xi32>
        %add3A_471 = arith.addi %mul3A_97, %and3A_470 : vector<16xi32>
        %gather3A_472 = tpu.vector_load_idx %arg9[%add3A_105, %add3A_471] : memref<128x128xf32, #tpu.memory_space<vmem>>[vector<16xi32>, vector<16xi32>], vector<16xf32>,
        %mul3A_473 = arith.mulf %gather3A_472, %select_n3A : vector<16xf32>
        tpu.vector_store_idx %arg11[%and3A_470, %add3A_105], %mul3A_473 : memref<64x128xf32, #tpu.memory_space<vmem>>[vector<16xi32>, vector<16xi32>], vector<16xf32>,
        %add3A_474 = arith.constant 41 : i32
        %add3A_475 = vector.broadcast %add3A_474 : i32 to vector<16xi32>
        %add3A_476 = arith.addi %add3A_475, %iota3A : vector<16xi32>
        %and3A_477 = arith.constant 63 : i32
        %and3A_478 = vector.broadcast %and3A_477 : i32 to vector<16xi32>
        %and3A_479 = arith.andi %add3A_476, %and3A_478 : vector<16xi32>
        %add3A_480 = arith.addi %mul3A_97, %and3A_479 : vector<16xi32>
        %gather3A_481 = tpu.vector_load_idx %arg9[%add3A_105, %add3A_480] : memref<128x128xf32, #tpu.memory_space<vmem>>[vector<16xi32>, vector<16xi32>], vector<16xf32>,
        %mul3A_482 = arith.mulf %gather3A_481, %select_n3A : vector<16xf32>
        tpu.vector_store_idx %arg11[%and3A_479, %add3A_105], %mul3A_482 : memref<64x128xf32, #tpu.memory_space<vmem>>[vector<16xi32>, vector<16xi32>], vector<16xf32>,
        %add3A_483 = arith.constant 42 : i32
        %add3A_484 = vector.broadcast %add3A_483 : i32 to vector<16xi32>
        %add3A_485 = arith.addi %add3A_484, %iota3A : vector<16xi32>
        %and3A_486 = arith.constant 63 : i32
        %and3A_487 = vector.broadcast %and3A_486 : i32 to vector<16xi32>
        %and3A_488 = arith.andi %add3A_485, %and3A_487 : vector<16xi32>
        %add3A_489 = arith.addi %mul3A_97, %and3A_488 : vector<16xi32>
        %gather3A_490 = tpu.vector_load_idx %arg9[%add3A_105, %add3A_489] : memref<128x128xf32, #tpu.memory_space<vmem>>[vector<16xi32>, vector<16xi32>], vector<16xf32>,
        %mul3A_491 = arith.mulf %gather3A_490, %select_n3A : vector<16xf32>
        tpu.vector_store_idx %arg11[%and3A_488, %add3A_105], %mul3A_491 : memref<64x128xf32, #tpu.memory_space<vmem>>[vector<16xi32>, vector<16xi32>], vector<16xf32>,
        %add3A_492 = arith.constant 43 : i32
        %add3A_493 = vector.broadcast %add3A_492 : i32 to vector<16xi32>
        %add3A_494 = arith.addi %add3A_493, %iota3A : vector<16xi32>
        %and3A_495 = arith.constant 63 : i32
        %and3A_496 = vector.broadcast %and3A_495 : i32 to vector<16xi32>
        %and3A_497 = arith.andi %add3A_494, %and3A_496 : vector<16xi32>
        %add3A_498 = arith.addi %mul3A_97, %and3A_497 : vector<16xi32>
        %gather3A_499 = tpu.vector_load_idx %arg9[%add3A_105, %add3A_498] : memref<128x128xf32, #tpu.memory_space<vmem>>[vector<16xi32>, vector<16xi32>], vector<16xf32>,
        %mul3A_500 = arith.mulf %gather3A_499, %select_n3A : vector<16xf32>
        tpu.vector_store_idx %arg11[%and3A_497, %add3A_105], %mul3A_500 : memref<64x128xf32, #tpu.memory_space<vmem>>[vector<16xi32>, vector<16xi32>], vector<16xf32>,
        %add3A_501 = arith.constant 44 : i32
        %add3A_502 = vector.broadcast %add3A_501 : i32 to vector<16xi32>
        %add3A_503 = arith.addi %add3A_502, %iota3A : vector<16xi32>
        %and3A_504 = arith.constant 63 : i32
        %and3A_505 = vector.broadcast %and3A_504 : i32 to vector<16xi32>
        %and3A_506 = arith.andi %add3A_503, %and3A_505 : vector<16xi32>
        %add3A_507 = arith.addi %mul3A_97, %and3A_506 : vector<16xi32>
        %gather3A_508 = tpu.vector_load_idx %arg9[%add3A_105, %add3A_507] : memref<128x128xf32, #tpu.memory_space<vmem>>[vector<16xi32>, vector<16xi32>], vector<16xf32>,
        %mul3A_509 = arith.mulf %gather3A_508, %select_n3A : vector<16xf32>
        tpu.vector_store_idx %arg11[%and3A_506, %add3A_105], %mul3A_509 : memref<64x128xf32, #tpu.memory_space<vmem>>[vector<16xi32>, vector<16xi32>], vector<16xf32>,
        %add3A_510 = arith.constant 45 : i32
        %add3A_511 = vector.broadcast %add3A_510 : i32 to vector<16xi32>
        %add3A_512 = arith.addi %add3A_511, %iota3A : vector<16xi32>
        %and3A_513 = arith.constant 63 : i32
        %and3A_514 = vector.broadcast %and3A_513 : i32 to vector<16xi32>
        %and3A_515 = arith.andi %add3A_512, %and3A_514 : vector<16xi32>
        %add3A_516 = arith.addi %mul3A_97, %and3A_515 : vector<16xi32>
        %gather3A_517 = tpu.vector_load_idx %arg9[%add3A_105, %add3A_516] : memref<128x128xf32, #tpu.memory_space<vmem>>[vector<16xi32>, vector<16xi32>], vector<16xf32>,
        %mul3A_518 = arith.mulf %gather3A_517, %select_n3A : vector<16xf32>
        tpu.vector_store_idx %arg11[%and3A_515, %add3A_105], %mul3A_518 : memref<64x128xf32, #tpu.memory_space<vmem>>[vector<16xi32>, vector<16xi32>], vector<16xf32>,
        %add3A_519 = arith.constant 46 : i32
        %add3A_520 = vector.broadcast %add3A_519 : i32 to vector<16xi32>
        %add3A_521 = arith.addi %add3A_520, %iota3A : vector<16xi32>
        %and3A_522 = arith.constant 63 : i32
        %and3A_523 = vector.broadcast %and3A_522 : i32 to vector<16xi32>
        %and3A_524 = arith.andi %add3A_521, %and3A_523 : vector<16xi32>
        %add3A_525 = arith.addi %mul3A_97, %and3A_524 : vector<16xi32>
        %gather3A_526 = tpu.vector_load_idx %arg9[%add3A_105, %add3A_525] : memref<128x128xf32, #tpu.memory_space<vmem>>[vector<16xi32>, vector<16xi32>], vector<16xf32>,
        %mul3A_527 = arith.mulf %gather3A_526, %select_n3A : vector<16xf32>
        tpu.vector_store_idx %arg11[%and3A_524, %add3A_105], %mul3A_527 : memref<64x128xf32, #tpu.memory_space<vmem>>[vector<16xi32>, vector<16xi32>], vector<16xf32>,
        %add3A_528 = arith.constant 47 : i32
        %add3A_529 = vector.broadcast %add3A_528 : i32 to vector<16xi32>
        %add3A_530 = arith.addi %add3A_529, %iota3A : vector<16xi32>
        %and3A_531 = arith.constant 63 : i32
        %and3A_532 = vector.broadcast %and3A_531 : i32 to vector<16xi32>
        %and3A_533 = arith.andi %add3A_530, %and3A_532 : vector<16xi32>
        %add3A_534 = arith.addi %mul3A_97, %and3A_533 : vector<16xi32>
        %gather3A_535 = tpu.vector_load_idx %arg9[%add3A_105, %add3A_534] : memref<128x128xf32, #tpu.memory_space<vmem>>[vector<16xi32>, vector<16xi32>], vector<16xf32>,
        %mul3A_536 = arith.mulf %gather3A_535, %select_n3A : vector<16xf32>
        tpu.vector_store_idx %arg11[%and3A_533, %add3A_105], %mul3A_536 : memref<64x128xf32, #tpu.memory_space<vmem>>[vector<16xi32>, vector<16xi32>], vector<16xf32>,
        %add3A_537 = arith.constant 48 : i32
        %add3A_538 = vector.broadcast %add3A_537 : i32 to vector<16xi32>
        %add3A_539 = arith.addi %add3A_538, %iota3A : vector<16xi32>
        %and3A_540 = arith.constant 63 : i32
        %and3A_541 = vector.broadcast %and3A_540 : i32 to vector<16xi32>
        %and3A_542 = arith.andi %add3A_539, %and3A_541 : vector<16xi32>
        %add3A_543 = arith.addi %mul3A_97, %and3A_542 : vector<16xi32>
        %gather3A_544 = tpu.vector_load_idx %arg9[%add3A_105, %add3A_543] : memref<128x128xf32, #tpu.memory_space<vmem>>[vector<16xi32>, vector<16xi32>], vector<16xf32>,
        %mul3A_545 = arith.mulf %gather3A_544, %select_n3A : vector<16xf32>
        tpu.vector_store_idx %arg11[%and3A_542, %add3A_105], %mul3A_545 : memref<64x128xf32, #tpu.memory_space<vmem>>[vector<16xi32>, vector<16xi32>], vector<16xf32>,
        %add3A_546 = arith.constant 49 : i32
        %add3A_547 = vector.broadcast %add3A_546 : i32 to vector<16xi32>
        %add3A_548 = arith.addi %add3A_547, %iota3A : vector<16xi32>
        %and3A_549 = arith.constant 63 : i32
        %and3A_550 = vector.broadcast %and3A_549 : i32 to vector<16xi32>
        %and3A_551 = arith.andi %add3A_548, %and3A_550 : vector<16xi32>
        %add3A_552 = arith.addi %mul3A_97, %and3A_551 : vector<16xi32>
        %gather3A_553 = tpu.vector_load_idx %arg9[%add3A_105, %add3A_552] : memref<128x128xf32, #tpu.memory_space<vmem>>[vector<16xi32>, vector<16xi32>], vector<16xf32>,
        %mul3A_554 = arith.mulf %gather3A_553, %select_n3A : vector<16xf32>
        tpu.vector_store_idx %arg11[%and3A_551, %add3A_105], %mul3A_554 : memref<64x128xf32, #tpu.memory_space<vmem>>[vector<16xi32>, vector<16xi32>], vector<16xf32>,
        %add3A_555 = arith.constant 50 : i32
        %add3A_556 = vector.broadcast %add3A_555 : i32 to vector<16xi32>
        %add3A_557 = arith.addi %add3A_556, %iota3A : vector<16xi32>
        %and3A_558 = arith.constant 63 : i32
        %and3A_559 = vector.broadcast %and3A_558 : i32 to vector<16xi32>
        %and3A_560 = arith.andi %add3A_557, %and3A_559 : vector<16xi32>
        %add3A_561 = arith.addi %mul3A_97, %and3A_560 : vector<16xi32>
        %gather3A_562 = tpu.vector_load_idx %arg9[%add3A_105, %add3A_561] : memref<128x128xf32, #tpu.memory_space<vmem>>[vector<16xi32>, vector<16xi32>], vector<16xf32>,
        %mul3A_563 = arith.mulf %gather3A_562, %select_n3A : vector<16xf32>
        tpu.vector_store_idx %arg11[%and3A_560, %add3A_105], %mul3A_563 : memref<64x128xf32, #tpu.memory_space<vmem>>[vector<16xi32>, vector<16xi32>], vector<16xf32>,
        %add3A_564 = arith.constant 51 : i32
        %add3A_565 = vector.broadcast %add3A_564 : i32 to vector<16xi32>
        %add3A_566 = arith.addi %add3A_565, %iota3A : vector<16xi32>
        %and3A_567 = arith.constant 63 : i32
        %and3A_568 = vector.broadcast %and3A_567 : i32 to vector<16xi32>
        %and3A_569 = arith.andi %add3A_566, %and3A_568 : vector<16xi32>
        %add3A_570 = arith.addi %mul3A_97, %and3A_569 : vector<16xi32>
        %gather3A_571 = tpu.vector_load_idx %arg9[%add3A_105, %add3A_570] : memref<128x128xf32, #tpu.memory_space<vmem>>[vector<16xi32>, vector<16xi32>], vector<16xf32>,
        %mul3A_572 = arith.mulf %gather3A_571, %select_n3A : vector<16xf32>
        tpu.vector_store_idx %arg11[%and3A_569, %add3A_105], %mul3A_572 : memref<64x128xf32, #tpu.memory_space<vmem>>[vector<16xi32>, vector<16xi32>], vector<16xf32>,
        %add3A_573 = arith.constant 52 : i32
        %add3A_574 = vector.broadcast %add3A_573 : i32 to vector<16xi32>
        %add3A_575 = arith.addi %add3A_574, %iota3A : vector<16xi32>
        %and3A_576 = arith.constant 63 : i32
        %and3A_577 = vector.broadcast %and3A_576 : i32 to vector<16xi32>
        %and3A_578 = arith.andi %add3A_575, %and3A_577 : vector<16xi32>
        %add3A_579 = arith.addi %mul3A_97, %and3A_578 : vector<16xi32>
        %gather3A_580 = tpu.vector_load_idx %arg9[%add3A_105, %add3A_579] : memref<128x128xf32, #tpu.memory_space<vmem>>[vector<16xi32>, vector<16xi32>], vector<16xf32>,
        %mul3A_581 = arith.mulf %gather3A_580, %select_n3A : vector<16xf32>
        tpu.vector_store_idx %arg11[%and3A_578, %add3A_105], %mul3A_581 : memref<64x128xf32, #tpu.memory_space<vmem>>[vector<16xi32>, vector<16xi32>], vector<16xf32>,
        %add3A_582 = arith.constant 53 : i32
        %add3A_583 = vector.broadcast %add3A_582 : i32 to vector<16xi32>
        %add3A_584 = arith.addi %add3A_583, %iota3A : vector<16xi32>
        %and3A_585 = arith.constant 63 : i32
        %and3A_586 = vector.broadcast %and3A_585 : i32 to vector<16xi32>
        %and3A_587 = arith.andi %add3A_584, %and3A_586 : vector<16xi32>
        %add3A_588 = arith.addi %mul3A_97, %and3A_587 : vector<16xi32>
        %gather3A_589 = tpu.vector_load_idx %arg9[%add3A_105, %add3A_588] : memref<128x128xf32, #tpu.memory_space<vmem>>[vector<16xi32>, vector<16xi32>], vector<16xf32>,
        %mul3A_590 = arith.mulf %gather3A_589, %select_n3A : vector<16xf32>
        tpu.vector_store_idx %arg11[%and3A_587, %add3A_105], %mul3A_590 : memref<64x128xf32, #tpu.memory_space<vmem>>[vector<16xi32>, vector<16xi32>], vector<16xf32>,
        %add3A_591 = arith.constant 54 : i32
        %add3A_592 = vector.broadcast %add3A_591 : i32 to vector<16xi32>
        %add3A_593 = arith.addi %add3A_592, %iota3A : vector<16xi32>
        %and3A_594 = arith.constant 63 : i32
        %and3A_595 = vector.broadcast %and3A_594 : i32 to vector<16xi32>
        %and3A_596 = arith.andi %add3A_593, %and3A_595 : vector<16xi32>
        %add3A_597 = arith.addi %mul3A_97, %and3A_596 : vector<16xi32>
        %gather3A_598 = tpu.vector_load_idx %arg9[%add3A_105, %add3A_597] : memref<128x128xf32, #tpu.memory_space<vmem>>[vector<16xi32>, vector<16xi32>], vector<16xf32>,
        %mul3A_599 = arith.mulf %gather3A_598, %select_n3A : vector<16xf32>
        tpu.vector_store_idx %arg11[%and3A_596, %add3A_105], %mul3A_599 : memref<64x128xf32, #tpu.memory_space<vmem>>[vector<16xi32>, vector<16xi32>], vector<16xf32>,
        %add3A_600 = arith.constant 55 : i32
        %add3A_601 = vector.broadcast %add3A_600 : i32 to vector<16xi32>
        %add3A_602 = arith.addi %add3A_601, %iota3A : vector<16xi32>
        %and3A_603 = arith.constant 63 : i32
        %and3A_604 = vector.broadcast %and3A_603 : i32 to vector<16xi32>
        %and3A_605 = arith.andi %add3A_602, %and3A_604 : vector<16xi32>
        %add3A_606 = arith.addi %mul3A_97, %and3A_605 : vector<16xi32>
        %gather3A_607 = tpu.vector_load_idx %arg9[%add3A_105, %add3A_606] : memref<128x128xf32, #tpu.memory_space<vmem>>[vector<16xi32>, vector<16xi32>], vector<16xf32>,
        %mul3A_608 = arith.mulf %gather3A_607, %select_n3A : vector<16xf32>
        tpu.vector_store_idx %arg11[%and3A_605, %add3A_105], %mul3A_608 : memref<64x128xf32, #tpu.memory_space<vmem>>[vector<16xi32>, vector<16xi32>], vector<16xf32>,
        %add3A_609 = arith.constant 56 : i32
        %add3A_610 = vector.broadcast %add3A_609 : i32 to vector<16xi32>
        %add3A_611 = arith.addi %add3A_610, %iota3A : vector<16xi32>
        %and3A_612 = arith.constant 63 : i32
        %and3A_613 = vector.broadcast %and3A_612 : i32 to vector<16xi32>
        %and3A_614 = arith.andi %add3A_611, %and3A_613 : vector<16xi32>
        %add3A_615 = arith.addi %mul3A_97, %and3A_614 : vector<16xi32>
        %gather3A_616 = tpu.vector_load_idx %arg9[%add3A_105, %add3A_615] : memref<128x128xf32, #tpu.memory_space<vmem>>[vector<16xi32>, vector<16xi32>], vector<16xf32>,
        %mul3A_617 = arith.mulf %gather3A_616, %select_n3A : vector<16xf32>
        tpu.vector_store_idx %arg11[%and3A_614, %add3A_105], %mul3A_617 : memref<64x128xf32, #tpu.memory_space<vmem>>[vector<16xi32>, vector<16xi32>], vector<16xf32>,
        %add3A_618 = arith.constant 57 : i32
        %add3A_619 = vector.broadcast %add3A_618 : i32 to vector<16xi32>
        %add3A_620 = arith.addi %add3A_619, %iota3A : vector<16xi32>
        %and3A_621 = arith.constant 63 : i32
        %and3A_622 = vector.broadcast %and3A_621 : i32 to vector<16xi32>
        %and3A_623 = arith.andi %add3A_620, %and3A_622 : vector<16xi32>
        %add3A_624 = arith.addi %mul3A_97, %and3A_623 : vector<16xi32>
        %gather3A_625 = tpu.vector_load_idx %arg9[%add3A_105, %add3A_624] : memref<128x128xf32, #tpu.memory_space<vmem>>[vector<16xi32>, vector<16xi32>], vector<16xf32>,
        %mul3A_626 = arith.mulf %gather3A_625, %select_n3A : vector<16xf32>
        tpu.vector_store_idx %arg11[%and3A_623, %add3A_105], %mul3A_626 : memref<64x128xf32, #tpu.memory_space<vmem>>[vector<16xi32>, vector<16xi32>], vector<16xf32>,
        %add3A_627 = arith.constant 58 : i32
        %add3A_628 = vector.broadcast %add3A_627 : i32 to vector<16xi32>
        %add3A_629 = arith.addi %add3A_628, %iota3A : vector<16xi32>
        %and3A_630 = arith.constant 63 : i32
        %and3A_631 = vector.broadcast %and3A_630 : i32 to vector<16xi32>
        %and3A_632 = arith.andi %add3A_629, %and3A_631 : vector<16xi32>
        %add3A_633 = arith.addi %mul3A_97, %and3A_632 : vector<16xi32>
        %gather3A_634 = tpu.vector_load_idx %arg9[%add3A_105, %add3A_633] : memref<128x128xf32, #tpu.memory_space<vmem>>[vector<16xi32>, vector<16xi32>], vector<16xf32>,
        %mul3A_635 = arith.mulf %gather3A_634, %select_n3A : vector<16xf32>
        tpu.vector_store_idx %arg11[%and3A_632, %add3A_105], %mul3A_635 : memref<64x128xf32, #tpu.memory_space<vmem>>[vector<16xi32>, vector<16xi32>], vector<16xf32>,
        %add3A_636 = arith.constant 59 : i32
        %add3A_637 = vector.broadcast %add3A_636 : i32 to vector<16xi32>
        %add3A_638 = arith.addi %add3A_637, %iota3A : vector<16xi32>
        %and3A_639 = arith.constant 63 : i32
        %and3A_640 = vector.broadcast %and3A_639 : i32 to vector<16xi32>
        %and3A_641 = arith.andi %add3A_638, %and3A_640 : vector<16xi32>
        %add3A_642 = arith.addi %mul3A_97, %and3A_641 : vector<16xi32>
        %gather3A_643 = tpu.vector_load_idx %arg9[%add3A_105, %add3A_642] : memref<128x128xf32, #tpu.memory_space<vmem>>[vector<16xi32>, vector<16xi32>], vector<16xf32>,
        %mul3A_644 = arith.mulf %gather3A_643, %select_n3A : vector<16xf32>
        tpu.vector_store_idx %arg11[%and3A_641, %add3A_105], %mul3A_644 : memref<64x128xf32, #tpu.memory_space<vmem>>[vector<16xi32>, vector<16xi32>], vector<16xf32>,
        %add3A_645 = arith.constant 60 : i32
        %add3A_646 = vector.broadcast %add3A_645 : i32 to vector<16xi32>
        %add3A_647 = arith.addi %add3A_646, %iota3A : vector<16xi32>
        %and3A_648 = arith.constant 63 : i32
        %and3A_649 = vector.broadcast %and3A_648 : i32 to vector<16xi32>
        %and3A_650 = arith.andi %add3A_647, %and3A_649 : vector<16xi32>
        %add3A_651 = arith.addi %mul3A_97, %and3A_650 : vector<16xi32>
        %gather3A_652 = tpu.vector_load_idx %arg9[%add3A_105, %add3A_651] : memref<128x128xf32, #tpu.memory_space<vmem>>[vector<16xi32>, vector<16xi32>], vector<16xf32>,
        %mul3A_653 = arith.mulf %gather3A_652, %select_n3A : vector<16xf32>
        tpu.vector_store_idx %arg11[%and3A_650, %add3A_105], %mul3A_653 : memref<64x128xf32, #tpu.memory_space<vmem>>[vector<16xi32>, vector<16xi32>], vector<16xf32>,
        %add3A_654 = arith.constant 61 : i32
        %add3A_655 = vector.broadcast %add3A_654 : i32 to vector<16xi32>
        %add3A_656 = arith.addi %add3A_655, %iota3A : vector<16xi32>
        %and3A_657 = arith.constant 63 : i32
        %and3A_658 = vector.broadcast %and3A_657 : i32 to vector<16xi32>
        %and3A_659 = arith.andi %add3A_656, %and3A_658 : vector<16xi32>
        %add3A_660 = arith.addi %mul3A_97, %and3A_659 : vector<16xi32>
        %gather3A_661 = tpu.vector_load_idx %arg9[%add3A_105, %add3A_660] : memref<128x128xf32, #tpu.memory_space<vmem>>[vector<16xi32>, vector<16xi32>], vector<16xf32>,
        %mul3A_662 = arith.mulf %gather3A_661, %select_n3A : vector<16xf32>
        tpu.vector_store_idx %arg11[%and3A_659, %add3A_105], %mul3A_662 : memref<64x128xf32, #tpu.memory_space<vmem>>[vector<16xi32>, vector<16xi32>], vector<16xf32>,
        %add3A_663 = arith.constant 62 : i32
        %add3A_664 = vector.broadcast %add3A_663 : i32 to vector<16xi32>
        %add3A_665 = arith.addi %add3A_664, %iota3A : vector<16xi32>
        %and3A_666 = arith.constant 63 : i32
        %and3A_667 = vector.broadcast %and3A_666 : i32 to vector<16xi32>
        %and3A_668 = arith.andi %add3A_665, %and3A_667 : vector<16xi32>
        %add3A_669 = arith.addi %mul3A_97, %and3A_668 : vector<16xi32>
        %gather3A_670 = tpu.vector_load_idx %arg9[%add3A_105, %add3A_669] : memref<128x128xf32, #tpu.memory_space<vmem>>[vector<16xi32>, vector<16xi32>], vector<16xf32>,
        %mul3A_671 = arith.mulf %gather3A_670, %select_n3A : vector<16xf32>
        tpu.vector_store_idx %arg11[%and3A_668, %add3A_105], %mul3A_671 : memref<64x128xf32, #tpu.memory_space<vmem>>[vector<16xi32>, vector<16xi32>], vector<16xf32>,
        %add3A_672 = arith.constant 63 : i32
        %add3A_673 = vector.broadcast %add3A_672 : i32 to vector<16xi32>
        %add3A_674 = arith.addi %add3A_673, %iota3A : vector<16xi32>
        %and3A_675 = arith.constant 63 : i32
        %and3A_676 = vector.broadcast %and3A_675 : i32 to vector<16xi32>
        %and3A_677 = arith.andi %add3A_674, %and3A_676 : vector<16xi32>
        %add3A_678 = arith.addi %mul3A_97, %and3A_677 : vector<16xi32>
        %gather3A_679 = tpu.vector_load_idx %arg9[%add3A_105, %add3A_678] : memref<128x128xf32, #tpu.memory_space<vmem>>[vector<16xi32>, vector<16xi32>], vector<16xf32>,
        %mul3A_680 = arith.mulf %gather3A_679, %select_n3A : vector<16xf32>
        tpu.vector_store_idx %arg11[%and3A_677, %add3A_105], %mul3A_680 : memref<64x128xf32, #tpu.memory_space<vmem>>[vector<16xi32>, vector<16xi32>], vector<16xf32>,
      }
      %scan3A_81 = arith.constant 8 : i32
      %dma_start3A_82 = arith.constant 0 : i32
      %dma_start3A_83 = tpu.memref_slice %arg4[%add3A_60, %dma_start3A_82, %mul3A_2] : memref<200x64x4096xf32, #tpu.memory_space<hbm>> -> memref<1x64x128xf32, #tpu.memory_space<hbm>>
      %dma_start3A_84 = tpu.memref_squeeze %dma_start3A_83 : memref<1x64x128xf32, #tpu.memory_space<hbm>> -> memref<64x128xf32, #tpu.memory_space<hbm>>
      %dma_start3A_85 = arith.constant 0 : i32
      %dma_start3A_86 = tpu.memref_slice %arg4[%add3A_60, %dma_start3A_85, %mul3A_2] : memref<200x64x4096xf32, #tpu.memory_space<hbm>> -> memref<1x64x128xf32, #tpu.memory_space<hbm>>
      %dma_start3A_87 = tpu.memref_squeeze %dma_start3A_86 : memref<1x64x128xf32, #tpu.memory_space<hbm>> -> memref<64x128xf32, #tpu.memory_space<hbm>>
      tpu.enqueue_dma source(%arg11 : memref<64x128xf32, #tpu.memory_space<vmem>>) target(%dma_start3A_87 : memref<64x128xf32, #tpu.memory_space<hbm>>) target_semaphore(%arg15 : memref<!tpu.dma_semaphore, #tpu.memory_space<semaphore_mem>>)
    }
    %scan3A_15 = arith.constant 100 : i32
    %dma_wait3A = arith.constant 198 : i32
    %dma_wait3A_16 = arith.constant 0 : i32
    %dma_wait3A_17 = tpu.memref_slice %arg4[%dma_wait3A, %dma_wait3A_16, %mul3A_2] : memref<200x64x4096xf32, #tpu.memory_space<hbm>> -> memref<1x64x128xf32, #tpu.memory_space<hbm>>
    %dma_wait3A_18 = tpu.memref_squeeze %dma_wait3A_17 : memref<1x64x128xf32, #tpu.memory_space<hbm>> -> memref<64x128xf32, #tpu.memory_space<hbm>>
    %dma_wait3A_19 = arith.constant 0 : i32
    %dma_wait3A_20 = tpu.memref_slice %arg4[%dma_wait3A, %dma_wait3A_19, %mul3A_2] : memref<200x64x4096xf32, #tpu.memory_space<hbm>> -> memref<1x64x128xf32, #tpu.memory_space<hbm>>
    %dma_wait3A_21 = tpu.memref_squeeze %dma_wait3A_20 : memref<1x64x128xf32, #tpu.memory_space<hbm>> -> memref<64x128xf32, #tpu.memory_space<hbm>>
    tpu.wait_dma2 semaphore(%arg14 : memref<!tpu.dma_semaphore, #tpu.memory_space<semaphore_mem>>) src(%arg10 : memref<64x128xf32, #tpu.memory_space<vmem>>) dst(%dma_wait3A_21 : memref<64x128xf32, #tpu.memory_space<hbm>>)
    %dma_wait3A_22 = arith.constant 199 : i32
    %dma_wait3A_23 = arith.constant 0 : i32
    %dma_wait3A_24 = tpu.memref_slice %arg4[%dma_wait3A_22, %dma_wait3A_23, %mul3A_2] : memref<200x64x4096xf32, #tpu.memory_space<hbm>> -> memref<1x64x128xf32, #tpu.memory_space<hbm>>
    %dma_wait3A_25 = tpu.memref_squeeze %dma_wait3A_24 : memref<1x64x128xf32, #tpu.memory_space<hbm>> -> memref<64x128xf32, #tpu.memory_space<hbm>>
    %dma_wait3A_26 = arith.constant 0 : i32
    %dma_wait3A_27 = tpu.memref_slice %arg4[%dma_wait3A_22, %dma_wait3A_26, %mul3A_2] : memref<200x64x4096xf32, #tpu.memory_space<hbm>> -> memref<1x64x128xf32, #tpu.memory_space<hbm>>
    %dma_wait3A_28 = tpu.memref_squeeze %dma_wait3A_27 : memref<1x64x128xf32, #tpu.memory_space<hbm>> -> memref<64x128xf32, #tpu.memory_space<hbm>>
    tpu.wait_dma2 semaphore(%arg15 : memref<!tpu.dma_semaphore, #tpu.memory_space<semaphore_mem>>) src(%arg11 : memref<64x128xf32, #tpu.memory_space<vmem>>) dst(%dma_wait3A_28 : memref<64x128xf32, #tpu.memory_space<hbm>>)
    return
  }
}

</mosaic_0001>

<sc_bundles>
// kernel: _run2.3.cloned.1.call-start
scs
__scs_entry_jumppad:
0x0: {  	(pc) =	sbr.rel $0x88, $3  }
0x1: {  	(tag) =	ssettag $0x0;
	lr =	simm.s32 $0x1  }
0x2: {  	[smem:$0x3F9F] =	sst lr;
	_ =	strace $0xD0000000  }
0x3: {  	_ = 	snop  }
0x4: {  	_ = 	snop  }
0x5: {  	_ = 	snop  }
0x6: {  	_ = 	snop  }
0x7: {  	_ = 	snop  }
__scs_overlays_trampoline_lowered:
0x8: {  	[smem:$0x3FAE] =	sst s0  }
0x9: {  	[smem:$0x3FAF] =	sst s1  }
0xa: {  	[smem:$0x3FB0] =	sst s2  }
0xb: {  	[smem:$0x3FB1] =	sst s3  }
0xc: {  	[smem:$0x3FB2] =	sst s4  }
0xd: {  	[smem:$0x3FB3] =	sst s5  }
0xe: {  	[smem:$0x3FB4] =	sst s6  }
0xf: {  	[smem:$0x3FB5] =	sst s7  }
0x10: {  	[smem:$0x3FB6] =	sst s8  }
0x11: {  	[smem:$0x3FB7] =	sst s9;
	s0 =	simm.s32 @!p0 $0x0  }
0x12: {  	s1 =	sld [smem:$0x3F9D];
	s0 =	simm.s32 @p0 $0x1  }
0x13: {  	[smem:$0x3FB8] =	sst s0;
	s0 =	simm.s32 @!p1 $0x0  }
0x14: {  	s2 =	sld [smem:$0x3F9C];
	s0 =	simm.s32 @p1 $0x1  }
0x15: {  	[smem:$0x3FB9] =	sst s0;
	s0 =	simm.s32 @!p2 $0x0  }
0x16: {  	s3 =	sld [smem:$0x3FDB];
	s0 =	simm.s32 @p2 $0x1  }
0x17: {  	s4 =	simm.s32 $0x1BF5;
	[smem:$0x3FBB] =	sst s0  }
0x18: {  	s0 =	sld [smem:$0x3F9E];
	_ =	swait.ge [sflag:s4], $0x0  }
0x19: {  	s7 =	sld [smem:$0x3F9F]  }
0x1a: {  	s8 =	sadd.s32 $0xFFFFE003, lr  }
0x1b: {  	s9 =	sadd.s32 $0xFFFFFEF7, lr;
	s5 =	simm.s32 $0xFFFFFFFF;
	p2 =	slt.u32 s8, $0xFFFFF086  }
0x1c: {  	p1 =	slt.u32 s9, $0xF7A;
	s5 =	simm.s32 @!p2 $0x0  }
0x1d: {  	s5 =	simm.s32 @p1 $0x1;
	p0 =	seq.s32 s7, s2  }
0x1e: {  	s7 =	smul.u32 @!p0 $0xF7A, s2;
	p2 =	seq.s32 @!p0 s5, $0x0  }
0x1f: {  	s9 =	smul.u32 $0xF7A, s1;
	s8 =	simm.s32 @!p0 $0x1BF5;
	p2 =	por !p2, p0  }
0x20: {  	[sflag:s8] =	ssyncset.s32 @!p0 $0xFFFFF086;
	s6 =	sadd.s32 @!p0 s3, s7;
	s7 =	simm.s32 @!p0 $0x108  }
0x21: {  	s3 =	sadd.s32 s3, s9;
	s6 =	sadd.s32 @!p0 $0x88, s6;
	s7 =	simm.s32 @p2 $0x1082  }
0x22: {  	[simem:s7], [sflag:s8] =	dma.local @!p0 [hbm:s6], $0xF7A  }
0x23: {  	s9 =	sor.u32 $0xD0000000, s2;
	s6 =	simm.s32 $0x108;
	_ =	swait.ge @!p0 [sflag:s8], $0x0  }
0x24: {  	s3 =	sadd.s32 $0x88, s3;
	s6 =	simm.s32 @!p1 $0x1082;
	[sflag:s4] =	ssyncset.s32 $0xFFFFF086  }
0x25: {  	[simem:s6], [sflag:s4] =	dma.local [hbm:s3], $0xF7A  }
0x26: {  	[smem:$0x3F9F] =	sst s1;
	(tag) =	ssettag s2;
	_ =	strace s9  }
0x27: {  	s1 =	sld [smem:$0x3FAF]  }
0x28: {  	s2 =	sld [smem:$0x3FB0]  }
0x29: {  	s4 =	sld [smem:$0x3FB2]  }
0x2a: {  	p0 =	seq.s32 s5, $0x0;
	s5 =	sld [smem:$0x3FB3]  }
0x2b: {  	s6 =	sld [smem:$0x3FB4]  }
0x2c: {  	s7 =	sld [smem:$0x3FB5]  }
0x2d: {  	s3 =	simm.s32 $0x108;
	s8 =	sld [smem:$0x3FB6]  }
0x2e: {  	s3 =	simm.s32 @!p0 $0x1082;
	s9 =	sld [smem:$0x3FB7]  }
0x2f: {  	lr =	sadd.s32 s0, s3;
	s0 =	sld [smem:$0x3FAE]  }
0x30: {  	s3 =	sld [smem:$0x3FB1]  }
0x31: {  	[smem:$0x3FBA] =	sst s10  }
0x32: {  	s10 =	sld [smem:$0x3FB8];
	_ =	sdelay $0x3  }
0x33: {  	p0 =	seq.s32 s10, $0x1;
	s10 =	sld [smem:$0x3FBA];
	_ =	sdelay $0x3  }
0x34: {  	[smem:$0x3FBA] =	sst s10  }
0x35: {  	s10 =	sld [smem:$0x3FB9];
	_ =	sdelay $0x3  }
0x36: {  	p1 =	seq.s32 s10, $0x1;
	s10 =	sld [smem:$0x3FBA];
	_ =	sdelay $0x3  }
0x37: {  	[smem:$0x3FBA] =	sst s10  }
0x38: {  	s10 =	sld [smem:$0x3FBB]  }
0x39: {  	_ = 	snop;
	(pc) =	sbr.ind lr, $3  }
0x3a: {  	_ = 	snop  }
0x3b: {  	_ = 	snop  }
0x3c: {  	p2 =	seq.s32 s10, $0x1;
	s10 =	sld [smem:$0x3FBA]  }
0x3d: {  	_ =	shalt  }
0x3e: {  	_ =	shalt  }
0x3f: {  	_ =	shalt  }
0x40: {  	_ =	shalt  }
0x41: {  	_ =	shalt  }
0x42: {  	_ =	shalt  }
0x43: {  	_ =	shalt  }
0x44: {  	_ =	shalt  }
0x45: {  	_ =	shalt  }
0x46: {  	_ =	shalt  }
0x47: {  	_ =	shalt  }
0x48: {  	_ =	shalt  }
0x49: {  	_ =	shalt  }
0x4a: {  	_ =	shalt  }
0x4b: {  	_ =	shalt  }
0x4c: {  	_ =	shalt  }
0x4d: {  	_ =	shalt  }
0x4e: {  	_ =	shalt  }
0x4f: {  	_ =	shalt  }
0x50: {  	_ =	shalt  }
0x51: {  	_ =	shalt  }
0x52: {  	_ =	shalt  }
0x53: {  	_ =	shalt  }
0x54: {  	_ =	shalt  }
0x55: {  	_ =	shalt  }
0x56: {  	_ =	shalt  }
0x57: {  	_ =	shalt  }
0x58: {  	_ =	shalt  }
0x59: {  	_ =	shalt  }
0x5a: {  	_ =	shalt  }
0x5b: {  	_ =	shalt  }
0x5c: {  	_ =	shalt  }
0x5d: {  	_ =	shalt  }
0x5e: {  	_ =	shalt  }
0x5f: {  	_ =	shalt  }
0x60: {  	_ =	shalt  }
0x61: {  	_ =	shalt  }
0x62: {  	_ =	shalt  }
0x63: {  	_ =	shalt  }
0x64: {  	_ =	shalt  }
0x65: {  	_ =	shalt  }
0x66: {  	_ =	shalt  }
0x67: {  	_ =	shalt  }
0x68: {  	_ =	shalt  }
0x69: {  	_ =	shalt  }
0x6a: {  	_ =	shalt  }
0x6b: {  	_ =	shalt  }
0x6c: {  	_ =	shalt  }
0x6d: {  	_ =	shalt  }
0x6e: {  	_ =	shalt  }
0x6f: {  	_ =	shalt  }
0x70: {  	_ =	shalt  }
0x71: {  	_ =	shalt  }
0x72: {  	_ =	shalt  }
0x73: {  	_ =	shalt  }
0x74: {  	_ =	shalt  }
0x75: {  	_ =	shalt  }
0x76: {  	_ =	shalt  }
0x77: {  	_ =	shalt  }
0x78: {  	_ =	shalt  }
0x79: {  	_ =	shalt  }
0x7a: {  	_ =	shalt  }
0x7b: {  	_ =	shalt  }
0x7c: {  	_ =	shalt  }
0x7d: {  	_ =	shalt  }
0x7e: {  	_ =	shalt  }
0x7f: {  	_ =	shalt  }
0x80: {  	_ =	shalt  }
0x81: {  	_ =	shalt  }
0x82: {  	_ =	shalt  }
0x83: {  	_ =	shalt  }
0x84: {  	_ =	shalt  }
0x85: {  	_ =	shalt  }
0x86: {  	_ =	shalt  }
0x87: {  	_ =	shalt  }
.Lfunc_end0:
.L_simem_size_0:
called_computation_lowered:
.L_overlay_start_0:
0x88: {  	s2 =	sld [smem:$0x3FD9]  }
0x89: {  	s3 =	sld [smem:$0x3FFE];
	_ =	sdelay $0x1  }
0x8a: {  	s1 =	srdreg.scid  }
0x8b: {  	s0 =	sand.u32 $0x1, s1  }
0x8c: {  	s18 =	sshll.u32 s0, $0xA;
	s2 =	sadd.s32 s3, s2  }
0x8d: {  	s2 =	sadd.s32 s2, s18  }
0x8e: {  	[smem:$0x3FC6] =	sst s2  }
0x8f: {  	_ = 	snop  }
0x90: {  	s2 =	sld [smem:$0x3FC9]  }
0x91: {  	s19 =	sld [smem:$0x3FC8]  }
0x92: {  	s4 =	sld [smem:$0x3FD0];
	(tm) =	ssettm $0x1  }
0x93: {  	s5 =	sld [smem:$0x3FFB];
	_ =	sdelay $0x3  }
0x94: {  	_ =	strace s5  }
0x95: {  	s5 =	sld [smem:$0x3FFC];
	_ =	sdelay $0x3  }
0x96: {  	_ =	strace s5  }
0x97: {  	s5 =	sld [smem:$0x3FFD];
	_ =	sdelay $0x3  }
0x98: {  	_ =	strace s5  }
0x99: {  	_ =	strace $0x8FFFFFFF  }
0x9a: {  	s20 =	sld [smem:$0x3FDB];
	_ =	sdelay $0x1  }
0x9b: {  	s6 =	simm.s32 $_scs_section_size  }
0x9c: {  	s7 =	simm.s32 $_size__tile_overlayer_lowered;
	s8 =	simm.s32 $_tile_overlayer_lowered  }
0x9d: {  	s23 =	simm.s32 $0x1BFF;
	s22 =	sshll.u32 s8, $0x1;
	s5 =	sadd.s32 s6, s20  }
0x9e: {  	s9 =	simm.s32 $0x0;
	s21 =	sshll.u32 s7, $0x1;
	s7 =	sadd.s32 s22, s5  }
0x9f: {  	[timem:s9], [sflag:s23] =	dma.local [hbm:s7], s21  }
0xa0: {  	_ =	swait.ge [sflag:s23], s21  }
0xa1: {  	s6 =	ssub.s32 $0x0, s21;
	[sflag:s23] =	ssyncset.done $0x0  }
0xa2: {  	[sflag:s23] =	ssyncadd.s32 s6;
	_ =	sdelay $0x1  }
0xa3: {  	s24 =	simm.s32 $0x1B8B  }
0xa4: {  	_ =	swait.ge [sflag:s24], $0x1  }
0xa5: {  	[sflag:s24] =	ssyncset.done $0x0  }
0xa6: {  	s25 =	simm.s32 $0x1B8E;
	[sflag:s24] =	ssyncadd.s32 $0xFFFFFFFF  }
0xa7: {  	s26 =	simm.s32 $execute0_lowered;
	[smem:$0x3FD2] =	sst s25  }
0xa8: {  	s6 =	sshll.u32 s26, $0x1;
	_ =	strace $0x80000046;
	[dreg:$0x1] =	wrdreg $0xFFFFFFFF  }
0xa9: {  	s28 =	simm.s32 $_size_execute0_lowered;
	s5 =	sadd.s32 s5, s6;
	[dreg:$0x0] =	wrdreg $0x0  }
0xaa: {  	s6 =	sshll.u32 s28, $0x1;
	[dreg:$0x2] =	wrdreg s5  }
0xab: {  	[dreg:$0x3] =	wrdreg s6  }
0xac: {  	[dreg:$0x4] =	wrdreg $0xC0  }
0xad: {  	_ =	task [dreg:s9], $0x5FFFF  }
0xae: {  	[dreg:$0x1] =	wrdreg $0xFFFFFFFF  }
0xaf: {  	[dreg:$0x0] =	wrdreg $0x60  }
0xb0: {  	[dreg:$0x2] =	wrdreg s2  }
0xb1: {  	[dreg:$0x3] =	wrdreg s19  }
0xb2: {  	[dreg:$0x4] =	wrdreg s4  }
0xb3: {  	[dreg:$0x5] =	wrdreg $0x9  }
0xb4: {  	_ =	task.clear_ibuf [dreg:s9], $0x6FFFF;
	_ =	strace $0x90000046  }
0xb5: {  	s29 =	simm.s32 $0x9;
	_ =	strace $0x80000048  }
0xb6: {  	_ =	swait.ge [sflag:s29], $0x1  }
0xb7: {  	[sflag:s29] =	ssyncadd.s32 $0xFFFFFFFF  }
0xb8: {  	_ =	strace $0x90000048  }
0xb9: {  	_ =	sfence  }
0xba: {  	s30 =	sld [smem:$0x0];
	_ =	sdelay $0x2  }
0xbb: {  	s31 =	sshll.u32 s1, $0xD;
	s1 =	sshrl.u32 s1, $0x2  }
0xbc: {  	s3 =	sand.u32 $0x4000, s31;
	s1 =	sadd.s32 s1, s30  }
0xbd: {  	s0 =	sor.u32 s3, s0;
	s1 =	sshll.u32 s1, $0x11  }
0xbe: {  	s0 =	sor.u32 s1, s0  }
0xbf: {  	s0 =	sadd.s32 $0x8F2B, s0  }
0xc0: {  	[sflag:s0] =	ssyncadd.remote.s32 $0x1  }
0xc1: {  	_ =	sfence.sel $0xFFFF  }
0xc2: {  	[dreg:$0x0] =	wrdreg $0xFFFFFFFF;
	(pc) =	sbr.abs _section_cstart, $3  }
0xc3: {  	[dreg:$0x1] =	wrdreg $0xFFFFFFFF  }
0xc4: {  	_ =	task.clear_ibuf [dreg:s9], $0x2FFFF;
	_ =	strace $0x9FFFFFFF  }
0xc5: {  	(tm) =	ssettm $0x7FFFFFFF  }
tec
execute0_lowered:
.L_overlay_start_1:
0x0: {  	(tag) =	ssettag $0x1  }
0x1: {  	v0 =	vimm.s32 $0x3F3E3D  }
0x2: {  	vm0 =	vcmask $0x300;
	v50 =	vimm.s32 $0xF;
	v1 =	vimm.s32 $0x32107654  }
0x3: {  	v2 =	vimm.s32 $0x1003F3E;
	v51 =	vimm.s32 $0x201003F;
	v3 =	vimm.s32 $0x43218765  }
0x4: {  	v4 =	vimm.s32 $0x3F3E3D3C;
	v52 =	vimm.s32 $0x54329876;
	vm1 =	vcmask $0x2F10  }
0x5: {  	v53 =	vimm.s32 $0xB0A0908;
	v5 =	vimm.s32 $0x6543A987;
	v6 =	vimm.s32 $0xC0B0A09  }
0x6: {  	v7 =	vimm.s32 $0xD0C0B0A;
	v8 =	vimm.s32 $0xE0D0C0B;
	v54 =	vimm.s32 $0x8F  }
0x7: {  	v55 =	vimm.s32 $0x10F;
	v56 =	vimm.s32 $0x18F;
	v57 =	vimm.s32 $0x20F  }
0x8: {  	v58 =	vimm.s32 $0x28F;
	v9 =	vimm.s32 $0x48F;
	v10 =	vimm.s32 $0x50F  }
0x9: {  	v11 =	vimm.s32 $0x58F;
	v12 =	vimm.s32 $0x60F;
	v13 =	vimm.s32 $0x68F  }
0xa: {  	v14 =	vimm.s32 $0x70F;
	v33 =	vimm.s32 $0x38373635;
	v40 =	vimm.s32 $0x36353433  }
0xb: {  	v42 =	vimm.s32 $0x3A393837;
	v44 =	vimm.s32 $0x3E3D3C3B;
	v18 =	vunpack.c.0.s8.s32 v0  }
0xc: {  	v0 =	vsel vm0, $0x1880, v50;
	v1 =	vunpack.c.l.s4.s8 v1;
	v19 =	vunpack.c.0.s8.s32 v2  }
0xd: {  	v3 =	vunpack.c.l.s4.s8 v3;
	v20 =	vunpack.c.0.s8.s32 v51;
	v21 =	vunpack.c.0.s8.s32 v4  }
0xe: {  	v2 =	vunpack.c.l.s4.s8 v52;
	v5 =	vunpack.c.l.s4.s8 v5;
	v4 =	vunpack.c.0.s8.s32 v53  }
0xf: {  	v6 =	vunpack.c.0.s8.s32 v6;
	v7 =	vunpack.c.0.s8.s32 v7;
	v8 =	vunpack.c.0.s8.s32 v8  }
0x10: {  	v9 =	vsel vm0, $0x1D00, v9;
	v10 =	vsel vm0, $0x1D80, v10;
	v11 =	vsel vm0, $0x1E00, v11  }
0x11: {  	v1 =	vunpack.c.0.s8.s32 v1;
	v3 =	vunpack.c.0.s8.s32 v3;
	v2 =	vunpack.c.0.s8.s32 v2  }
0x12: {  	v12 =	vsel vm0, $0x1E80, v12;
	v13 =	vsel vm0, $0x1F00, v13;
	v5 =	vunpack.c.0.s8.s32 v5  }
0x13: {  	v1 =	vand.u32 $0xF, v1;
	v3 =	vand.u32 $0xF, v3;
	v2 =	vand.u32 $0xF, v2  }
0x14: {  	v5 =	vand.u32 $0xF, v5;
	v1 =	vsel vm1, v1, v21;
	v3 =	vsel vm1, v3, v18  }
0x15: {  	v2 =	vsel vm1, v2, v19;
	v5 =	vsel vm1, v5, v20;
	vm1 =	vcmask $0x3F30  }
0x16: {  	v14 =	vsel vm0, $0x1F80, v14;
	v34 =	vunpack.c.0.s8.s32 v33;
	v22 =	vsel vm1, v4, v1  }
0x17: {  	v23 =	vsel vm1, v6, v3;
	v24 =	vsel vm1, v7, v2;
	v25 =	vsel vm1, v8, v5  }
0x18: {  	vm1 =	vcmask $0x704;
	v1 =	vsel vm0, $0x1900, v54;
	v2 =	vsel vm0, $0x1980, v55  }
0x19: {  	v3 =	vsel vm0, $0x1A00, v56;
	v4 =	vsel vm0, $0x1A80, v57;
	v5 =	vsel vm0, $0x1B00, v58  }
0x1a: {  	v6 =	vimm.s32 $0x30F;
	v7 =	vimm.s32 $0x38F;
	v8 =	vimm.s32 $0x40F  }
0x1b: {  	v0 =	vsel vm1, $0x1901, v0;
	v6 =	vsel vm0, $0x1B80, v6;
	v7 =	vsel vm0, $0x1C00, v7  }
0x1c: {  	v8 =	vsel vm0, $0x1C80, v8;
	vm0 =	vcmask $0xB08;
	v1 =	vsel vm1, $0x1981, v1  }
0x1d: {  	v2 =	vsel vm1, $0x1A01, v2;
	v3 =	vsel vm1, $0x1A81, v3;
	v4 =	vsel vm1, $0x1B01, v4  }
0x1e: {  	v5 =	vsel vm1, $0x1B81, v5;
	v9 =	vsel vm1, $0x1D81, v9;
	v10 =	vsel vm1, $0x1E01, v10  }
0x1f: {  	v11 =	vsel vm1, $0x1E81, v11;
	v12 =	vsel vm1, $0x1F01, v12;
	v13 =	vsel vm1, $0x1F81, v13  }
0x20: {  	v14 =	vsel vm1, $0x1, v14;
	v6 =	vsel vm1, $0x1C01, v6;
	v7 =	vsel vm1, $0x1C81, v7  }
0x21: {  	v15 =	vsel vm1, $0x1D01, v8;
	v8 =	vlaneseq.u32;
	v0 =	vsel vm0, $0x1982, v0  }
0x22: {  	v1 =	vsel vm0, $0x1A02, v1;
	v2 =	vsel vm0, $0x1A82, v2;
	v3 =	vsel vm0, $0x1B02, v3  }
0x23: {  	v4 =	vsel vm0, $0x1B82, v4;
	v5 =	vsel vm0, $0x1C02, v5;
	v9 =	vsel vm0, $0x1E02, v9  }
0x24: {  	v10 =	vsel vm0, $0x1E82, v10;
	v11 =	vsel vm0, $0x1F02, v11;
	v12 =	vsel vm0, $0x1F82, v12  }
0x25: {  	v13 =	vsel vm0, $0x2, v13;
	v14 =	vsel vm0, $0x82, v14;
	v6 =	vsel vm0, $0x1C82, v6  }
0x26: {  	v7 =	vsel vm0, $0x1D02, v7;
	v15 =	vsel vm0, $0x1D82, v15;
	vm0 =	vcmask $0xF0C  }
0x27: {  	v41 =	vunpack.c.0.s8.s32 v40;
	v16 =	vmul.u32 $0x80, v8;
	v0 =	vsel vm0, $0x1A03, v0  }
0x28: {  	v1 =	vsel vm0, $0x1A83, v1;
	v2 =	vsel vm0, $0x1B03, v2;
	v3 =	vsel vm0, $0x1B83, v3  }
0x29: {  	v4 =	vsel vm0, $0x1C03, v4;
	v5 =	vsel vm0, $0x1C83, v5;
	v6 =	vsel vm0, $0x1D03, v6  }
0x2a: {  	v7 =	vsel vm0, $0x1D83, v7;
	v15 =	vsel vm0, $0x1E03, v15;
	v9 =	vsel vm0, $0x1E83, v9  }
0x2b: {  	v10 =	vsel vm0, $0x1F03, v10;
	v12 =	vsel vm0, $0x3, v12;
	v13 =	vsel vm0, $0x83, v13  }
0x2c: {  	v14 =	vsel vm0, $0x103, v14;
	[tilespmem:$0x1F9D0] =	vst v16;
	v16 =	vsel vm0, $0x1F83, v11;
	vm0 =	vcmask $0x1310  }
0x2d: {  	v17 =	vadd.s32 $0x1, v8;
	v11 =	vmul.u32 $0x81, v8;
	v0 =	vsel vm0, $0x1A84, v0  }
0x2e: {  	v1 =	vsel vm0, $0x1B04, v1;
	v2 =	vsel vm0, $0x1B84, v2;
	v3 =	vsel vm0, $0x1C04, v3  }
0x2f: {  	v4 =	vsel vm0, $0x1C84, v4;
	v5 =	vsel vm0, $0x1D04, v5;
	v6 =	vsel vm0, $0x1D84, v6  }
0x30: {  	v7 =	vsel vm0, $0x1E04, v7;
	v15 =	vsel vm0, $0x1E84, v15;
	v9 =	vsel vm0, $0x1F04, v9  }
0x31: {  	v10 =	vsel vm0, $0x1F84, v10;
	v16 =	vsel vm0, $0x4, v16;
	v12 =	vsel vm0, $0x84, v12  }
0x32: {  	v13 =	vsel vm0, $0x104, v13;
	v14 =	vsel vm0, $0x184, v14;
	vm0 =	vcmask $0x1714  }
0x33: {  	v43 =	vunpack.c.0.s8.s32 v42;
	[tilespmem:$0x1F9E0] =	vst v17;
	v17 =	vadd.s32 $0x80, v11;
	v0 =	vsel vm0, $0x1B05, v0  }
0x34: {  	v1 =	vsel vm0, $0x1B85, v1;
	v2 =	vsel vm0, $0x1C05, v2;
	v3 =	vsel vm0, $0x1C85, v3  }
0x35: {  	v4 =	vsel vm0, $0x1D05, v4;
	v5 =	vsel vm0, $0x1D85, v5;
	v6 =	vsel vm0, $0x1E05, v6  }
0x36: {  	v7 =	vsel vm0, $0x1E85, v7;
	v15 =	vsel vm0, $0x1F05, v15;
	v9 =	vsel vm0, $0x1F85, v9  }
0x37: {  	v10 =	vsel vm0, $0x5, v10;
	v16 =	vsel vm0, $0x85, v16;
	v12 =	vsel vm0, $0x105, v12  }
0x38: {  	v13 =	vsel vm0, $0x185, v13;
	v14 =	vsel vm0, $0x205, v14;
	vm0 =	vcmask $0x1B18  }
0x39: {  	v49 =	vunpack.c.0.s8.s32 v44;
	[tilespmem:$0x1F9F0] =	vst v17;
	v17 =	vadd.s32 $0x2, v8;
	v0 =	vsel vm0, $0x1B86, v0  }
0x3a: {  	v1 =	vsel vm0, $0x1C06, v1;
	v2 =	vsel vm0, $0x1C86, v2;
	v3 =	vsel vm0, $0x1D06, v3  }
0x3b: {  	v4 =	vsel vm0, $0x1D86, v4;
	v5 =	vsel vm0, $0x1E06, v5;
	v6 =	vsel vm0, $0x1E86, v6  }
0x3c: {  	v7 =	vsel vm0, $0x1F06, v7;
	v15 =	vsel vm0, $0x1F86, v15;
	v9 =	vsel vm0, $0x6, v9  }
0x3d: {  	v10 =	vsel vm0, $0x86, v10;
	v16 =	vsel vm0, $0x106, v16;
	v12 =	vsel vm0, $0x186, v12  }
0x3e: {  	v13 =	vsel vm0, $0x206, v13;
	v14 =	vsel vm0, $0x286, v14;
	vm0 =	vcmask $0x1F1C  }
0x3f: {  	v38 =	vadd.s32 $0xA, v8;
	[tilespmem:$0x1FA00] =	vst v17;
	v17 =	vadd.s32 $0x100, v11;
	v0 =	vsel vm0, $0x1C07, v0  }
0x40: {  	v1 =	vsel vm0, $0x1C87, v1;
	v2 =	vsel vm0, $0x1D07, v2;
	v3 =	vsel vm0, $0x1D87, v3  }
0x41: {  	v4 =	vsel vm0, $0x1E07, v4;
	v5 =	vsel vm0, $0x1E87, v5;
	v6 =	vsel vm0, $0x1F07, v6  }
0x42: {  	v7 =	vsel vm0, $0x1F87, v7;
	v15 =	vsel vm0, $0x7, v15;
	v9 =	vsel vm0, $0x87, v9  }
0x43: {  	v10 =	vsel vm0, $0x107, v10;
	v16 =	vsel vm0, $0x187, v16;
	v12 =	vsel vm0, $0x207, v12  }
0x44: {  	v13 =	vsel vm0, $0x287, v13;
	v14 =	vsel vm0, $0x307, v14;
	vm0 =	vcmask $0x2320  }
0x45: {  	v40 =	vadd.s32 $0x13, v8;
	[tilespmem:$0x1FA10] =	vst v17;
	v17 =	vadd.s32 $0x3, v8;
	v0 =	vsel vm0, $0x1C88, v0  }
0x46: {  	v1 =	vsel vm0, $0x1D08, v1;
	v2 =	vsel vm0, $0x1D88, v2;
	v3 =	vsel vm0, $0x1E08, v3  }
0x47: {  	v4 =	vsel vm0, $0x1E88, v4;
	v5 =	vsel vm0, $0x1F08, v5;
	v6 =	vsel vm0, $0x1F88, v6  }
0x48: {  	v7 =	vsel vm0, $0x8, v7;
	v15 =	vsel vm0, $0x88, v15;
	v9 =	vsel vm0, $0x108, v9  }
0x49: {  	v10 =	vsel vm0, $0x188, v10;
	v16 =	vsel vm0, $0x208, v16;
	v12 =	vsel vm0, $0x288, v12  }
0x4a: {  	v13 =	vsel vm0, $0x308, v13;
	v14 =	vsel vm0, $0x388, v14;
	vm0 =	vcmask $0x2724  }
0x4b: {  	v42 =	vadd.s32 $0x14, v8;
	[tilespmem:$0x1FA20] =	vst v17;
	v17 =	vadd.s32 $0x180, v11;
	v0 =	vsel vm0, $0x1D09, v0  }
0x4c: {  	v1 =	vsel vm0, $0x1D89, v1;
	v2 =	vsel vm0, $0x1E09, v2;
	v3 =	vsel vm0, $0x1E89, v3  }
0x4d: {  	v4 =	vsel vm0, $0x1F09, v4;
	v5 =	vsel vm0, $0x1F89, v5;
	v6 =	vsel vm0, $0x9, v6  }
0x4e: {  	v7 =	vsel vm0, $0x89, v7;
	v15 =	vsel vm0, $0x109, v15;
	v9 =	vsel vm0, $0x189, v9  }
0x4f: {  	v10 =	vsel vm0, $0x209, v10;
	v16 =	vsel vm0, $0x289, v16;
	v12 =	vsel vm0, $0x309, v12  }
0x50: {  	v13 =	vsel vm0, $0x389, v13;
	v14 =	vsel vm0, $0x409, v14;
	vm0 =	vcmask $0x2B28  }
0x51: {  	v44 =	vadd.s32 $0x15, v8;
	[tilespmem:$0x1FA30] =	vst v17;
	v17 =	vadd.s32 $0x4, v8;
	v0 =	vsel vm0, $0x1D8A, v0  }
0x52: {  	v1 =	vsel vm0, $0x1E0A, v1;
	v2 =	vsel vm0, $0x1E8A, v2;
	v3 =	vsel vm0, $0x1F0A, v3  }
0x53: {  	v4 =	vsel vm0, $0x1F8A, v4;
	v5 =	vsel vm0, $0xA, v5;
	v6 =	vsel vm0, $0x8A, v6  }
0x54: {  	v7 =	vsel vm0, $0x10A, v7;
	v15 =	vsel vm0, $0x18A, v15;
	v9 =	vsel vm0, $0x20A, v9  }
0x55: {  	v10 =	vsel vm0, $0x28A, v10;
	v16 =	vsel vm0, $0x30A, v16;
	v12 =	vsel vm0, $0x38A, v12  }
0x56: {  	[tilespmem:$0x1FBF0] =	vst v38;
	v13 =	vsel vm0, $0x40A, v13;
	v14 =	vsel vm0, $0x48A, v14;
	vm0 =	vcmask $0x2F2C  }
0x57: {  	v38 =	vadd.s32 $0x12, v8;
	[tilespmem:$0x1FA40] =	vst v17;
	v17 =	vadd.s32 $0x200, v11;
	v0 =	vsel vm0, $0x1E0B, v0  }
0x58: {  	v1 =	vsel vm0, $0x1E8B, v1;
	v2 =	vsel vm0, $0x1F0B, v2;
	v3 =	vsel vm0, $0x1F8B, v3  }
0x59: {  	v4 =	vsel vm0, $0xB, v4;
	v5 =	vsel vm0, $0x8B, v5;
	v6 =	vsel vm0, $0x10B, v6  }
0x5a: {  	v7 =	vsel vm0, $0x18B, v7;
	v15 =	vsel vm0, $0x20B, v15;
	v9 =	vsel vm0, $0x28B, v9  }
0x5b: {  	v10 =	vsel vm0, $0x30B, v10;
	v16 =	vsel vm0, $0x38B, v16;
	v12 =	vsel vm0, $0x40B, v12  }
0x5c: {  	v13 =	vsel vm0, $0x48B, v13;
	v14 =	vsel vm0, $0x50B, v14;
	vm0 =	vcmask $0x3330  }
0x5d: {  	v33 =	vadd.s32 $0x780, v11;
	[tilespmem:$0x1FA50] =	vst v17;
	v17 =	vadd.s32 $0x5, v8;
	v0 =	vsel vm0, $0x1E8C, v0  }
0x5e: {  	[tilespmem:$0x1FC00] =	vst v34;
	v1 =	vsel vm0, $0x1F0C, v1;
	v2 =	vsel vm0, $0x1F8C, v2;
	v3 =	vsel vm0, $0xC, v3  }
0x5f: {  	[tilespmem:$0x1FC60] =	vst v43;
	v4 =	vsel vm0, $0x8C, v4;
	v5 =	vsel vm0, $0x10C, v5;
	v6 =	vsel vm0, $0x18C, v6  }
0x60: {  	[tilespmem:$0x1FC80] =	vst v49;
	v7 =	vsel vm0, $0x20C, v7;
	v15 =	vsel vm0, $0x28C, v15;
	v9 =	vsel vm0, $0x30C, v9  }
0x61: {  	[tilespmem:$0x1FC90] =	vst v21;
	v10 =	vsel vm0, $0x38C, v10;
	v16 =	vsel vm0, $0x40C, v16;
	v12 =	vsel vm0, $0x48C, v12  }
0x62: {  	[tilespmem:$0x1FE40] =	vst v40;
	v13 =	vsel vm0, $0x50C, v13;
	v14 =	vsel vm0, $0x58C, v14;
	vm0 =	vcmask $0x3734  }
0x63: {  	[tilespmem:$0x1FA60] =	vst v17;
	v17 =	vadd.s32 $0x280, v11;
	v0 =	vsel vm0, $0x1F0D, v0;
	v1 =	vsel vm0, $0x1F8D, v1  }
0x64: {  	[tilespmem:$0x1FE60] =	vst v42;
	v2 =	vsel vm0, $0xD, v2;
	v3 =	vsel vm0, $0x8D, v3;
	v4 =	vsel vm0, $0x10D, v4  }
0x65: {  	[tilespmem:$0x1FE80] =	vst v44;
	v5 =	vsel vm0, $0x18D, v5;
	v6 =	vsel vm0, $0x20D, v6;
	v7 =	vsel vm0, $0x28D, v7  }
0x66: {  	[tilespmem:$0x1FE20] =	vst v38;
	v15 =	vsel vm0, $0x30D, v15;
	v9 =	vsel vm0, $0x38D, v9;
	v10 =	vsel vm0, $0x40D, v10  }
0x67: {  	[tilespmem:$0x1FDD0] =	vst v33;
	v16 =	vsel vm0, $0x48D, v16;
	v12 =	vsel vm0, $0x50D, v12;
	v13 =	vsel vm0, $0x58D, v13  }
0x68: {  	v14 =	vsel vm0, $0x60D, v14;
	vm0 =	vcmask $0x3B38;
	[tilespmem:$0x1FA70] =	vst v17;
	v17 =	vadd.s32 $0x6, v8  }
0x69: {  	v0 =	vsel vm0, $0x1F8E, v0;
	[tilespmem:$0x1FA80] =	vst v17  }
0x6a: {  	v59 =	vsel vm0, $0xE, v1;
	[tilespmem:$0x1FB00] =	vst v0  }
0x6b: {  	v60 =	vsel vm0, $0x8E, v2;
	[tilespmem:$0x1FB10] =	vst v59  }
0x6c: {  	v61 =	vsel vm0, $0x10E, v3;
	[tilespmem:$0x1FB20] =	vst v60  }
0x6d: {  	v62 =	vsel vm0, $0x18E, v4;
	[tilespmem:$0x1FB30] =	vst v61  }
0x6e: {  	v63 =	vsel vm0, $0x20E, v5;
	[tilespmem:$0x1FB40] =	vst v62  }
0x6f: {  	v4 =	vsel vm0, $0x28E, v6;
	[tilespmem:$0x1FB50] =	vst v63  }
0x70: {  	v5 =	vsel vm0, $0x30E, v7;
	[tilespmem:$0x1FB60] =	vst v4  }
0x71: {  	v26 =	vsel vm0, $0x38E, v15;
	[tilespmem:$0x1FB70] =	vst v5  }
0x72: {  	v27 =	vsel vm0, $0x40E, v9;
	[tilespmem:$0x1FB80] =	vst v26  }
0x73: {  	v28 =	vsel vm0, $0x48E, v10;
	[tilespmem:$0x1FB90] =	vst v27  }
0x74: {  	v29 =	vsel vm0, $0x50E, v16;
	[tilespmem:$0x1FBA0] =	vst v28  }
0x75: {  	v30 =	vsel vm0, $0x58E, v12;
	[tilespmem:$0x1FBB0] =	vst v29  }
0x76: {  	v31 =	vsel vm0, $0x60E, v13;
	[tilespmem:$0x1FBC0] =	vst v30  }
0x77: {  	v36 =	vimm.s32 $0x39383736;
	v32 =	vsel vm0, $0x68E, v14;
	[tilespmem:$0x1FBD0] =	vst v31  }
0x78: {  	v37 =	vimm.s32 $0x3C3B3A39;
	v1 =	vunpack.c.0.s8.s32 v36;
	v36 =	vadd.s32 $0x11, v8;
	[tilespmem:$0x1FBE0] =	vst v32  }
0x79: {  	v2 =	vunpack.c.0.s8.s32 v37;
	v37 =	vadd.s32 $0x880, v11;
	[tilespmem:$0x1FE00] =	vst v36  }
0x7a: {  	v17 =	vadd.s32 $0x300, v11;
	[tilespmem:$0x1FE10] =	vst v37  }
0x7b: {  	v47 =	vimm.s32 $0x3B3A3938;
	[tilespmem:$0x1FA90] =	vst v17  }
0x7c: {  	v6 =	vunpack.c.0.s8.s32 v47;
	[tilespmem:$0x1FC20] =	vst v2  }
0x7d: {  	[tilespmem:$0x1FC30] =	vst v1  }
0x7e: {  	v26 =	vadd.s32 $0xC, v8;
	[tilespmem:$0x1FCA0] =	vst v6  }
0x7f: {  	v27 =	vadd.s32 $0x600, v11;
	[tilespmem:$0x1FD60] =	vst v26  }
0x80: {  	v28 =	vadd.s32 $0xD, v8;
	[tilespmem:$0x1FD70] =	vst v27  }
0x81: {  	v29 =	vadd.s32 $0x680, v11;
	[tilespmem:$0x1FD80] =	vst v28  }
0x82: {  	v30 =	vadd.s32 $0xE, v8;
	[tilespmem:$0x1FD90] =	vst v29  }
0x83: {  	v31 =	vadd.s32 $0x700, v11;
	[tilespmem:$0x1FDA0] =	vst v30  }
0x84: {  	v35 =	vimm.s32 $0x35343332;
	v32 =	vadd.s32 $0xF, v8;
	[tilespmem:$0x1FDB0] =	vst v31  }
0x85: {  	v0 =	vunpack.c.0.s8.s32 v35;
	v35 =	vor.u32 $0x800, v11;
	[tilespmem:$0x1FDC0] =	vst v32  }
0x86: {  	v45 =	vimm.s32 $0x3020100;
	v17 =	vadd.s32 $0x7, v8;
	[tilespmem:$0x1FDF0] =	vst v35  }
0x87: {  	v2 =	vunpack.c.0.s8.s32 v45;
	v45 =	vadd.s32 $0xA80, v11;
	[tilespmem:$0x1FAA0] =	vst v17  }
0x88: {  	vm0 =	vcmask $0x1F10;
	v59 =	vimm.s32 $0x76543210;
	v17 =	vadd.s32 $0x380, v11;
	[tilespmem:$0x1FE90] =	vst v45  }
0x89: {  	v5 =	vunpack.c.l.s4.s8 v59;
	v0 =	vsel vm0, v1, v0;
	[tilespmem:$0x1FAB0] =	vst v17  }
0x8a: {  	v17 =	vadd.s32 $0x8, v8;
	[tilespmem:$0x1FC40] =	vst v0  }
0x8b: {  	v62 =	vunpack.c.0.s8.s32 v5;
	v5 =	vadd.s32 $0x500, v11;
	[tilespmem:$0x1FAC0] =	vst v17  }
0x8c: {  	v39 =	vimm.s32 $0x3D3C3B3A;
	v51 =	vsel vm0, v2, v21;
	v21 =	vadd.s32 $0x580, v11;
	[tilespmem:$0x1FD30] =	vst v5  }
0x8d: {  	v0 =	vunpack.c.0.s8.s32 v39;
	v39 =	vadd.s32 $0x900, v11;
	[tilespmem:$0x1FD50] =	vst v21  }
0x8e: {  	v17 =	vadd.s32 $0x400, v11;
	[tilespmem:$0x1FE30] =	vst v39  }
0x8f: {  	[tilespmem:$0x1FAD0] =	vst v17  }
0x90: {  	[tilespmem:$0x1FC50] =	vst v0  }
0x91: {  	v48 =	vimm.s32 $0x4030201;
	v17 =	vadd.s32 $0x9, v8;
	[tilespmem:$0x1FCF0] =	vst v62  }
0x92: {  	v46 =	vimm.s32 $0x37363534;
	v50 =	vunpack.c.0.s8.s32 v48;
	[tilespmem:$0x1FAE0] =	vst v17;
	v17 =	vadd.s32 $0x480, v11  }
0x93: {  	v53 =	vimm.s32 $0x5040302;
	v0 =	vsel vm0, v43, v41;
	[tilespmem:$0x1FAF0] =	vst v17;
	v17 =	vimm.s32 $0x34333231  }
0x94: {  	v56 =	vimm.s32 $0x87654321;
	v41 =	vadd.s32 $0x980, v11;
	[tilespmem:$0x1FC70] =	vst v0;
	v17 =	vunpack.c.0.s8.s32 v17  }
0x95: {  	v58 =	vimm.s32 $0xA9876543;
	v2 =	vunpack.c.l.s4.s8 v56;
	v43 =	vadd.s32 $0xA00, v11;
	[tilespmem:$0x1FE50] =	vst v41  }
0x96: {  	v54 =	vunpack.c.0.s8.s32 v53;
	v4 =	vunpack.c.l.s4.s8 v58;
	[tilespmem:$0x1FE70] =	vst v43;
	v3 =	vsel vm0, v34, v17  }
0x97: {  	v2 =	vunpack.c.0.s8.s32 v2;
	v0 =	vsel vm0, v50, v18;
	[tilespmem:$0x1FC10] =	vst v3;
	v3 =	vunpack.c.0.s8.s32 v46  }
0x98: {  	v57 =	vimm.s32 $0x98765432;
	v61 =	vunpack.c.0.s8.s32 v4;
	[tilespmem:$0x1FCC0] =	vst v0;
	v0 =	vsel vm0, v54, v19  }
0x99: {  	v63 =	vand.u32 $0xF, v2;
	[tilespmem:$0x1FCD0] =	vst v0;
	v52 =	vsel vm0, v6, v3;
	v3 =	vunpack.c.l.s4.s8 v57  }
0x9a: {  	[tilespmem:$0x1FD00] =	vst v63;
	v0 =	vand.u32 $0xF, v61;
	v1 =	vcombine.low v52, v51  }
0x9b: {  	v55 =	vimm.s32 $0x6050403;
	[tilespmem:$0x1FD20] =	vst v0;
	v3 =	vunpack.c.0.s8.s32 v3  }
0x9c: {  	s6 =	rddreg [dreg:$0x0];
	v34 =	vor.u32 $0x10, v8;
	[tilespmem:$0x1FCB0] =	vst v1;
	v1 =	vunpack.c.0.s8.s32 v55  }
0x9d: {  	s0 =	rddreg [dreg:$0x1];
	s4 =	srdreg.scid;
	[tilespmem:$0x1FDE0] =	vst v34;
	v4 =	vand.u32 $0xF, v3  }
0x9e: {  	s2 =	rddreg [dreg:$0x2];
	s4 =	sand.u32 $0x1, s4;
	v60 =	vsel vm0, v1, v20;
	[tilespmem:$0x1FD10] =	vst v4  }
0x9f: {  	s7 =	ssub.s32 $0x2, s4;
	s5 =	sshll.u32 s4, $0xE;
	s4 =	simm.s32 $0x0;
	v17 =	vmov v20;
	v20 =	vadd.s32 $0xB, v8;
	[tilespmem:$0x1FCE0] =	vst v60  }
0xa0: {  	[smem:$0x7FF] =	sst s4;
	v46 =	vadd.s32 $0x16, v8;
	[tilespmem:$0x1FD40] =	vst v20  }
0xa1: {  	s1 =	rddreg [dreg:$0x3];
	v47 =	vadd.s32 $0xB00, v11;
	_ =	strace $0x80000047;
	[tilespmem:$0x1FEA0] =	vst v46  }
0xa2: {  	v48 =	vadd.s32 $0x17, v8;
	[tilespmem:$0x1FEB0] =	vst v47  }
0xa3: {  	v49 =	vadd.s32 $0xB80, v11;
	[tilespmem:$0x1FEC0] =	vst v48  }
0xa4: {  	v50 =	vadd.s32 $0x18, v8;
	[tilespmem:$0x1FED0] =	vst v49  }
0xa5: {  	v51 =	vadd.s32 $0xC00, v11;
	[tilespmem:$0x1FEE0] =	vst v50  }
0xa6: {  	v52 =	vadd.s32 $0x19, v8;
	[tilespmem:$0x1FEF0] =	vst v51  }
0xa7: {  	v53 =	vadd.s32 $0xC80, v11;
	[tilespmem:$0x1FF00] =	vst v52  }
0xa8: {  	v54 =	vadd.s32 $0x1A, v8;
	[tilespmem:$0x1FF10] =	vst v53  }
0xa9: {  	v55 =	vadd.s32 $0xD00, v11;
	[tilespmem:$0x1FF20] =	vst v54  }
0xaa: {  	v56 =	vadd.s32 $0x1B, v8;
	[tilespmem:$0x1FF30] =	vst v55  }
0xab: {  	v57 =	vadd.s32 $0xD80, v11;
	[tilespmem:$0x1FF40] =	vst v56  }
0xac: {  	v58 =	vadd.s32 $0x1C, v8;
	[tilespmem:$0x1FF50] =	vst v57  }
0xad: {  	v59 =	vadd.s32 $0xE00, v11;
	[tilespmem:$0x1FF60] =	vst v58  }
0xae: {  	v60 =	vadd.s32 $0x1D, v8;
	[tilespmem:$0x1FF70] =	vst v59  }
0xaf: {  	s3 =	stileid.u32;
	s10 =	simm.s32 $0x5;
	v61 =	vadd.s32 $0xE80, v11;
	[tilespmem:$0x1FF80] =	vst v60  }
0xb0: {  	s11 =	simm.s32 $0x6400;
	s12 =	simm.s32 $0x6500;
	s13 =	simm.s32 $0x80;
	v62 =	vadd.s32 $0x1E, v8;
	[tilespmem:$0x1FF90] =	vst v61  }
0xb1: {  	s14 =	simm.s32 $0x6480;
	s15 =	simm.s32 $0xA500;
	s16 =	simm.s32 $0x1;
	v63 =	vadd.s32 $0xF00, v11;
	[tilespmem:$0x1FFA0] =	vst v62  }
0xb2: {  	s17 =	simm.s32 $0xE500;
	s18 =	simm.s32 $0x2;
	s19 =	simm.s32 $0x4;
	[tilespmem:$0x1FFB0] =	vst v63  }
0xb3: {  	s20 =	simm.s32 $0x10500;
	s21 =	simm.s32 $0x3;
	s8 =	sshll.u32 s3, $0xA;
	[tilespmem:$0x1FFC0] =	vst v24  }
0xb4: {  	s22 =	simm.s32 $0x0;
	s9 =	sshrl.u32 s7, $0x1;
	s5 =	sor.u32 s8, s5;
	[tilespmem:$0x1FFD0] =	vst v25  }
0xb5: {  	s7 =	ssub.s32 s7, s9;
	s8 =	sshrl.u32 s5, $0x3;
	s9 =	simm.s32 $0x8000;
	[tilespmem:$0x1FFE0] =	vst v22  }
0xb6: {  	s6 =	sadd.s32 s6, s8;
	s7 =	smax.u32 s7, $0x1;
	s8 =	simm.s32 $0x400;
	v15 =	vmov v18;
	v16 =	vmov v19;
	[tilespmem:$0x1FFF0] =	vst v23  }
.LBB2_1:
0xb7: {  	[tilespmem:s4], [sflag:$0x5] =	stream.strided.gather [hbm4b:s6+s8], $0x6400, s9, s8, $0x38;
	[tilespmem:$0x12500] =	vst v63  }
0xb8: {  	_ =	swait.ge [sflag:s10], $0x6400  }
0xb9: {  	[sflag:s10] =	ssyncset.done $0x0  }
0xba: {  	[sflag:s10] =	ssyncadd.s32 $0xFFFF9C00  }
0xbb: {  	v0 =	vld [tilespmem:$0x0]  }
0xbc: {  	v1 =	vld [tilespmem:$0x10]  }
0xbd: {  	v2 =	vld [tilespmem:$0x20]  }
0xbe: {  	v3 =	vld [tilespmem:$0x30]  }
0xbf: {  	v4 =	vld [tilespmem:$0x40]  }
0xc0: {  	v5 =	vld [tilespmem:$0x50];
	v0 =	vshrl.u32 v0, $0x1  }
0xc1: {  	v56 =	vld [tilespmem:$0x60];
	v55 =	vshrl.u32 v1, $0x1;
	[tilespmem:$0x6400] =	vst v0  }
0xc2: {  	v58 =	vld [tilespmem:$0x70];
	v57 =	vshrl.u32 v2, $0x1;
	[tilespmem:$0x6410] =	vst v55  }
0xc3: {  	v59 =	vshrl.u32 v3, $0x1;
	[tilespmem:$0x6420] =	vst v57  }
0xc4: {  	v60 =	vshrl.u32 v4, $0x1;
	[tilespmem:$0x6430] =	vst v59  }
0xc5: {  	v61 =	vshrl.u32 v5, $0x1;
	[tilespmem:$0x6440] =	vst v60  }
0xc6: {  	v62 =	vshrl.u32 v56, $0x1;
	[tilespmem:$0x6450] =	vst v61  }
0xc7: {  	v63 =	vshrl.u32 v58, $0x1;
	[tilespmem:$0x6460] =	vst v62  }
0xc8: {  	s23 =	simm.s32 $0x80;
	s24 =	simm.s32 $0x0;
	s25 =	simm.s32 $0x0;
	[tilespmem:$0x6470] =	vst v63  }
0xc9: {  	[tilespmem:s12], [sflag:$0x1] =	stream.indirect.gather [hbm4b:s0+s13], $0x80, s11, s13, $0xb8;
	[tilespmem:$0x12500] =	vst v63  }
.LBB2_2:
0xca: {  	s26 =	sshllo.u32 s25, $0x1  }
0xcb: {  	s28 =	sshll.u32 s26, $0x7  }
0xcc: {  	s28 =	sand.u32 $0x3FFFFF80, s28  }
0xcd: {  	v0 =	vld [tilespmem:s28+$0x0];
	_ =	sdelay $0x4  }
0xce: {  	v0 =	vshrl.u32 v0, $0x1  }
0xcf: {  	[tilespmem:$0x6480] =	vst v0  }
0xd0: {  	v0 =	vld [tilespmem:s28+$0x10];
	_ =	sdelay $0x4  }
0xd1: {  	v0 =	vshrl.u32 v0, $0x1  }
0xd2: {  	[tilespmem:$0x6490] =	vst v0  }
0xd3: {  	v0 =	vld [tilespmem:s28+$0x20];
	_ =	sdelay $0x4  }
0xd4: {  	v0 =	vshrl.u32 v0, $0x1  }
0xd5: {  	[tilespmem:$0x64A0] =	vst v0  }
0xd6: {  	v0 =	vld [tilespmem:s28+$0x30];
	_ =	sdelay $0x4  }
0xd7: {  	v0 =	vshrl.u32 v0, $0x1  }
0xd8: {  	[tilespmem:$0x64B0] =	vst v0  }
0xd9: {  	v0 =	vld [tilespmem:s28+$0x40];
	_ =	sdelay $0x4  }
0xda: {  	v0 =	vshrl.u32 v0, $0x1  }
0xdb: {  	[tilespmem:$0x64C0] =	vst v0  }
0xdc: {  	v0 =	vld [tilespmem:s28+$0x50];
	_ =	sdelay $0x4  }
0xdd: {  	v0 =	vshrl.u32 v0, $0x1  }
0xde: {  	[tilespmem:$0x64D0] =	vst v0  }
0xdf: {  	v0 =	vld [tilespmem:s28+$0x60];
	_ =	sdelay $0x4  }
0xe0: {  	v0 =	vshrl.u32 v0, $0x1  }
0xe1: {  	[tilespmem:$0x64E0] =	vst v0  }
0xe2: {  	v0 =	vld [tilespmem:s28+$0x70];
	_ =	sdelay $0x4  }
0xe3: {  	v0 =	vshrl.u32 v0, $0x1  }
0xe4: {  	[tilespmem:$0x64F0] =	vst v0  }
0xe5: {  	[tilespmem:s15], [sflag:$0x2] =	stream.indirect.gather [hbm4b:s0+s13], $0x80, s14, s13, $0xb8;
	[tilespmem:$0x12500] =	vst v63  }
0xe6: {  	_ =	swait.ge [sflag:s16], $0x4000  }
0xe7: {  	p0 =	seq.s32 s25, $0x0;
	[sflag:s16] =	ssyncset.done $0x0  }
0xe8: {  	s28 =	simm.s32 @!p0 $0x3;
	[sflag:s16] =	ssyncadd.s32 $0xFFFFC000  }
0xe9: {  	_ =	swait.ge @!p0 [sflag:s28], $0x2000  }
0xea: {  	v28 =	vld [tilespmem:$0x1FC20]  }
0xeb: {  	v21 =	vld [tilespmem:$0x1FC50]  }
0xec: {  	v23 =	vld [tilespmem:$0x1FC80]  }
0xed: {  	v24 =	vld [tilespmem:$0x1FF80]  }
0xee: {  	v25 =	vld [tilespmem:$0x1FF90]  }
0xef: {  	s29 =	sshll.u32 s25, $0x8;
	s30 =	smov.u32 s24;
	[sflag:s28] =	ssyncset.done @!p0 $0x0;
	v22 =	vld [tilespmem:$0x1FFA0]  }
0xf0: {  	v26 =	vld [tilespmem:$0x1FFB0];
	[sflag:s28] =	ssyncadd.s32 @!p0 $0xFFFFE000;
	s28 =	sand.u32 $0x3FFFFF00, s29;
	s29 =	simm.s32 $0x0  }
.LBB2_3:
0xf1: {  	v0 =	vld [tilespmem:s30+$0x0]  }
0xf2: {  	v3 =	vld [tilespmem:$0x1F9D0];
	_ =	sdelay $0x2  }
0xf3: {  	v1 =	vmov s29  }
0xf4: {  	v1 =	vshll.u32 v1, $0x7;
	v2 =	vshll.u32 v0, $0x6  }
0xf5: {  	v1 =	vor.u32 v3, v1;
	v2 =	vand.u32 $0x40, v2  }
0xf6: {  	v13 =	vor.u32 v1, v2  }
0xf7: {  	v1 =	vor.u32 v8, v13;
	_ =	sdelay $0x3  }
0xf8: {  	vm1 =	veq.s32 v0, $0x0;
	v0 =	vld [tilespmem:$0x1F9E0]  }
0xf9: {  	v1 =	vld.idx.msk [tilespmem:v1+s12+$0x0], $0xffff;
	_ =	sdelay $0x1  }
0xfa: {  	v2 =	vor.u32 s29, v11  }
0xfb: {  	v3 =	vimm.f32 $8.000000000e+00  }
0xfc: {  	v14 =	vsel vm1, $0x0, v3  }
0xfd: {  	v0 =	vor.u32 v0, v13;
	v1 =	vmul.f32 v14, v1;
	_ =	sdelay $0x1  }
0xfe: {  	[tilespmem:v2+s17+$0x0] =	vst.idx.msk $0xffff, v1;
	v1 =	vld [tilespmem:$0x1F9F0]  }
0xff: {  	v2 =	vld [tilespmem:$0x1FA00];
	_ =	sdelay $0x1  }
0x100: {  	v0 =	vld.idx.msk [tilespmem:v0+s12+$0x0], $0xffff;
	_ =	sdelay $0x1  }
0x101: {  	v1 =	vor.u32 s29, v1  }
0x102: {  	v2 =	vor.u32 v2, v13;
	_ =	sdelay $0x1  }
0x103: {  	v0 =	vmul.f32 v0, v14;
	_ =	sdelay $0x1  }
0x104: {  	[tilespmem:v1+s17+$0x0] =	vst.idx.msk $0xffff, v0;
	v1 =	vld [tilespmem:$0x1FA10]  }
0x105: {  	v0 =	vld.idx.msk [tilespmem:v2+s12+$0x0], $0xffff  }
0x106: {  	v2 =	vld [tilespmem:$0x1FA20];
	_ =	sdelay $0x3  }
0x107: {  	v1 =	vor.u32 s29, v1  }
0x108: {  	v2 =	vor.u32 v2, v13;
	_ =	sdelay $0x1  }
0x109: {  	v0 =	vmul.f32 v0, v14;
	_ =	sdelay $0x1  }
0x10a: {  	[tilespmem:v1+s17+$0x0] =	vst.idx.msk $0xffff, v0;
	v1 =	vld [tilespmem:$0x1FA30]  }
0x10b: {  	v0 =	vld.idx.msk [tilespmem:v2+s12+$0x0], $0xffff  }
0x10c: {  	v2 =	vld [tilespmem:$0x1FA40];
	_ =	sdelay $0x3  }
0x10d: {  	v1 =	vor.u32 s29, v1  }
0x10e: {  	v2 =	vor.u32 v2, v13;
	_ =	sdelay $0x1  }
0x10f: {  	v0 =	vmul.f32 v0, v14;
	_ =	sdelay $0x1  }
0x110: {  	[tilespmem:v1+s17+$0x0] =	vst.idx.msk $0xffff, v0;
	v1 =	vld [tilespmem:$0x1FA50]  }
0x111: {  	v0 =	vld.idx.msk [tilespmem:v2+s12+$0x0], $0xffff  }
0x112: {  	v2 =	vld [tilespmem:$0x1FA60];
	_ =	sdelay $0x3  }
0x113: {  	v1 =	vor.u32 s29, v1  }
0x114: {  	v2 =	vor.u32 v2, v13;
	_ =	sdelay $0x1  }
0x115: {  	v0 =	vmul.f32 v0, v14;
	_ =	sdelay $0x1  }
0x116: {  	[tilespmem:v1+s17+$0x0] =	vst.idx.msk $0xffff, v0;
	v1 =	vld [tilespmem:$0x1FA70]  }
0x117: {  	v0 =	vld.idx.msk [tilespmem:v2+s12+$0x0], $0xffff  }
0x118: {  	v2 =	vld [tilespmem:$0x1FA80];
	_ =	sdelay $0x3  }
0x119: {  	v1 =	vor.u32 s29, v1  }
0x11a: {  	v2 =	vor.u32 v2, v13;
	_ =	sdelay $0x1  }
0x11b: {  	v0 =	vmul.f32 v0, v14;
	_ =	sdelay $0x1  }
0x11c: {  	[tilespmem:v1+s17+$0x0] =	vst.idx.msk $0xffff, v0;
	v1 =	vld [tilespmem:$0x1FA90]  }
0x11d: {  	v0 =	vld.idx.msk [tilespmem:v2+s12+$0x0], $0xffff  }
0x11e: {  	v2 =	vld [tilespmem:$0x1FAA0];
	_ =	sdelay $0x3  }
0x11f: {  	v1 =	vor.u32 s29, v1  }
0x120: {  	v2 =	vor.u32 v2, v13;
	_ =	sdelay $0x1  }
0x121: {  	v0 =	vmul.f32 v0, v14;
	_ =	sdelay $0x1  }
0x122: {  	[tilespmem:v1+s17+$0x0] =	vst.idx.msk $0xffff, v0;
	v1 =	vld [tilespmem:$0x1FAB0]  }
0x123: {  	v0 =	vld.idx.msk [tilespmem:v2+s12+$0x0], $0xffff  }
0x124: {  	v2 =	vld [tilespmem:$0x1FAC0];
	_ =	sdelay $0x3  }
0x125: {  	v1 =	vor.u32 s29, v1  }
0x126: {  	v2 =	vor.u32 v2, v13;
	_ =	sdelay $0x1  }
0x127: {  	v0 =	vmul.f32 v0, v14;
	_ =	sdelay $0x1  }
0x128: {  	[tilespmem:v1+s17+$0x0] =	vst.idx.msk $0xffff, v0;
	v1 =	vld [tilespmem:$0x1FAD0]  }
0x129: {  	v0 =	vld.idx.msk [tilespmem:v2+s12+$0x0], $0xffff  }
0x12a: {  	v2 =	vld [tilespmem:$0x1FAE0];
	_ =	sdelay $0x3  }
0x12b: {  	v1 =	vor.u32 s29, v1  }
0x12c: {  	v2 =	vor.u32 v2, v13;
	_ =	sdelay $0x1  }
0x12d: {  	v0 =	vmul.f32 v0, v14;
	_ =	sdelay $0x1  }
0x12e: {  	[tilespmem:v1+s17+$0x0] =	vst.idx.msk $0xffff, v0;
	v1 =	vld [tilespmem:$0x1FAF0]  }
0x12f: {  	v0 =	vld.idx.msk [tilespmem:v2+s12+$0x0], $0xffff  }
0x130: {  	v2 =	vld [tilespmem:$0x1FBF0];
	_ =	sdelay $0x3  }
0x131: {  	v1 =	vor.u32 s29, v1  }
0x132: {  	v2 =	vor.u32 v2, v13;
	_ =	sdelay $0x1  }
0x133: {  	v0 =	vmul.f32 v0, v14;
	_ =	sdelay $0x1  }
0x134: {  	[tilespmem:v1+s17+$0x0] =	vst.idx.msk $0xffff, v0;
	v1 =	vld [tilespmem:$0x1FD30]  }
0x135: {  	v0 =	vld.idx.msk [tilespmem:v2+s12+$0x0], $0xffff  }
0x136: {  	v2 =	vld [tilespmem:$0x1FD40];
	_ =	sdelay $0x3  }
0x137: {  	v1 =	vor.u32 s29, v1  }
0x138: {  	v2 =	vor.u32 v2, v13;
	_ =	sdelay $0x1  }
0x139: {  	v0 =	vmul.f32 v0, v14;
	_ =	sdelay $0x1  }
0x13a: {  	[tilespmem:v1+s17+$0x0] =	vst.idx.msk $0xffff, v0;
	v1 =	vld [tilespmem:$0x1FD50]  }
0x13b: {  	v0 =	vld.idx.msk [tilespmem:v2+s12+$0x0], $0xffff  }
0x13c: {  	v2 =	vld [tilespmem:$0x1FD60];
	_ =	sdelay $0x3  }
0x13d: {  	v1 =	vor.u32 s29, v1  }
0x13e: {  	v2 =	vor.u32 v2, v13;
	_ =	sdelay $0x1  }
0x13f: {  	v0 =	vmul.f32 v0, v14;
	_ =	sdelay $0x1  }
0x140: {  	[tilespmem:v1+s17+$0x0] =	vst.idx.msk $0xffff, v0;
	v1 =	vld [tilespmem:$0x1FD70]  }
0x141: {  	v0 =	vld.idx.msk [tilespmem:v2+s12+$0x0], $0xffff  }
0x142: {  	v2 =	vld [tilespmem:$0x1FD80];
	_ =	sdelay $0x3  }
0x143: {  	v1 =	vor.u32 s29, v1  }
0x144: {  	v2 =	vor.u32 v2, v13;
	_ =	sdelay $0x1  }
0x145: {  	v0 =	vmul.f32 v0, v14;
	_ =	sdelay $0x1  }
0x146: {  	[tilespmem:v1+s17+$0x0] =	vst.idx.msk $0xffff, v0;
	v1 =	vld [tilespmem:$0x1FD90]  }
0x147: {  	v0 =	vld.idx.msk [tilespmem:v2+s12+$0x0], $0xffff  }
0x148: {  	v2 =	vld [tilespmem:$0x1FDA0];
	_ =	sdelay $0x3  }
0x149: {  	v1 =	vor.u32 s29, v1  }
0x14a: {  	v2 =	vor.u32 v2, v13;
	_ =	sdelay $0x1  }
0x14b: {  	v0 =	vmul.f32 v0, v14;
	_ =	sdelay $0x1  }
0x14c: {  	[tilespmem:v1+s17+$0x0] =	vst.idx.msk $0xffff, v0;
	v1 =	vld [tilespmem:$0x1FDB0]  }
0x14d: {  	v0 =	vld.idx.msk [tilespmem:v2+s12+$0x0], $0xffff  }
0x14e: {  	v2 =	vld [tilespmem:$0x1FDC0];
	_ =	sdelay $0x3  }
0x14f: {  	v1 =	vor.u32 s29, v1  }
0x150: {  	v2 =	vor.u32 v2, v13;
	_ =	sdelay $0x1  }
0x151: {  	v0 =	vmul.f32 v0, v14;
	_ =	sdelay $0x1  }
0x152: {  	[tilespmem:v1+s17+$0x0] =	vst.idx.msk $0xffff, v0;
	v1 =	vld [tilespmem:$0x1FDD0]  }
0x153: {  	v0 =	vld.idx.msk [tilespmem:v2+s12+$0x0], $0xffff  }
0x154: {  	v2 =	vld [tilespmem:$0x1FDE0];
	_ =	sdelay $0x3  }
0x155: {  	v1 =	vor.u32 s29, v1  }
0x156: {  	v2 =	vor.u32 v2, v13;
	_ =	sdelay $0x1  }
0x157: {  	v0 =	vmul.f32 v0, v14;
	_ =	sdelay $0x1  }
0x158: {  	[tilespmem:v1+s17+$0x0] =	vst.idx.msk $0xffff, v0;
	v1 =	vld [tilespmem:$0x1FDF0]  }
0x159: {  	v0 =	vld.idx.msk [tilespmem:v2+s12+$0x0], $0xffff  }
0x15a: {  	v2 =	vld [tilespmem:$0x1FE00];
	_ =	sdelay $0x3  }
0x15b: {  	v1 =	vor.u32 s29, v1  }
0x15c: {  	v2 =	vor.u32 v2, v13;
	_ =	sdelay $0x1  }
0x15d: {  	v0 =	vmul.f32 v0, v14;
	_ =	sdelay $0x1  }
0x15e: {  	[tilespmem:v1+s17+$0x0] =	vst.idx.msk $0xffff, v0;
	v1 =	vld [tilespmem:$0x1FE10]  }
0x15f: {  	v0 =	vld.idx.msk [tilespmem:v2+s12+$0x0], $0xffff  }
0x160: {  	v2 =	vld [tilespmem:$0x1FE20];
	_ =	sdelay $0x3  }
0x161: {  	v1 =	vor.u32 s29, v1  }
0x162: {  	v2 =	vor.u32 v2, v13;
	_ =	sdelay $0x1  }
0x163: {  	v0 =	vmul.f32 v0, v14;
	_ =	sdelay $0x1  }
0x164: {  	[tilespmem:v1+s17+$0x0] =	vst.idx.msk $0xffff, v0;
	v1 =	vld [tilespmem:$0x1FE30]  }
0x165: {  	v0 =	vld.idx.msk [tilespmem:v2+s12+$0x0], $0xffff  }
0x166: {  	v2 =	vld [tilespmem:$0x1FE40];
	_ =	sdelay $0x3  }
0x167: {  	v1 =	vor.u32 s29, v1  }
0x168: {  	v2 =	vor.u32 v2, v13;
	_ =	sdelay $0x1  }
0x169: {  	v0 =	vmul.f32 v0, v14;
	_ =	sdelay $0x1  }
0x16a: {  	[tilespmem:v1+s17+$0x0] =	vst.idx.msk $0xffff, v0;
	v1 =	vld [tilespmem:$0x1FE50]  }
0x16b: {  	v0 =	vld.idx.msk [tilespmem:v2+s12+$0x0], $0xffff  }
0x16c: {  	v2 =	vld [tilespmem:$0x1FE60];
	_ =	sdelay $0x3  }
0x16d: {  	v1 =	vor.u32 s29, v1  }
0x16e: {  	v2 =	vor.u32 v2, v13;
	_ =	sdelay $0x1  }
0x16f: {  	v0 =	vmul.f32 v0, v14;
	_ =	sdelay $0x1  }
0x170: {  	[tilespmem:v1+s17+$0x0] =	vst.idx.msk $0xffff, v0;
	v1 =	vld [tilespmem:$0x1FE70]  }
0x171: {  	v0 =	vld.idx.msk [tilespmem:v2+s12+$0x0], $0xffff  }
0x172: {  	v2 =	vld [tilespmem:$0x1FE80];
	_ =	sdelay $0x3  }
0x173: {  	v1 =	vor.u32 s29, v1  }
0x174: {  	v2 =	vor.u32 v2, v13;
	_ =	sdelay $0x1  }
0x175: {  	v0 =	vmul.f32 v0, v14;
	_ =	sdelay $0x1  }
0x176: {  	[tilespmem:v1+s17+$0x0] =	vst.idx.msk $0xffff, v0;
	v1 =	vld [tilespmem:$0x1FE90]  }
0x177: {  	v0 =	vld.idx.msk [tilespmem:v2+s12+$0x0], $0xffff  }
0x178: {  	v2 =	vld [tilespmem:$0x1FEA0];
	_ =	sdelay $0x3  }
0x179: {  	v1 =	vor.u32 s29, v1  }
0x17a: {  	v2 =	vor.u32 v2, v13;
	_ =	sdelay $0x1  }
0x17b: {  	v0 =	vmul.f32 v0, v14;
	_ =	sdelay $0x1  }
0x17c: {  	[tilespmem:v1+s17+$0x0] =	vst.idx.msk $0xffff, v0;
	v1 =	vld [tilespmem:$0x1FEB0]  }
0x17d: {  	v0 =	vld.idx.msk [tilespmem:v2+s12+$0x0], $0xffff  }
0x17e: {  	v2 =	vld [tilespmem:$0x1FEC0];
	_ =	sdelay $0x3  }
0x17f: {  	v1 =	vor.u32 s29, v1  }
0x180: {  	v2 =	vor.u32 v2, v13;
	_ =	sdelay $0x1  }
0x181: {  	v0 =	vmul.f32 v0, v14;
	_ =	sdelay $0x1  }
0x182: {  	[tilespmem:v1+s17+$0x0] =	vst.idx.msk $0xffff, v0;
	v1 =	vld [tilespmem:$0x1FED0]  }
0x183: {  	v0 =	vld.idx.msk [tilespmem:v2+s12+$0x0], $0xffff  }
0x184: {  	v2 =	vld [tilespmem:$0x1FEE0];
	_ =	sdelay $0x3  }
0x185: {  	v1 =	vor.u32 s29, v1  }
0x186: {  	v2 =	vor.u32 v2, v13;
	_ =	sdelay $0x1  }
0x187: {  	v0 =	vmul.f32 v0, v14;
	_ =	sdelay $0x1  }
0x188: {  	[tilespmem:v1+s17+$0x0] =	vst.idx.msk $0xffff, v0;
	v1 =	vld [tilespmem:$0x1FEF0]  }
0x189: {  	v0 =	vld.idx.msk [tilespmem:v2+s12+$0x0], $0xffff  }
0x18a: {  	v2 =	vld [tilespmem:$0x1FF00];
	_ =	sdelay $0x3  }
0x18b: {  	v1 =	vor.u32 s29, v1  }
0x18c: {  	v2 =	vor.u32 v2, v13;
	_ =	sdelay $0x1  }
0x18d: {  	v0 =	vmul.f32 v0, v14;
	_ =	sdelay $0x1  }
0x18e: {  	[tilespmem:v1+s17+$0x0] =	vst.idx.msk $0xffff, v0;
	v1 =	vld [tilespmem:$0x1FF10]  }
0x18f: {  	v0 =	vld.idx.msk [tilespmem:v2+s12+$0x0], $0xffff  }
0x190: {  	v2 =	vld [tilespmem:$0x1FF20];
	_ =	sdelay $0x3  }
0x191: {  	v1 =	vor.u32 s29, v1  }
0x192: {  	v2 =	vor.u32 v2, v13;
	_ =	sdelay $0x1  }
0x193: {  	v0 =	vmul.f32 v0, v14;
	_ =	sdelay $0x1  }
0x194: {  	[tilespmem:v1+s17+$0x0] =	vst.idx.msk $0xffff, v0;
	v1 =	vld [tilespmem:$0x1FF30]  }
0x195: {  	v0 =	vld.idx.msk [tilespmem:v2+s12+$0x0], $0xffff  }
0x196: {  	v2 =	vld [tilespmem:$0x1FF40];
	_ =	sdelay $0x2  }
0x197: {  	v1 =	vor.u32 s29, v1;
	_ =	sdelay $0x1  }
0x198: {  	v2 =	vor.u32 v2, v13  }
0x199: {  	v0 =	vmul.f32 v0, v14;
	_ =	sdelay $0x1  }
0x19a: {  	[tilespmem:v1+s17+$0x0] =	vst.idx.msk $0xffff, v0;
	v1 =	vld [tilespmem:$0x1FF50];
	_ =	sdelay $0x1  }
0x19b: {  	v0 =	vld.idx.msk [tilespmem:v2+s12+$0x0], $0xffff  }
0x19c: {  	v2 =	vld [tilespmem:$0x1FF60];
	_ =	sdelay $0x1  }
0x19d: {  	v1 =	vor.u32 s29, v1;
	_ =	sdelay $0x2  }
0x19e: {  	v2 =	vor.u32 v2, v13;
	v0 =	vmul.f32 v0, v14;
	_ =	sdelay $0x1  }
0x19f: {  	[tilespmem:v1+s17+$0x0] =	vst.idx.msk $0xffff, v0;
	v1 =	vld [tilespmem:$0x1FF70];
	_ =	sdelay $0x2  }
0x1a0: {  	v0 =	vld.idx.msk [tilespmem:v2+s12+$0x0], $0xffff;
	_ =	sdelay $0x1  }
0x1a1: {  	v1 =	vor.u32 s29, v1  }
0x1a2: {  	v2 =	vor.u32 v24, v13;
	_ =	sdelay $0x1  }
0x1a3: {  	v0 =	vmul.f32 v0, v14;
	_ =	sdelay $0x1  }
0x1a4: {  	[tilespmem:v1+s17+$0x0] =	vst.idx.msk $0xffff, v0  }
0x1a5: {  	v0 =	vld.idx.msk [tilespmem:v2+s12+$0x0], $0xffff;
	_ =	sdelay $0x1  }
0x1a6: {  	v1 =	vor.u32 s29, v25  }
0x1a7: {  	v2 =	vor.u32 v22, v13;
	_ =	sdelay $0x1  }
0x1a8: {  	v0 =	vmul.f32 v0, v14;
	_ =	sdelay $0x1  }
0x1a9: {  	[tilespmem:v1+s17+$0x0] =	vst.idx.msk $0xffff, v0  }
0x1aa: {  	v0 =	vld.idx.msk [tilespmem:v2+s12+$0x0], $0xffff;
	_ =	sdelay $0x1  }
0x1ab: {  	v29 =	vadd.s32 $0x1F, v8;
	v1 =	vor.u32 s29, v26  }
0x1ac: {  	v2 =	vor.u32 v29, v13;
	_ =	sdelay $0x1  }
0x1ad: {  	v0 =	vmul.f32 v0, v14;
	_ =	sdelay $0x1  }
0x1ae: {  	[tilespmem:v1+s17+$0x0] =	vst.idx.msk $0xffff, v0  }
0x1af: {  	v0 =	vld.idx.msk [tilespmem:v2+s12+$0x0], $0xffff  }
0x1b0: {  	v30 =	vadd.s32 $0xF80, v11  }
0x1b1: {  	v31 =	vor.u32 $0x20, v8;
	v1 =	vor.u32 s29, v30  }
0x1b2: {  	v2 =	vor.u32 v31, v13;
	_ =	sdelay $0x1  }
0x1b3: {  	v0 =	vmul.f32 v0, v14;
	_ =	sdelay $0x1  }
0x1b4: {  	[tilespmem:v1+s17+$0x0] =	vst.idx.msk $0xffff, v0  }
0x1b5: {  	v0 =	vld.idx.msk [tilespmem:v2+s12+$0x0], $0xffff  }
0x1b6: {  	v32 =	vor.u32 $0x1000, v11  }
0x1b7: {  	v33 =	vadd.s32 $0x21, v8;
	v1 =	vor.u32 s29, v32  }
0x1b8: {  	v2 =	vor.u32 v33, v13;
	_ =	sdelay $0x1  }
0x1b9: {  	v0 =	vmul.f32 v0, v14;
	_ =	sdelay $0x1  }
0x1ba: {  	[tilespmem:v1+s17+$0x0] =	vst.idx.msk $0xffff, v0  }
0x1bb: {  	v0 =	vld.idx.msk [tilespmem:v2+s12+$0x0], $0xffff  }
0x1bc: {  	v34 =	vadd.s32 $0x1080, v11  }
0x1bd: {  	v35 =	vadd.s32 $0x22, v8;
	v1 =	vor.u32 s29, v34  }
0x1be: {  	v2 =	vor.u32 v35, v13;
	_ =	sdelay $0x1  }
0x1bf: {  	v0 =	vmul.f32 v0, v14;
	_ =	sdelay $0x1  }
0x1c0: {  	[tilespmem:v1+s17+$0x0] =	vst.idx.msk $0xffff, v0  }
0x1c1: {  	v0 =	vld.idx.msk [tilespmem:v2+s12+$0x0], $0xffff  }
0x1c2: {  	v36 =	vadd.s32 $0x1100, v11  }
0x1c3: {  	v37 =	vadd.s32 $0x23, v8;
	v1 =	vor.u32 s29, v36  }
0x1c4: {  	v2 =	vor.u32 v37, v13;
	_ =	sdelay $0x1  }
0x1c5: {  	v0 =	vmul.f32 v0, v14;
	_ =	sdelay $0x1  }
0x1c6: {  	[tilespmem:v1+s17+$0x0] =	vst.idx.msk $0xffff, v0  }
0x1c7: {  	v0 =	vld.idx.msk [tilespmem:v2+s12+$0x0], $0xffff  }
0x1c8: {  	v38 =	vadd.s32 $0x1180, v11  }
0x1c9: {  	v39 =	vadd.s32 $0x24, v8;
	v1 =	vor.u32 s29, v38  }
0x1ca: {  	v2 =	vor.u32 v39, v13;
	_ =	sdelay $0x1  }
0x1cb: {  	v0 =	vmul.f32 v0, v14;
	_ =	sdelay $0x1  }
0x1cc: {  	[tilespmem:v1+s17+$0x0] =	vst.idx.msk $0xffff, v0  }
0x1cd: {  	v0 =	vld.idx.msk [tilespmem:v2+s12+$0x0], $0xffff  }
0x1ce: {  	v40 =	vadd.s32 $0x1200, v11  }
0x1cf: {  	v41 =	vadd.s32 $0x25, v8;
	v1 =	vor.u32 s29, v40  }
0x1d0: {  	v2 =	vor.u32 v41, v13;
	_ =	sdelay $0x1  }
0x1d1: {  	v0 =	vmul.f32 v0, v14;
	_ =	sdelay $0x1  }
0x1d2: {  	[tilespmem:v1+s17+$0x0] =	vst.idx.msk $0xffff, v0  }
0x1d3: {  	v0 =	vld.idx.msk [tilespmem:v2+s12+$0x0], $0xffff  }
0x1d4: {  	v42 =	vadd.s32 $0x1280, v11  }
0x1d5: {  	v43 =	vadd.s32 $0x26, v8;
	v1 =	vor.u32 s29, v42  }
0x1d6: {  	v2 =	vor.u32 v43, v13;
	_ =	sdelay $0x1  }
0x1d7: {  	v0 =	vmul.f32 v0, v14;
	_ =	sdelay $0x1  }
0x1d8: {  	[tilespmem:v1+s17+$0x0] =	vst.idx.msk $0xffff, v0  }
0x1d9: {  	v0 =	vld.idx.msk [tilespmem:v2+s12+$0x0], $0xffff  }
0x1da: {  	v44 =	vadd.s32 $0x1300, v11  }
0x1db: {  	v47 =	vadd.s32 $0x27, v8;
	v1 =	vor.u32 s29, v44  }
0x1dc: {  	v2 =	vor.u32 v47, v13;
	_ =	sdelay $0x1  }
0x1dd: {  	v0 =	vmul.f32 v0, v14;
	_ =	sdelay $0x1  }
0x1de: {  	[tilespmem:v1+s17+$0x0] =	vst.idx.msk $0xffff, v0  }
0x1df: {  	v0 =	vld.idx.msk [tilespmem:v2+s12+$0x0], $0xffff  }
0x1e0: {  	v49 =	vadd.s32 $0x1380, v11  }
0x1e1: {  	v51 =	vadd.s32 $0x28, v8;
	v1 =	vor.u32 s29, v49  }
0x1e2: {  	v2 =	vor.u32 v51, v13;
	_ =	sdelay $0x1  }
0x1e3: {  	v0 =	vmul.f32 v0, v14;
	_ =	sdelay $0x1  }
0x1e4: {  	[tilespmem:v1+s17+$0x0] =	vst.idx.msk $0xffff, v0  }
0x1e5: {  	v0 =	vld.idx.msk [tilespmem:v2+s12+$0x0], $0xffff  }
0x1e6: {  	v55 =	vadd.s32 $0x1400, v11  }
0x1e7: {  	v56 =	vadd.s32 $0x29, v8;
	v1 =	vor.u32 s29, v55  }
0x1e8: {  	v2 =	vor.u32 v56, v13;
	_ =	sdelay $0x1  }
0x1e9: {  	v0 =	vmul.f32 v0, v14;
	_ =	sdelay $0x1  }
0x1ea: {  	[tilespmem:v1+s17+$0x0] =	vst.idx.msk $0xffff, v0  }
0x1eb: {  	v2 =	vld.idx.msk [tilespmem:v2+s12+$0x0], $0xffff  }
0x1ec: {  	v0 =	vadd.s32 $0x1480, v11  }
0x1ed: {  	v1 =	vadd.s32 $0x2A, v8;
	v3 =	vor.u32 s29, v0  }
0x1ee: {  	v4 =	vor.u32 v1, v13;
	_ =	sdelay $0x1  }
0x1ef: {  	v2 =	vmul.f32 v2, v14;
	_ =	sdelay $0x1  }
0x1f0: {  	[tilespmem:v3+s17+$0x0] =	vst.idx.msk $0xffff, v2  }
0x1f1: {  	v4 =	vld.idx.msk [tilespmem:v4+s12+$0x0], $0xffff  }
0x1f2: {  	v2 =	vadd.s32 $0x1500, v11  }
0x1f3: {  	v3 =	vadd.s32 $0x2B, v8;
	v5 =	vor.u32 s29, v2  }
0x1f4: {  	v6 =	vor.u32 v3, v13;
	_ =	sdelay $0x1  }
0x1f5: {  	v4 =	vmul.f32 v4, v14;
	_ =	sdelay $0x1  }
0x1f6: {  	[tilespmem:v5+s17+$0x0] =	vst.idx.msk $0xffff, v4  }
0x1f7: {  	v4 =	vld.idx.msk [tilespmem:v6+s12+$0x0], $0xffff  }
0x1f8: {  	v9 =	vadd.s32 $0x1580, v11  }
0x1f9: {  	v45 =	vadd.s32 $0x2C, v8;
	v5 =	vor.u32 s29, v9  }
0x1fa: {  	v6 =	vor.u32 v45, v13;
	_ =	sdelay $0x1  }
0x1fb: {  	v4 =	vmul.f32 v4, v14;
	_ =	sdelay $0x1  }
0x1fc: {  	[tilespmem:v5+s17+$0x0] =	vst.idx.msk $0xffff, v4  }
0x1fd: {  	v4 =	vld.idx.msk [tilespmem:v6+s12+$0x0], $0xffff  }
0x1fe: {  	v46 =	vadd.s32 $0x1600, v11  }
0x1ff: {  	v48 =	vadd.s32 $0x2D, v8;
	v5 =	vor.u32 s29, v46  }
0x200: {  	v6 =	vor.u32 v48, v13;
	_ =	sdelay $0x1  }
0x201: {  	v4 =	vmul.f32 v4, v14;
	_ =	sdelay $0x1  }
0x202: {  	[tilespmem:v5+s17+$0x0] =	vst.idx.msk $0xffff, v4  }
0x203: {  	v4 =	vld.idx.msk [tilespmem:v6+s12+$0x0], $0xffff  }
0x204: {  	v50 =	vadd.s32 $0x1680, v11  }
0x205: {  	v52 =	vadd.s32 $0x2E, v8;
	v5 =	vor.u32 s29, v50  }
0x206: {  	v6 =	vor.u32 v52, v13;
	_ =	sdelay $0x1  }
0x207: {  	v4 =	vmul.f32 v4, v14;
	_ =	sdelay $0x1  }
0x208: {  	[tilespmem:v5+s17+$0x0] =	vst.idx.msk $0xffff, v4  }
0x209: {  	v4 =	vld.idx.msk [tilespmem:v6+s12+$0x0], $0xffff  }
0x20a: {  	v53 =	vadd.s32 $0x1700, v11  }
0x20b: {  	v54 =	vadd.s32 $0x2F, v8;
	v5 =	vor.u32 s29, v53  }
0x20c: {  	v6 =	vor.u32 v54, v13;
	_ =	sdelay $0x1  }
0x20d: {  	v4 =	vmul.f32 v4, v14;
	_ =	sdelay $0x1  }
0x20e: {  	[tilespmem:v5+s17+$0x0] =	vst.idx.msk $0xffff, v4  }
0x20f: {  	v4 =	vld.idx.msk [tilespmem:v6+s12+$0x0], $0xffff  }
0x210: {  	v57 =	vadd.s32 $0x1780, v11  }
0x211: {  	v5 =	vor.u32 s29, v57;
	_ =	sdelay $0x1  }
0x212: {  	v58 =	vor.u32 $0x30, v8  }
0x213: {  	v6 =	vor.u32 v58, v13;
	v4 =	vmul.f32 v4, v14;
	_ =	sdelay $0x1  }
0x214: {  	[tilespmem:v5+s17+$0x0] =	vst.idx.msk $0xffff, v4;
	v5 =	vld [tilespmem:$0x1FC10];
	_ =	sdelay $0x2  }
0x215: {  	v4 =	vld.idx.msk [tilespmem:v6+s12+$0x0], $0xffff  }
0x216: {  	v7 =	vsel vm0, v15, v28;
	v59 =	vor.u32 $0x1800, v11  }
0x217: {  	v60 =	vcombine.low v5, v7;
	v5 =	vor.u32 s29, v59;
	_ =	sdelay $0x2  }
0x218: {  	v4 =	vmul.f32 v4, v14;
	_ =	sdelay $0x1  }
0x219: {  	[tilespmem:v5+s17+$0x0] =	vst.idx.msk $0xffff, v4;
	v5 =	vld [tilespmem:$0x1FC40];
	_ =	sdelay $0x2  }
0x21a: {  	v6 =	vor.u32 v60, v13  }
0x21b: {  	v10 =	vsel vm0, v16, v21  }
0x21c: {  	v61 =	vcombine.low v5, v10;
	v5 =	vld [tilespmem:$0x1FB00];
	_ =	sdelay $0x2  }
0x21d: {  	v4 =	vld.idx.msk [tilespmem:v6+s12+$0x0], $0xffff;
	_ =	sdelay $0x1  }
0x21e: {  	v5 =	vor.u32 s29, v5;
	_ =	sdelay $0x2  }
0x21f: {  	v4 =	vmul.f32 v4, v14;
	_ =	sdelay $0x1  }
0x220: {  	[tilespmem:v5+s17+$0x0] =	vst.idx.msk $0xffff, v4;
	v5 =	vld [tilespmem:$0x1FC70];
	_ =	sdelay $0x2  }
0x221: {  	v6 =	vor.u32 v61, v13  }
0x222: {  	v12 =	vsel vm0, v17, v23  }
0x223: {  	v62 =	vcombine.low v5, v12;
	v5 =	vld [tilespmem:$0x1FB10];
	_ =	sdelay $0x2  }
0x224: {  	v4 =	vld.idx.msk [tilespmem:v6+s12+$0x0], $0xffff;
	_ =	sdelay $0x1  }
0x225: {  	v5 =	vor.u32 s29, v5  }
0x226: {  	v6 =	vor.u32 v62, v13;
	_ =	sdelay $0x1  }
0x227: {  	v4 =	vmul.f32 v4, v14;
	_ =	sdelay $0x1  }
0x228: {  	[tilespmem:v5+s17+$0x0] =	vst.idx.msk $0xffff, v4;
	v5 =	vld [tilespmem:$0x1FB20]  }
0x229: {  	v4 =	vld.idx.msk [tilespmem:v6+s12+$0x0], $0xffff  }
0x22a: {  	v6 =	vld [tilespmem:$0x1FCB0];
	_ =	sdelay $0x3  }
0x22b: {  	v5 =	vor.u32 s29, v5  }
0x22c: {  	v6 =	vor.u32 v6, v13;
	_ =	sdelay $0x1  }
0x22d: {  	v4 =	vmul.f32 v4, v14;
	_ =	sdelay $0x1  }
0x22e: {  	[tilespmem:v5+s17+$0x0] =	vst.idx.msk $0xffff, v4;
	v5 =	vld [tilespmem:$0x1FC00]  }
0x22f: {  	v4 =	vld.idx.msk [tilespmem:v6+s12+$0x0], $0xffff  }
0x230: {  	v6 =	vld [tilespmem:$0x1FCC0];
	_ =	sdelay $0x3  }
0x231: {  	v5 =	vsel vm0, v28, v5  }
0x232: {  	v63 =	vcombine.low v5, v6;
	v5 =	vld [tilespmem:$0x1FB30];
	_ =	sdelay $0x4  }
0x233: {  	v5 =	vor.u32 s29, v5  }
0x234: {  	v6 =	vor.u32 v63, v13;
	_ =	sdelay $0x1  }
0x235: {  	v4 =	vmul.f32 v4, v14;
	_ =	sdelay $0x1  }
0x236: {  	[tilespmem:v5+s17+$0x0] =	vst.idx.msk $0xffff, v4;
	v4 =	vld [tilespmem:$0x1FC30]  }
0x237: {  	v5 =	vld.idx.msk [tilespmem:v6+s12+$0x0], $0xffff  }
0x238: {  	v6 =	vld [tilespmem:$0x1FCD0];
	_ =	sdelay $0x3  }
0x239: {  	v4 =	vsel vm0, v21, v4  }
0x23a: {  	v4 =	vcombine.low v4, v6;
	v6 =	vld [tilespmem:$0x1FB40];
	_ =	sdelay $0x4  }
0x23b: {  	v6 =	vor.u32 s29, v6  }
0x23c: {  	v18 =	vmov v15;
	v15 =	vor.u32 v4, v13;
	_ =	sdelay $0x1  }
0x23d: {  	v5 =	vmul.f32 v5, v14;
	_ =	sdelay $0x1  }
0x23e: {  	[tilespmem:v6+s17+$0x0] =	vst.idx.msk $0xffff, v5;
	v5 =	vld [tilespmem:$0x1FC60]  }
0x23f: {  	v6 =	vld.idx.msk [tilespmem:v15+s12+$0x0], $0xffff  }
0x240: {  	v15 =	vld [tilespmem:$0x1FCE0];
	_ =	sdelay $0x3  }
0x241: {  	v5 =	vsel vm0, v23, v5  }
0x242: {  	v5 =	vcombine.low v5, v15;
	v15 =	vld [tilespmem:$0x1FB50];
	_ =	sdelay $0x4  }
0x243: {  	v15 =	vor.u32 s29, v15  }
0x244: {  	v19 =	vmov v16;
	v16 =	vor.u32 v5, v13;
	_ =	sdelay $0x1  }
0x245: {  	v6 =	vmul.f32 v6, v14;
	_ =	sdelay $0x1  }
0x246: {  	[tilespmem:v15+s17+$0x0] =	vst.idx.msk $0xffff, v6;
	v6 =	vld [tilespmem:$0x1FC90]  }
0x247: {  	v15 =	vld.idx.msk [tilespmem:v16+s12+$0x0], $0xffff  }
0x248: {  	v16 =	vld [tilespmem:$0x1FCA0];
	_ =	sdelay $0x4  }
0x249: {  	v6 =	vsel vm0, v6, v16;
	v16 =	vld [tilespmem:$0x1FCF0];
	_ =	sdelay $0x4  }
0x24a: {  	v6 =	vcombine.low v6, v16;
	v16 =	vld [tilespmem:$0x1FB60];
	_ =	sdelay $0x4  }
0x24b: {  	v16 =	vor.u32 s29, v16;
	_ =	sdelay $0x2  }
0x24c: {  	v15 =	vmul.f32 v15, v14;
	_ =	sdelay $0x1  }
0x24d: {  	[tilespmem:v16+s17+$0x0] =	vst.idx.msk $0xffff, v15;
	v16 =	vld [tilespmem:$0x1FD00];
	_ =	sdelay $0x2  }
0x24e: {  	v20 =	vmov v17;
	v17 =	vor.u32 v6, v13;
	_ =	sdelay $0x1  }
0x24f: {  	v7 =	vcombine.low v7, v16;
	v16 =	vld [tilespmem:$0x1FB70];
	_ =	sdelay $0x2  }
0x250: {  	v15 =	vld.idx.msk [tilespmem:v17+s12+$0x0], $0xffff;
	_ =	sdelay $0x1  }
0x251: {  	v16 =	vor.u32 s29, v16;
	_ =	sdelay $0x2  }
0x252: {  	v15 =	vmul.f32 v15, v14;
	_ =	sdelay $0x1  }
0x253: {  	[tilespmem:v16+s17+$0x0] =	vst.idx.msk $0xffff, v15;
	v16 =	vld [tilespmem:$0x1FD10];
	_ =	sdelay $0x2  }
0x254: {  	v17 =	vor.u32 v7, v13;
	_ =	sdelay $0x1  }
0x255: {  	v10 =	vcombine.low v10, v16;
	v16 =	vld [tilespmem:$0x1FB80];
	_ =	sdelay $0x2  }
0x256: {  	v15 =	vld.idx.msk [tilespmem:v17+s12+$0x0], $0xffff;
	_ =	sdelay $0x1  }
0x257: {  	v16 =	vor.u32 s29, v16;
	_ =	sdelay $0x2  }
0x258: {  	v15 =	vmul.f32 v15, v14;
	_ =	sdelay $0x1  }
0x259: {  	[tilespmem:v16+s17+$0x0] =	vst.idx.msk $0xffff, v15;
	v16 =	vld [tilespmem:$0x1FD20];
	_ =	sdelay $0x2  }
0x25a: {  	v17 =	vor.u32 v10, v13;
	_ =	sdelay $0x1  }
0x25b: {  	v12 =	vcombine.low v12, v16;
	v16 =	vld [tilespmem:$0x1FB90];
	_ =	sdelay $0x2  }
0x25c: {  	v15 =	vld.idx.msk [tilespmem:v17+s12+$0x0], $0xffff;
	_ =	sdelay $0x1  }
0x25d: {  	v16 =	vor.u32 s29, v16  }
0x25e: {  	v17 =	vor.u32 v12, v13;
	_ =	sdelay $0x1  }
0x25f: {  	v15 =	vmul.f32 v15, v14;
	_ =	sdelay $0x1  }
0x260: {  	[tilespmem:v16+s17+$0x0] =	vst.idx.msk $0xffff, v15;
	v16 =	vld [tilespmem:$0x1FBA0]  }
0x261: {  	v15 =	vld.idx.msk [tilespmem:v17+s12+$0x0], $0xffff  }
0x262: {  	v17 =	vld [tilespmem:$0x1FFE0];
	_ =	sdelay $0x3  }
0x263: {  	v16 =	vor.u32 s29, v16  }
0x264: {  	v17 =	vor.u32 v17, v13;
	_ =	sdelay $0x1  }
0x265: {  	v15 =	vmul.f32 v15, v14;
	_ =	sdelay $0x1  }
0x266: {  	[tilespmem:v16+s17+$0x0] =	vst.idx.msk $0xffff, v15;
	v16 =	vld [tilespmem:$0x1FBB0]  }
0x267: {  	v15 =	vld.idx.msk [tilespmem:v17+s12+$0x0], $0xffff  }
0x268: {  	v17 =	vld [tilespmem:$0x1FFF0];
	_ =	sdelay $0x2  }
0x269: {  	v16 =	vor.u32 s29, v16;
	_ =	sdelay $0x1  }
0x26a: {  	v17 =	vor.u32 v17, v13  }
0x26b: {  	v15 =	vmul.f32 v15, v14;
	_ =	sdelay $0x1  }
0x26c: {  	[tilespmem:v16+s17+$0x0] =	vst.idx.msk $0xffff, v15;
	v16 =	vld [tilespmem:$0x1FBC0];
	_ =	sdelay $0x1  }
0x26d: {  	v15 =	vld.idx.msk [tilespmem:v17+s12+$0x0], $0xffff  }
0x26e: {  	v17 =	vld [tilespmem:$0x1FFC0];
	_ =	sdelay $0x1  }
0x26f: {  	v16 =	vor.u32 s29, v16;
	_ =	sdelay $0x2  }
0x270: {  	v17 =	vor.u32 v17, v13;
	v15 =	vmul.f32 v15, v14;
	_ =	sdelay $0x1  }
0x271: {  	[tilespmem:v16+s17+$0x0] =	vst.idx.msk $0xffff, v15;
	v16 =	vld [tilespmem:$0x1FBD0];
	_ =	sdelay $0x1  }
0x272: {  	v27 =	vld [tilespmem:$0x1FFD0]  }
0x273: {  	v15 =	vld.idx.msk [tilespmem:v17+s12+$0x0], $0xffff;
	_ =	sdelay $0x1  }
0x274: {  	v16 =	vor.u32 s29, v16;
	_ =	sdelay $0x2  }
0x275: {  	v13 =	vor.u32 v27, v13;
	v15 =	vmul.f32 v15, v14;
	_ =	sdelay $0x1  }
0x276: {  	[tilespmem:v16+s17+$0x0] =	vst.idx.msk $0xffff, v15;
	v15 =	vld [tilespmem:$0x1FBE0];
	_ =	sdelay $0x2  }
0x277: {  	v13 =	vld.idx.msk [tilespmem:v13+s12+$0x0], $0xffff;
	_ =	sdelay $0x1  }
0x278: {  	p1 =	sne.s32 s29, $0x70;
	v15 =	vor.u32 s29, v15  }
.Ltmp0:
0x279: {  	_ = 	snop;
	(pc) =	sbr.rel @p1 .LBB2_3-.Ltmp0, $3  }
0x27a: {  	_ = 	snop  }
0x27b: {  	v13 =	vmul.f32 v13, v14;
	_ =	sdelay $0x1  }
0x27c: {  	s30 =	sadd.s32 $0x10, s30;
	v17 =	vmov v20;
	v16 =	vmov v19;
	s29 =	sadd.s32 $0x10, s29;
	[tilespmem:v15+s17+$0x0] =	vst.idx.msk $0xffff, v13;
	v15 =	vmov v18  }
0x27d: {  	p1 =	seq.s32 s25, $0x63  }
.Ltmp1:
0x27e: {  	s29 =	sshll.u32 s25, $0x13;
	(pc) =	sbr.rel @!p1 .LBB2_5-.Ltmp1, $4  }
0x27f: {  	s29 =	sor.u32 s5, s29  }
0x280: {  	s29 =	sshrl.u32 s29, $0x3  }
0x281: {  	s29 =	sadd.s32 s2, s29  }
0x282: {  	[hbm4b:s29+s8] =	stream.strided.scatter [tilespmem:s17], [sflag:$0x3], $0x2000, s9, s8, $0x38;
	[tilespmem:$0x12500] =	vst v63  }
.Ltmp2:
0x283: {  	(pc) =	sbr.rel .LBB2_7-.Ltmp2, $4  }
0x284: {  	_ = 	snop  }
0x285: {  	_ =	swait.ge [sflag:s18], $0x4000  }
0x286: {  	[sflag:s18] =	ssyncset.done $0x0  }
0x287: {  	[sflag:s18] =	ssyncadd.s32 $0xFFFFC000  }
.LBB2_5:
0x288: {  	v13 =	vld [tilespmem:s28+$0x100];
	_ =	sdelay $0x4  }
0x289: {  	v13 =	vshrl.u32 v13, $0x1  }
0x28a: {  	[tilespmem:$0x6400] =	vst v13  }
0x28b: {  	v13 =	vld [tilespmem:s28+$0x110];
	_ =	sdelay $0x4  }
0x28c: {  	v13 =	vshrl.u32 v13, $0x1  }
0x28d: {  	[tilespmem:$0x6410] =	vst v13  }
0x28e: {  	v13 =	vld [tilespmem:s28+$0x120];
	_ =	sdelay $0x4  }
0x28f: {  	v13 =	vshrl.u32 v13, $0x1  }
0x290: {  	[tilespmem:$0x6420] =	vst v13  }
0x291: {  	v13 =	vld [tilespmem:s28+$0x130];
	_ =	sdelay $0x4  }
0x292: {  	v13 =	vshrl.u32 v13, $0x1  }
0x293: {  	[tilespmem:$0x6430] =	vst v13  }
0x294: {  	v13 =	vld [tilespmem:s28+$0x140];
	_ =	sdelay $0x4  }
0x295: {  	v13 =	vshrl.u32 v13, $0x1  }
0x296: {  	[tilespmem:$0x6440] =	vst v13  }
0x297: {  	v13 =	vld [tilespmem:s28+$0x150];
	_ =	sdelay $0x4  }
0x298: {  	v13 =	vshrl.u32 v13, $0x1  }
0x299: {  	[tilespmem:$0x6450] =	vst v13  }
0x29a: {  	v13 =	vld [tilespmem:s28+$0x160];
	_ =	sdelay $0x4  }
0x29b: {  	v13 =	vshrl.u32 v13, $0x1  }
0x29c: {  	[tilespmem:$0x6460] =	vst v13  }
0x29d: {  	v13 =	vld [tilespmem:s28+$0x170];
	_ =	sdelay $0x4  }
0x29e: {  	v13 =	vshrl.u32 v13, $0x1  }
.Ltmp3:
0x29f: {  	[tilespmem:$0x6470] =	vst v13;
	(pc) =	sbr.rel @p0 .LBB2_8-.Ltmp3, $4  }
0x2a0: {  	[tilespmem:s12], [sflag:$0x1] =	stream.indirect.gather [hbm4b:s0+s13], $0x80, s11, s13, $0xb8;
	[tilespmem:$0x12500] =	vst v63  }
0x2a1: {  	_ =	swait.ge [sflag:s18], $0x4000  }
0x2a2: {  	[sflag:s18] =	ssyncset.done $0x0  }
0x2a3: {  	[sflag:s18] =	ssyncadd.s32 $0xFFFFC000  }
.LBB2_7:
0x2a4: {  	_ =	swait.ge [sflag:s19], $0x2000  }
0x2a5: {  	[sflag:s19] =	ssyncset.done $0x0  }
0x2a6: {  	[sflag:s19] =	ssyncadd.s32 $0xFFFFE000  }
.LBB2_8:
0x2a7: {  	v22 =	vld [tilespmem:$0x1FF40]  }
0x2a8: {  	v23 =	vld [tilespmem:$0x1FF50]  }
0x2a9: {  	v24 =	vld [tilespmem:$0x1FF60]  }
0x2aa: {  	v26 =	vld [tilespmem:$0x1FF70]  }
0x2ab: {  	v27 =	vld [tilespmem:$0x1FF80]  }
0x2ac: {  	v28 =	vld [tilespmem:$0x1FF90]  }
0x2ad: {  	v25 =	vld [tilespmem:$0x1FFA0]  }
0x2ae: {  	s28 =	simm.s32 $0x0;
	s29 =	smov.u32 s23;
	v21 =	vld [tilespmem:$0x1FFB0]  }
.LBB2_9:
0x2af: {  	v14 =	vld [tilespmem:s29+$0x0]  }
0x2b0: {  	v16 =	vld [tilespmem:$0x1F9D0];
	_ =	sdelay $0x2  }
0x2b1: {  	v13 =	vmov s28  }
0x2b2: {  	v13 =	vshll.u32 v13, $0x7;
	v15 =	vshll.u32 v14, $0x6  }
0x2b3: {  	v13 =	vor.u32 v16, v13;
	v15 =	vand.u32 $0x40, v15  }
0x2b4: {  	v13 =	vor.u32 v13, v15  }
0x2b5: {  	v15 =	vor.u32 v8, v13;
	_ =	sdelay $0x2  }
0x2b6: {  	vm1 =	veq.s32 v14, $0x0;
	v14 =	vld [tilespmem:$0x1F9E0];
	_ =	sdelay $0x1  }
0x2b7: {  	v15 =	vld.idx.msk [tilespmem:v15+s15+$0x0], $0xffff;
	_ =	sdelay $0x1  }
0x2b8: {  	v16 =	vor.u32 s28, v11  }
0x2b9: {  	v17 =	vor.u32 v14, v13;
	v14 =	vimm.f32 $8.000000000e+00  }
0x2ba: {  	v14 =	vsel vm1, $0x0, v14  }
0x2bb: {  	v15 =	vmul.f32 v14, v15;
	_ =	sdelay $0x1  }
0x2bc: {  	[tilespmem:v16+s20+$0x0] =	vst.idx.msk $0xffff, v15;
	v16 =	vld [tilespmem:$0x1F9F0]  }
0x2bd: {  	v15 =	vld.idx.msk [tilespmem:v17+s15+$0x0], $0xffff  }
0x2be: {  	v17 =	vld [tilespmem:$0x1FA00];
	_ =	sdelay $0x3  }
0x2bf: {  	v16 =	vor.u32 s28, v16  }
0x2c0: {  	v17 =	vor.u32 v17, v13;
	_ =	sdelay $0x1  }
0x2c1: {  	v15 =	vmul.f32 v15, v14;
	_ =	sdelay $0x1  }
0x2c2: {  	[tilespmem:v16+s20+$0x0] =	vst.idx.msk $0xffff, v15;
	v16 =	vld [tilespmem:$0x1FA10]  }
0x2c3: {  	v15 =	vld.idx.msk [tilespmem:v17+s15+$0x0], $0xffff  }
0x2c4: {  	v17 =	vld [tilespmem:$0x1FA20];
	_ =	sdelay $0x3  }
0x2c5: {  	v16 =	vor.u32 s28, v16  }
0x2c6: {  	v17 =	vor.u32 v17, v13;
	_ =	sdelay $0x1  }
0x2c7: {  	v15 =	vmul.f32 v15, v14;
	_ =	sdelay $0x1  }
0x2c8: {  	[tilespmem:v16+s20+$0x0] =	vst.idx.msk $0xffff, v15;
	v16 =	vld [tilespmem:$0x1FA30]  }
0x2c9: {  	v15 =	vld.idx.msk [tilespmem:v17+s15+$0x0], $0xffff  }
0x2ca: {  	v17 =	vld [tilespmem:$0x1FA40];
	_ =	sdelay $0x3  }
0x2cb: {  	v16 =	vor.u32 s28, v16  }
0x2cc: {  	v17 =	vor.u32 v17, v13;
	_ =	sdelay $0x1  }
0x2cd: {  	v15 =	vmul.f32 v15, v14;
	_ =	sdelay $0x1  }
0x2ce: {  	[tilespmem:v16+s20+$0x0] =	vst.idx.msk $0xffff, v15;
	v16 =	vld [tilespmem:$0x1FA50]  }
0x2cf: {  	v15 =	vld.idx.msk [tilespmem:v17+s15+$0x0], $0xffff  }
0x2d0: {  	v17 =	vld [tilespmem:$0x1FA60];
	_ =	sdelay $0x3  }
0x2d1: {  	v16 =	vor.u32 s28, v16  }
0x2d2: {  	v17 =	vor.u32 v17, v13;
	_ =	sdelay $0x1  }
0x2d3: {  	v15 =	vmul.f32 v15, v14;
	_ =	sdelay $0x1  }
0x2d4: {  	[tilespmem:v16+s20+$0x0] =	vst.idx.msk $0xffff, v15;
	v16 =	vld [tilespmem:$0x1FA70]  }
0x2d5: {  	v15 =	vld.idx.msk [tilespmem:v17+s15+$0x0], $0xffff  }
0x2d6: {  	v17 =	vld [tilespmem:$0x1FA80];
	_ =	sdelay $0x3  }
0x2d7: {  	v16 =	vor.u32 s28, v16  }
0x2d8: {  	v17 =	vor.u32 v17, v13;
	_ =	sdelay $0x1  }
0x2d9: {  	v15 =	vmul.f32 v15, v14;
	_ =	sdelay $0x1  }
0x2da: {  	[tilespmem:v16+s20+$0x0] =	vst.idx.msk $0xffff, v15;
	v16 =	vld [tilespmem:$0x1FA90]  }
0x2db: {  	v15 =	vld.idx.msk [tilespmem:v17+s15+$0x0], $0xffff  }
0x2dc: {  	v17 =	vld [tilespmem:$0x1FAA0];
	_ =	sdelay $0x3  }
0x2dd: {  	v16 =	vor.u32 s28, v16  }
0x2de: {  	v17 =	vor.u32 v17, v13;
	_ =	sdelay $0x1  }
0x2df: {  	v15 =	vmul.f32 v15, v14;
	_ =	sdelay $0x1  }
0x2e0: {  	[tilespmem:v16+s20+$0x0] =	vst.idx.msk $0xffff, v15;
	v16 =	vld [tilespmem:$0x1FAB0]  }
0x2e1: {  	v15 =	vld.idx.msk [tilespmem:v17+s15+$0x0], $0xffff  }
0x2e2: {  	v17 =	vld [tilespmem:$0x1FAC0];
	_ =	sdelay $0x3  }
0x2e3: {  	v16 =	vor.u32 s28, v16  }
0x2e4: {  	v17 =	vor.u32 v17, v13;
	_ =	sdelay $0x1  }
0x2e5: {  	v15 =	vmul.f32 v15, v14;
	_ =	sdelay $0x1  }
0x2e6: {  	[tilespmem:v16+s20+$0x0] =	vst.idx.msk $0xffff, v15;
	v16 =	vld [tilespmem:$0x1FAD0]  }
0x2e7: {  	v15 =	vld.idx.msk [tilespmem:v17+s15+$0x0], $0xffff  }
0x2e8: {  	v17 =	vld [tilespmem:$0x1FAE0];
	_ =	sdelay $0x3  }
0x2e9: {  	v16 =	vor.u32 s28, v16  }
0x2ea: {  	v17 =	vor.u32 v17, v13;
	_ =	sdelay $0x1  }
0x2eb: {  	v15 =	vmul.f32 v15, v14;
	_ =	sdelay $0x1  }
0x2ec: {  	[tilespmem:v16+s20+$0x0] =	vst.idx.msk $0xffff, v15;
	v16 =	vld [tilespmem:$0x1FAF0]  }
0x2ed: {  	v15 =	vld.idx.msk [tilespmem:v17+s15+$0x0], $0xffff  }
0x2ee: {  	v17 =	vld [tilespmem:$0x1FBF0];
	_ =	sdelay $0x3  }
0x2ef: {  	v16 =	vor.u32 s28, v16  }
0x2f0: {  	v17 =	vor.u32 v17, v13;
	_ =	sdelay $0x1  }
0x2f1: {  	v15 =	vmul.f32 v15, v14;
	_ =	sdelay $0x1  }
0x2f2: {  	[tilespmem:v16+s20+$0x0] =	vst.idx.msk $0xffff, v15;
	v16 =	vld [tilespmem:$0x1FD30]  }
0x2f3: {  	v15 =	vld.idx.msk [tilespmem:v17+s15+$0x0], $0xffff  }
0x2f4: {  	v17 =	vld [tilespmem:$0x1FD40];
	_ =	sdelay $0x3  }
0x2f5: {  	v16 =	vor.u32 s28, v16  }
0x2f6: {  	v17 =	vor.u32 v17, v13;
	_ =	sdelay $0x1  }
0x2f7: {  	v15 =	vmul.f32 v15, v14;
	_ =	sdelay $0x1  }
0x2f8: {  	[tilespmem:v16+s20+$0x0] =	vst.idx.msk $0xffff, v15;
	v16 =	vld [tilespmem:$0x1FD50]  }
0x2f9: {  	v15 =	vld.idx.msk [tilespmem:v17+s15+$0x0], $0xffff  }
0x2fa: {  	v17 =	vld [tilespmem:$0x1FD60];
	_ =	sdelay $0x3  }
0x2fb: {  	v16 =	vor.u32 s28, v16  }
0x2fc: {  	v17 =	vor.u32 v17, v13;
	_ =	sdelay $0x1  }
0x2fd: {  	v15 =	vmul.f32 v15, v14;
	_ =	sdelay $0x1  }
0x2fe: {  	[tilespmem:v16+s20+$0x0] =	vst.idx.msk $0xffff, v15;
	v16 =	vld [tilespmem:$0x1FD70]  }
0x2ff: {  	v15 =	vld.idx.msk [tilespmem:v17+s15+$0x0], $0xffff  }
0x300: {  	v17 =	vld [tilespmem:$0x1FD80];
	_ =	sdelay $0x3  }
0x301: {  	v16 =	vor.u32 s28, v16  }
0x302: {  	v17 =	vor.u32 v17, v13;
	_ =	sdelay $0x1  }
0x303: {  	v15 =	vmul.f32 v15, v14;
	_ =	sdelay $0x1  }
0x304: {  	[tilespmem:v16+s20+$0x0] =	vst.idx.msk $0xffff, v15;
	v16 =	vld [tilespmem:$0x1FD90]  }
0x305: {  	v15 =	vld.idx.msk [tilespmem:v17+s15+$0x0], $0xffff  }
0x306: {  	v17 =	vld [tilespmem:$0x1FDA0];
	_ =	sdelay $0x3  }
0x307: {  	v16 =	vor.u32 s28, v16  }
0x308: {  	v17 =	vor.u32 v17, v13;
	_ =	sdelay $0x1  }
0x309: {  	v15 =	vmul.f32 v15, v14;
	_ =	sdelay $0x1  }
0x30a: {  	[tilespmem:v16+s20+$0x0] =	vst.idx.msk $0xffff, v15;
	v16 =	vld [tilespmem:$0x1FDB0]  }
0x30b: {  	v15 =	vld.idx.msk [tilespmem:v17+s15+$0x0], $0xffff  }
0x30c: {  	v17 =	vld [tilespmem:$0x1FDC0];
	_ =	sdelay $0x3  }
0x30d: {  	v16 =	vor.u32 s28, v16  }
0x30e: {  	v17 =	vor.u32 v17, v13;
	_ =	sdelay $0x1  }
0x30f: {  	v15 =	vmul.f32 v15, v14;
	_ =	sdelay $0x1  }
0x310: {  	[tilespmem:v16+s20+$0x0] =	vst.idx.msk $0xffff, v15;
	v16 =	vld [tilespmem:$0x1FDD0]  }
0x311: {  	v15 =	vld.idx.msk [tilespmem:v17+s15+$0x0], $0xffff  }
0x312: {  	v17 =	vld [tilespmem:$0x1FDE0];
	_ =	sdelay $0x3  }
0x313: {  	v16 =	vor.u32 s28, v16  }
0x314: {  	v17 =	vor.u32 v17, v13;
	_ =	sdelay $0x1  }
0x315: {  	v15 =	vmul.f32 v15, v14;
	_ =	sdelay $0x1  }
0x316: {  	[tilespmem:v16+s20+$0x0] =	vst.idx.msk $0xffff, v15;
	v16 =	vld [tilespmem:$0x1FDF0]  }
0x317: {  	v15 =	vld.idx.msk [tilespmem:v17+s15+$0x0], $0xffff  }
0x318: {  	v17 =	vld [tilespmem:$0x1FE00];
	_ =	sdelay $0x3  }
0x319: {  	v16 =	vor.u32 s28, v16  }
0x31a: {  	v17 =	vor.u32 v17, v13;
	_ =	sdelay $0x1  }
0x31b: {  	v15 =	vmul.f32 v15, v14;
	_ =	sdelay $0x1  }
0x31c: {  	[tilespmem:v16+s20+$0x0] =	vst.idx.msk $0xffff, v15;
	v16 =	vld [tilespmem:$0x1FE10]  }
0x31d: {  	v15 =	vld.idx.msk [tilespmem:v17+s15+$0x0], $0xffff  }
0x31e: {  	v17 =	vld [tilespmem:$0x1FE20];
	_ =	sdelay $0x3  }
0x31f: {  	v16 =	vor.u32 s28, v16  }
0x320: {  	v17 =	vor.u32 v17, v13;
	_ =	sdelay $0x1  }
0x321: {  	v15 =	vmul.f32 v15, v14;
	_ =	sdelay $0x1  }
0x322: {  	[tilespmem:v16+s20+$0x0] =	vst.idx.msk $0xffff, v15;
	v16 =	vld [tilespmem:$0x1FE30]  }
0x323: {  	v15 =	vld.idx.msk [tilespmem:v17+s15+$0x0], $0xffff  }
0x324: {  	v17 =	vld [tilespmem:$0x1FE40];
	_ =	sdelay $0x3  }
0x325: {  	v16 =	vor.u32 s28, v16  }
0x326: {  	v17 =	vor.u32 v17, v13;
	_ =	sdelay $0x1  }
0x327: {  	v15 =	vmul.f32 v15, v14;
	_ =	sdelay $0x1  }
0x328: {  	[tilespmem:v16+s20+$0x0] =	vst.idx.msk $0xffff, v15;
	v16 =	vld [tilespmem:$0x1FE50]  }
0x329: {  	v15 =	vld.idx.msk [tilespmem:v17+s15+$0x0], $0xffff  }
0x32a: {  	v17 =	vld [tilespmem:$0x1FE60];
	_ =	sdelay $0x3  }
0x32b: {  	v16 =	vor.u32 s28, v16  }
0x32c: {  	v17 =	vor.u32 v17, v13;
	_ =	sdelay $0x1  }
0x32d: {  	v15 =	vmul.f32 v15, v14;
	_ =	sdelay $0x1  }
0x32e: {  	[tilespmem:v16+s20+$0x0] =	vst.idx.msk $0xffff, v15;
	v16 =	vld [tilespmem:$0x1FE70]  }
0x32f: {  	v15 =	vld.idx.msk [tilespmem:v17+s15+$0x0], $0xffff  }
0x330: {  	v17 =	vld [tilespmem:$0x1FE80];
	_ =	sdelay $0x3  }
0x331: {  	v16 =	vor.u32 s28, v16  }
0x332: {  	v17 =	vor.u32 v17, v13;
	_ =	sdelay $0x1  }
0x333: {  	v15 =	vmul.f32 v15, v14;
	_ =	sdelay $0x1  }
0x334: {  	[tilespmem:v16+s20+$0x0] =	vst.idx.msk $0xffff, v15;
	v16 =	vld [tilespmem:$0x1FE90]  }
0x335: {  	v15 =	vld.idx.msk [tilespmem:v17+s15+$0x0], $0xffff  }
0x336: {  	v17 =	vld [tilespmem:$0x1FEA0];
	_ =	sdelay $0x3  }
0x337: {  	v16 =	vor.u32 s28, v16  }
0x338: {  	v17 =	vor.u32 v17, v13;
	_ =	sdelay $0x1  }
0x339: {  	v15 =	vmul.f32 v15, v14;
	_ =	sdelay $0x1  }
0x33a: {  	[tilespmem:v16+s20+$0x0] =	vst.idx.msk $0xffff, v15;
	v16 =	vld [tilespmem:$0x1FEB0]  }
0x33b: {  	v15 =	vld.idx.msk [tilespmem:v17+s15+$0x0], $0xffff  }
0x33c: {  	v17 =	vld [tilespmem:$0x1FEC0];
	_ =	sdelay $0x3  }
0x33d: {  	v16 =	vor.u32 s28, v16  }
0x33e: {  	v17 =	vor.u32 v17, v13;
	_ =	sdelay $0x1  }
0x33f: {  	v15 =	vmul.f32 v15, v14;
	_ =	sdelay $0x1  }
0x340: {  	[tilespmem:v16+s20+$0x0] =	vst.idx.msk $0xffff, v15;
	v16 =	vld [tilespmem:$0x1FED0]  }
0x341: {  	v15 =	vld.idx.msk [tilespmem:v17+s15+$0x0], $0xffff  }
0x342: {  	v17 =	vld [tilespmem:$0x1FEE0];
	_ =	sdelay $0x3  }
0x343: {  	v16 =	vor.u32 s28, v16  }
0x344: {  	v17 =	vor.u32 v17, v13;
	_ =	sdelay $0x1  }
0x345: {  	v15 =	vmul.f32 v15, v14;
	_ =	sdelay $0x1  }
0x346: {  	[tilespmem:v16+s20+$0x0] =	vst.idx.msk $0xffff, v15;
	v16 =	vld [tilespmem:$0x1FEF0]  }
0x347: {  	v15 =	vld.idx.msk [tilespmem:v17+s15+$0x0], $0xffff  }
0x348: {  	v17 =	vld [tilespmem:$0x1FF00];
	_ =	sdelay $0x2  }
0x349: {  	v16 =	vor.u32 s28, v16;
	_ =	sdelay $0x1  }
0x34a: {  	v17 =	vor.u32 v17, v13  }
0x34b: {  	v15 =	vmul.f32 v15, v14;
	_ =	sdelay $0x1  }
0x34c: {  	[tilespmem:v16+s20+$0x0] =	vst.idx.msk $0xffff, v15;
	v16 =	vld [tilespmem:$0x1FF10];
	_ =	sdelay $0x1  }
0x34d: {  	v15 =	vld.idx.msk [tilespmem:v17+s15+$0x0], $0xffff  }
0x34e: {  	v17 =	vld [tilespmem:$0x1FF20];
	_ =	sdelay $0x1  }
0x34f: {  	v16 =	vor.u32 s28, v16;
	_ =	sdelay $0x2  }
0x350: {  	v17 =	vor.u32 v17, v13;
	v15 =	vmul.f32 v15, v14;
	_ =	sdelay $0x1  }
0x351: {  	[tilespmem:v16+s20+$0x0] =	vst.idx.msk $0xffff, v15;
	v16 =	vld [tilespmem:$0x1FF30];
	_ =	sdelay $0x2  }
0x352: {  	v15 =	vld.idx.msk [tilespmem:v17+s15+$0x0], $0xffff;
	_ =	sdelay $0x1  }
0x353: {  	v16 =	vor.u32 s28, v16  }
0x354: {  	v17 =	vor.u32 v22, v13;
	_ =	sdelay $0x1  }
0x355: {  	v15 =	vmul.f32 v15, v14;
	_ =	sdelay $0x1  }
0x356: {  	[tilespmem:v16+s20+$0x0] =	vst.idx.msk $0xffff, v15  }
0x357: {  	v15 =	vld.idx.msk [tilespmem:v17+s15+$0x0], $0xffff;
	_ =	sdelay $0x1  }
0x358: {  	v16 =	vor.u32 s28, v23  }
0x359: {  	v17 =	vor.u32 v24, v13;
	_ =	sdelay $0x1  }
0x35a: {  	v15 =	vmul.f32 v15, v14;
	_ =	sdelay $0x1  }
0x35b: {  	[tilespmem:v16+s20+$0x0] =	vst.idx.msk $0xffff, v15  }
0x35c: {  	v15 =	vld.idx.msk [tilespmem:v17+s15+$0x0], $0xffff;
	_ =	sdelay $0x1  }
0x35d: {  	v16 =	vor.u32 s28, v26  }
0x35e: {  	v17 =	vor.u32 v27, v13;
	_ =	sdelay $0x1  }
0x35f: {  	v15 =	vmul.f32 v15, v14;
	_ =	sdelay $0x1  }
0x360: {  	[tilespmem:v16+s20+$0x0] =	vst.idx.msk $0xffff, v15  }
0x361: {  	v15 =	vld.idx.msk [tilespmem:v17+s15+$0x0], $0xffff;
	_ =	sdelay $0x1  }
0x362: {  	v16 =	vor.u32 s28, v28  }
0x363: {  	v17 =	vor.u32 v25, v13;
	_ =	sdelay $0x1  }
0x364: {  	v15 =	vmul.f32 v15, v14;
	_ =	sdelay $0x1  }
0x365: {  	[tilespmem:v16+s20+$0x0] =	vst.idx.msk $0xffff, v15  }
0x366: {  	v15 =	vld.idx.msk [tilespmem:v17+s15+$0x0], $0xffff;
	_ =	sdelay $0x1  }
0x367: {  	v16 =	vor.u32 s28, v21  }
0x368: {  	v17 =	vor.u32 v29, v13;
	_ =	sdelay $0x1  }
0x369: {  	v15 =	vmul.f32 v15, v14;
	_ =	sdelay $0x1  }
0x36a: {  	[tilespmem:v16+s20+$0x0] =	vst.idx.msk $0xffff, v15  }
0x36b: {  	v15 =	vld.idx.msk [tilespmem:v17+s15+$0x0], $0xffff;
	_ =	sdelay $0x1  }
0x36c: {  	v16 =	vor.u32 s28, v30  }
0x36d: {  	v17 =	vor.u32 v31, v13;
	_ =	sdelay $0x1  }
0x36e: {  	v15 =	vmul.f32 v15, v14;
	_ =	sdelay $0x1  }
0x36f: {  	[tilespmem:v16+s20+$0x0] =	vst.idx.msk $0xffff, v15  }
0x370: {  	v15 =	vld.idx.msk [tilespmem:v17+s15+$0x0], $0xffff;
	_ =	sdelay $0x1  }
0x371: {  	v16 =	vor.u32 s28, v32  }
0x372: {  	v17 =	vor.u32 v33, v13;
	_ =	sdelay $0x1  }
0x373: {  	v15 =	vmul.f32 v15, v14;
	_ =	sdelay $0x1  }
0x374: {  	[tilespmem:v16+s20+$0x0] =	vst.idx.msk $0xffff, v15  }
0x375: {  	v15 =	vld.idx.msk [tilespmem:v17+s15+$0x0], $0xffff;
	_ =	sdelay $0x1  }
0x376: {  	v16 =	vor.u32 s28, v34  }
0x377: {  	v17 =	vor.u32 v35, v13;
	_ =	sdelay $0x1  }
0x378: {  	v15 =	vmul.f32 v15, v14;
	_ =	sdelay $0x1  }
0x379: {  	[tilespmem:v16+s20+$0x0] =	vst.idx.msk $0xffff, v15  }
0x37a: {  	v15 =	vld.idx.msk [tilespmem:v17+s15+$0x0], $0xffff;
	_ =	sdelay $0x1  }
0x37b: {  	v16 =	vor.u32 s28, v36  }
0x37c: {  	v17 =	vor.u32 v37, v13;
	_ =	sdelay $0x1  }
0x37d: {  	v15 =	vmul.f32 v15, v14;
	_ =	sdelay $0x1  }
0x37e: {  	[tilespmem:v16+s20+$0x0] =	vst.idx.msk $0xffff, v15  }
0x37f: {  	v15 =	vld.idx.msk [tilespmem:v17+s15+$0x0], $0xffff;
	_ =	sdelay $0x1  }
0x380: {  	v16 =	vor.u32 s28, v38  }
0x381: {  	v17 =	vor.u32 v39, v13;
	_ =	sdelay $0x1  }
0x382: {  	v15 =	vmul.f32 v15, v14;
	_ =	sdelay $0x1  }
0x383: {  	[tilespmem:v16+s20+$0x0] =	vst.idx.msk $0xffff, v15  }
0x384: {  	v15 =	vld.idx.msk [tilespmem:v17+s15+$0x0], $0xffff;
	_ =	sdelay $0x1  }
0x385: {  	v16 =	vor.u32 s28, v40  }
0x386: {  	v17 =	vor.u32 v41, v13;
	_ =	sdelay $0x1  }
0x387: {  	v15 =	vmul.f32 v15, v14;
	_ =	sdelay $0x1  }
0x388: {  	[tilespmem:v16+s20+$0x0] =	vst.idx.msk $0xffff, v15  }
0x389: {  	v15 =	vld.idx.msk [tilespmem:v17+s15+$0x0], $0xffff;
	_ =	sdelay $0x1  }
0x38a: {  	v16 =	vor.u32 s28, v42  }
0x38b: {  	v17 =	vor.u32 v43, v13;
	_ =	sdelay $0x1  }
0x38c: {  	v15 =	vmul.f32 v15, v14;
	_ =	sdelay $0x1  }
0x38d: {  	[tilespmem:v16+s20+$0x0] =	vst.idx.msk $0xffff, v15  }
0x38e: {  	v15 =	vld.idx.msk [tilespmem:v17+s15+$0x0], $0xffff;
	_ =	sdelay $0x1  }
0x38f: {  	v16 =	vor.u32 s28, v44  }
0x390: {  	v17 =	vor.u32 v47, v13;
	_ =	sdelay $0x1  }
0x391: {  	v15 =	vmul.f32 v15, v14;
	_ =	sdelay $0x1  }
0x392: {  	[tilespmem:v16+s20+$0x0] =	vst.idx.msk $0xffff, v15  }
0x393: {  	v15 =	vld.idx.msk [tilespmem:v17+s15+$0x0], $0xffff;
	_ =	sdelay $0x1  }
0x394: {  	v16 =	vor.u32 s28, v49  }
0x395: {  	v17 =	vor.u32 v51, v13;
	_ =	sdelay $0x1  }
0x396: {  	v15 =	vmul.f32 v15, v14;
	_ =	sdelay $0x1  }
0x397: {  	[tilespmem:v16+s20+$0x0] =	vst.idx.msk $0xffff, v15  }
0x398: {  	v15 =	vld.idx.msk [tilespmem:v17+s15+$0x0], $0xffff;
	_ =	sdelay $0x1  }
0x399: {  	v16 =	vor.u32 s28, v55  }
0x39a: {  	v17 =	vor.u32 v56, v13;
	_ =	sdelay $0x1  }
0x39b: {  	v15 =	vmul.f32 v15, v14;
	_ =	sdelay $0x1  }
0x39c: {  	[tilespmem:v16+s20+$0x0] =	vst.idx.msk $0xffff, v15  }
0x39d: {  	v15 =	vld.idx.msk [tilespmem:v17+s15+$0x0], $0xffff;
	_ =	sdelay $0x1  }
0x39e: {  	v16 =	vor.u32 s28, v0  }
0x39f: {  	v17 =	vor.u32 v1, v13;
	_ =	sdelay $0x1  }
0x3a0: {  	v15 =	vmul.f32 v15, v14;
	_ =	sdelay $0x1  }
0x3a1: {  	[tilespmem:v16+s20+$0x0] =	vst.idx.msk $0xffff, v15  }
0x3a2: {  	v15 =	vld.idx.msk [tilespmem:v17+s15+$0x0], $0xffff;
	_ =	sdelay $0x1  }
0x3a3: {  	v16 =	vor.u32 s28, v2  }
0x3a4: {  	v17 =	vor.u32 v3, v13;
	_ =	sdelay $0x1  }
0x3a5: {  	v15 =	vmul.f32 v15, v14;
	_ =	sdelay $0x1  }
0x3a6: {  	[tilespmem:v16+s20+$0x0] =	vst.idx.msk $0xffff, v15  }
0x3a7: {  	v15 =	vld.idx.msk [tilespmem:v17+s15+$0x0], $0xffff;
	_ =	sdelay $0x1  }
0x3a8: {  	v16 =	vor.u32 s28, v9  }
0x3a9: {  	v17 =	vor.u32 v45, v13;
	_ =	sdelay $0x1  }
0x3aa: {  	v15 =	vmul.f32 v15, v14;
	_ =	sdelay $0x1  }
0x3ab: {  	[tilespmem:v16+s20+$0x0] =	vst.idx.msk $0xffff, v15  }
0x3ac: {  	v15 =	vld.idx.msk [tilespmem:v17+s15+$0x0], $0xffff;
	_ =	sdelay $0x1  }
0x3ad: {  	v16 =	vor.u32 s28, v46  }
0x3ae: {  	v17 =	vor.u32 v48, v13;
	_ =	sdelay $0x1  }
0x3af: {  	v15 =	vmul.f32 v15, v14;
	_ =	sdelay $0x1  }
0x3b0: {  	[tilespmem:v16+s20+$0x0] =	vst.idx.msk $0xffff, v15  }
0x3b1: {  	v15 =	vld.idx.msk [tilespmem:v17+s15+$0x0], $0xffff;
	_ =	sdelay $0x1  }
0x3b2: {  	v16 =	vor.u32 s28, v50  }
0x3b3: {  	v17 =	vor.u32 v52, v13;
	_ =	sdelay $0x1  }
0x3b4: {  	v15 =	vmul.f32 v15, v14;
	_ =	sdelay $0x1  }
0x3b5: {  	[tilespmem:v16+s20+$0x0] =	vst.idx.msk $0xffff, v15  }
0x3b6: {  	v15 =	vld.idx.msk [tilespmem:v17+s15+$0x0], $0xffff;
	_ =	sdelay $0x1  }
0x3b7: {  	v16 =	vor.u32 s28, v53  }
0x3b8: {  	v17 =	vor.u32 v54, v13;
	_ =	sdelay $0x1  }
0x3b9: {  	v15 =	vmul.f32 v15, v14;
	_ =	sdelay $0x1  }
0x3ba: {  	[tilespmem:v16+s20+$0x0] =	vst.idx.msk $0xffff, v15  }
0x3bb: {  	v15 =	vld.idx.msk [tilespmem:v17+s15+$0x0], $0xffff;
	_ =	sdelay $0x1  }
0x3bc: {  	v16 =	vor.u32 s28, v57  }
0x3bd: {  	v17 =	vor.u32 v58, v13;
	_ =	sdelay $0x1  }
0x3be: {  	v15 =	vmul.f32 v15, v14;
	_ =	sdelay $0x1  }
0x3bf: {  	[tilespmem:v16+s20+$0x0] =	vst.idx.msk $0xffff, v15  }
0x3c0: {  	v15 =	vld.idx.msk [tilespmem:v17+s15+$0x0], $0xffff;
	_ =	sdelay $0x1  }
0x3c1: {  	v16 =	vor.u32 s28, v59;
	_ =	sdelay $0x2  }
0x3c2: {  	v17 =	vor.u32 v60, v13;
	v15 =	vmul.f32 v15, v14;
	_ =	sdelay $0x1  }
0x3c3: {  	[tilespmem:v16+s20+$0x0] =	vst.idx.msk $0xffff, v15;
	v16 =	vld [tilespmem:$0x1FB00];
	_ =	sdelay $0x2  }
0x3c4: {  	v15 =	vld.idx.msk [tilespmem:v17+s15+$0x0], $0xffff;
	_ =	sdelay $0x1  }
0x3c5: {  	v16 =	vor.u32 s28, v16;
	_ =	sdelay $0x2  }
0x3c6: {  	v17 =	vor.u32 v61, v13;
	v15 =	vmul.f32 v15, v14;
	_ =	sdelay $0x1  }
0x3c7: {  	[tilespmem:v16+s20+$0x0] =	vst.idx.msk $0xffff, v15;
	v16 =	vld [tilespmem:$0x1FB10];
	_ =	sdelay $0x2  }
0x3c8: {  	v15 =	vld.idx.msk [tilespmem:v17+s15+$0x0], $0xffff;
	_ =	sdelay $0x1  }
0x3c9: {  	v16 =	vor.u32 s28, v16;
	_ =	sdelay $0x1  }
0x3ca: {  	v17 =	vor.u32 v62, v13  }
0x3cb: {  	v15 =	vmul.f32 v15, v14;
	_ =	sdelay $0x1  }
0x3cc: {  	[tilespmem:v16+s20+$0x0] =	vst.idx.msk $0xffff, v15;
	v16 =	vld [tilespmem:$0x1FB20];
	_ =	sdelay $0x1  }
0x3cd: {  	v15 =	vld.idx.msk [tilespmem:v17+s15+$0x0], $0xffff  }
0x3ce: {  	v17 =	vld [tilespmem:$0x1FCB0];
	_ =	sdelay $0x1  }
0x3cf: {  	v16 =	vor.u32 s28, v16;
	_ =	sdelay $0x2  }
0x3d0: {  	v17 =	vor.u32 v17, v13;
	v15 =	vmul.f32 v15, v14;
	_ =	sdelay $0x1  }
0x3d1: {  	[tilespmem:v16+s20+$0x0] =	vst.idx.msk $0xffff, v15;
	v16 =	vld [tilespmem:$0x1FB30];
	_ =	sdelay $0x2  }
0x3d2: {  	v15 =	vld.idx.msk [tilespmem:v17+s15+$0x0], $0xffff;
	_ =	sdelay $0x1  }
0x3d3: {  	v16 =	vor.u32 s28, v16;
	_ =	sdelay $0x2  }
0x3d4: {  	v17 =	vor.u32 v63, v13;
	v15 =	vmul.f32 v15, v14;
	_ =	sdelay $0x1  }
0x3d5: {  	[tilespmem:v16+s20+$0x0] =	vst.idx.msk $0xffff, v15;
	v16 =	vld [tilespmem:$0x1FB40];
	_ =	sdelay $0x2  }
0x3d6: {  	v15 =	vld.idx.msk [tilespmem:v17+s15+$0x0], $0xffff;
	_ =	sdelay $0x1  }
0x3d7: {  	v16 =	vor.u32 s28, v16;
	_ =	sdelay $0x2  }
0x3d8: {  	v17 =	vor.u32 v4, v13;
	v15 =	vmul.f32 v15, v14;
	_ =	sdelay $0x1  }
0x3d9: {  	[tilespmem:v16+s20+$0x0] =	vst.idx.msk $0xffff, v15;
	v16 =	vld [tilespmem:$0x1FB50];
	_ =	sdelay $0x2  }
0x3da: {  	v15 =	vld.idx.msk [tilespmem:v17+s15+$0x0], $0xffff;
	_ =	sdelay $0x1  }
0x3db: {  	v16 =	vor.u32 s28, v16;
	_ =	sdelay $0x2  }
0x3dc: {  	v17 =	vor.u32 v5, v13;
	v15 =	vmul.f32 v15, v14;
	_ =	sdelay $0x1  }
0x3dd: {  	[tilespmem:v16+s20+$0x0] =	vst.idx.msk $0xffff, v15;
	v16 =	vld [tilespmem:$0x1FB60];
	_ =	sdelay $0x2  }
0x3de: {  	v15 =	vld.idx.msk [tilespmem:v17+s15+$0x0], $0xffff;
	_ =	sdelay $0x1  }
0x3df: {  	v16 =	vor.u32 s28, v16;
	_ =	sdelay $0x2  }
0x3e0: {  	v17 =	vor.u32 v6, v13;
	v15 =	vmul.f32 v15, v14;
	_ =	sdelay $0x1  }
0x3e1: {  	[tilespmem:v16+s20+$0x0] =	vst.idx.msk $0xffff, v15;
	v16 =	vld [tilespmem:$0x1FB70];
	_ =	sdelay $0x2  }
0x3e2: {  	v15 =	vld.idx.msk [tilespmem:v17+s15+$0x0], $0xffff;
	_ =	sdelay $0x1  }
0x3e3: {  	v16 =	vor.u32 s28, v16;
	_ =	sdelay $0x2  }
0x3e4: {  	v17 =	vor.u32 v7, v13;
	v15 =	vmul.f32 v15, v14;
	_ =	sdelay $0x1  }
0x3e5: {  	[tilespmem:v16+s20+$0x0] =	vst.idx.msk $0xffff, v15;
	v16 =	vld [tilespmem:$0x1FB80];
	_ =	sdelay $0x2  }
0x3e6: {  	v15 =	vld.idx.msk [tilespmem:v17+s15+$0x0], $0xffff;
	_ =	sdelay $0x1  }
0x3e7: {  	v16 =	vor.u32 s28, v16;
	_ =	sdelay $0x2  }
0x3e8: {  	v17 =	vor.u32 v10, v13;
	v15 =	vmul.f32 v15, v14;
	_ =	sdelay $0x1  }
0x3e9: {  	[tilespmem:v16+s20+$0x0] =	vst.idx.msk $0xffff, v15;
	v16 =	vld [tilespmem:$0x1FB90];
	_ =	sdelay $0x2  }
0x3ea: {  	v15 =	vld.idx.msk [tilespmem:v17+s15+$0x0], $0xffff;
	_ =	sdelay $0x1  }
0x3eb: {  	v16 =	vor.u32 s28, v16  }
0x3ec: {  	v17 =	vor.u32 v12, v13;
	_ =	sdelay $0x1  }
0x3ed: {  	v15 =	vmul.f32 v15, v14;
	_ =	sdelay $0x1  }
0x3ee: {  	[tilespmem:v16+s20+$0x0] =	vst.idx.msk $0xffff, v15;
	v16 =	vld [tilespmem:$0x1FBA0]  }
0x3ef: {  	v15 =	vld.idx.msk [tilespmem:v17+s15+$0x0], $0xffff  }
0x3f0: {  	v17 =	vld [tilespmem:$0x1FFE0];
	_ =	sdelay $0x3  }
0x3f1: {  	v16 =	vor.u32 s28, v16  }
0x3f2: {  	v17 =	vor.u32 v17, v13;
	_ =	sdelay $0x1  }
0x3f3: {  	v15 =	vmul.f32 v15, v14;
	_ =	sdelay $0x1  }
0x3f4: {  	[tilespmem:v16+s20+$0x0] =	vst.idx.msk $0xffff, v15;
	v16 =	vld [tilespmem:$0x1FBB0]  }
0x3f5: {  	v15 =	vld.idx.msk [tilespmem:v17+s15+$0x0], $0xffff  }
0x3f6: {  	v17 =	vld [tilespmem:$0x1FFF0];
	_ =	sdelay $0x3  }
0x3f7: {  	v16 =	vor.u32 s28, v16  }
0x3f8: {  	v17 =	vor.u32 v17, v13;
	_ =	sdelay $0x1  }
0x3f9: {  	v15 =	vmul.f32 v15, v14;
	_ =	sdelay $0x1  }
0x3fa: {  	[tilespmem:v16+s20+$0x0] =	vst.idx.msk $0xffff, v15;
	v16 =	vld [tilespmem:$0x1FBC0]  }
0x3fb: {  	v15 =	vld.idx.msk [tilespmem:v17+s15+$0x0], $0xffff  }
0x3fc: {  	v17 =	vld [tilespmem:$0x1FFC0];
	_ =	sdelay $0x2  }
0x3fd: {  	v16 =	vor.u32 s28, v16;
	_ =	sdelay $0x1  }
0x3fe: {  	v17 =	vor.u32 v17, v13  }
0x3ff: {  	v15 =	vmul.f32 v15, v14;
	_ =	sdelay $0x1  }
0x400: {  	[tilespmem:v16+s20+$0x0] =	vst.idx.msk $0xffff, v15;
	v16 =	vld [tilespmem:$0x1FBD0];
	_ =	sdelay $0x1  }
0x401: {  	v15 =	vld.idx.msk [tilespmem:v17+s15+$0x0], $0xffff  }
0x402: {  	v17 =	vld [tilespmem:$0x1FFD0];
	_ =	sdelay $0x1  }
0x403: {  	v16 =	vor.u32 s28, v16;
	_ =	sdelay $0x2  }
0x404: {  	v13 =	vor.u32 v17, v13;
	v15 =	vmul.f32 v15, v14;
	_ =	sdelay $0x1  }
0x405: {  	[tilespmem:v16+s20+$0x0] =	vst.idx.msk $0xffff, v15;
	v15 =	vld [tilespmem:$0x1FBE0];
	_ =	sdelay $0x2  }
0x406: {  	v13 =	vld.idx.msk [tilespmem:v13+s15+$0x0], $0xffff;
	_ =	sdelay $0x1  }
0x407: {  	p0 =	sne.s32 s28, $0x70;
	v15 =	vor.u32 s28, v15  }
.Ltmp4:
0x408: {  	_ = 	snop;
	(pc) =	sbr.rel @p0 .LBB2_9-.Ltmp4, $3  }
0x409: {  	_ = 	snop  }
0x40a: {  	v13 =	vmul.f32 v13, v14;
	_ =	sdelay $0x1  }
0x40b: {  	s29 =	sadd.s32 $0x10, s29;
	s28 =	sadd.s32 $0x10, s28;
	[tilespmem:v15+s20+$0x0] =	vst.idx.msk $0xffff, v13  }
0x40c: {  	s25 =	sadd.s32 $0x1, s25  }
0x40d: {  	p0 =	sne.s32 s25, $0x64  }
.Ltmp5:
0x40e: {  	s26 =	sshll.u32 s26, $0x12;
	(pc) =	sbr.rel @p0 .LBB2_2-.Ltmp5, $4  }
0x40f: {  	s26 =	sor.u32 s5, s26  }
0x410: {  	s26 =	sshrl.u32 s26, $0x3  }
0x411: {  	s24 =	sadd.s32 $0x100, s24;
	s23 =	sadd.s32 $0x100, s23;
	s26 =	sadd.s32 s2, s26  }
0x412: {  	v15 =	vmov v18;
	v16 =	vmov v19;
	v17 =	vmov v20;
	[hbm4b:s26+s8] =	stream.strided.scatter [tilespmem:s20], [sflag:$0x4], $0x2000, s9, s8, $0x38;
	[tilespmem:$0x12500] =	vst v63  }
0x413: {  	s22 =	sadd.s32 $0x1, s22  }
0x414: {  	_ =	swait.ge [sflag:s21], $0x2000;
	p0 =	sne.s32 s22, s7  }
.Ltmp6:
0x415: {  	[sflag:s21] =	ssyncset.done $0x0;
	(pc) =	sbr.rel @p0 .LBB2_1-.Ltmp6, $4  }
0x416: {  	[sflag:s21] =	ssyncadd.s32 $0xFFFFE000  }
0x417: {  	_ =	swait.ge [sflag:s19], $0x2000  }
0x418: {  	[sflag:s19] =	ssyncset.done $0x0  }
0x419: {  	[sflag:s19] =	ssyncadd.s32 $0xFFFFE000  }
0x41a: {  	_ =	sfence.sel $0x180000  }
0x41b: {  	[bflag:$0x0] =	sbarrier.arrive $0xFFFF  }
0x41c: {  	p0 =	sne.s32 s3, $0x0;
	_ =	strace $0x90000047  }
0x41d: {  	s0 =	sadd.s32 @!p0 $0x100000, s1;
	[bflag:$0x2] =	sbarrier.arrive $0xFFFF  }
0x41e: {  	[sflag:s0] =	ssyncadd.tile.s32 @!p0 $0x1;
	_ =	shalt  }
.Lfunc_end2:
_tile_overlayer_lowered:
.L_overlay_start_2:
0x41f: {  	(tag) =	ssettag $0x2  }
0x420: {  	s0 =	rddreg [dreg:$0x0];
	s2 =	stileid.u32  }
0x421: {  	s1 =	rddreg [dreg:$0x1];
	p0 =	sne.s32 s2, $0x0  }
0x422: {  	s3 =	rddreg [dreg:$0x2];
	[bflag:$0x3] =	sbarrier.arrive $0xFFFF;
	s2 =	simm.s32 @!p0 $0x1C05  }
0x423: {  	[timem:s3], [sflag:s2] =	dma.local @!p0 [hbm:s0], s1  }
0x424: {  	s0 =	simm.s32 @!p0 $0x5  }
0x425: {  	_ =	swait.ge @!p0 [sflag:s0], s1  }
0x426: {  	s1 =	ssub.s32 @!p0 $0x0, s1;
	[sflag:s0] =	ssyncset.done @!p0 $0x0  }
0x427: {  	[sflag:s0] =	ssyncadd.s32 @!p0 s1  }
0x428: {  	[bflag:$0x3] =	sbarrier.arrive $0xFFFF  }
0x429: {  	_ =	shalt  }

</sc_bundles>
